<compile_context>
chip_gen: v7x
topology: tpu7x:2x2x1
jax: 0.10.2.dev20260603
libtpu: 0.0.44.dev20260713+nightly
codegen_flags: <defaults>
</compile_context>

<pallas_src>
import functools

import jax
import jax.numpy as jnp
from jax import lax
from jax.experimental import pallas as pl
from jax.experimental.pallas import tpu as pltpu
from jax.experimental.pallas import tpu_sc as plsc

N = 10000
E = 320000
D = 128
G = 64

NC = 2
NS = 16
NW = NC * NS
CHUNK = 128
EPW = E // NW
FULL = EPW // CHUNK
TAIL = EPW - FULL * CHUNK
COPY_TILES = 10
ROWS_PER_TILE = N // COPY_TILES
ZROWS = 40
DEG_PAD = 10240


def _sc_degree(dst):
    mesh = plsc.VectorSubcoreMesh(
        core_axis_name="c", subcore_axis_name="s", num_cores=NC, num_subcores=NS
    )

    @functools.partial(
        pl.kernel,
        out_type=jax.ShapeDtypeStruct((NC, DEG_PAD), jnp.float32),
        mesh=mesh,
        scratch_types=[
            pltpu.VMEM((CHUNK,), jnp.int32),
            pltpu.VMEM((CHUNK,), jnp.int32),
            pltpu.VMEM((CHUNK,), jnp.int32),
            pltpu.VMEM((TAIL,), jnp.int32),
            pltpu.VMEM((CHUNK,), jnp.float32),
            pltpu.VMEM((640,), jnp.float32),
            pltpu.VMEM_SHARED((DEG_PAD,), jnp.float32),
            pltpu.SemaphoreType.DMA,
            pltpu.SemaphoreType.DMA,
            pltpu.SemaphoreType.DMA,
            pltpu.SemaphoreType.DMA,
            pltpu.SemaphoreType.DMA,
            pltpu.SemaphoreType.DMA,
        ],
    )
    def deg_kernel(dst_hbm, out_hbm, didx0, didx1, didx2, didxt, ones, zbuf,
                   acc, si0, si1, si2, ss0, ss1, ss2):
        cid = lax.axis_index("c")
        sid = lax.axis_index("s")
        wid = sid * NC + cid
        base = wid * EPW
        dbuf = (didx0, didx1, didx2)
        isems = (si0, si1, si2)
        ssems = (ss0, ss1, ss2)

        def load_idx(i, p):
            pltpu.async_copy(
                dst_hbm.at[pl.ds(base + i * CHUNK, CHUNK)], dbuf[p], isems[p]
            )

        def wait_idx(p):
            pltpu.make_async_copy(
                dst_hbm.at[pl.ds(base, CHUNK)], dbuf[p], isems[p]
            ).wait()

        def wait_scatter(p):
            pltpu.make_async_copy(ones, acc.at[dbuf[p]], ssems[p]).wait()

        load_idx(0, 0)
        load_idx(1, 1)

        def fill_z(i, _):
            zbuf[pl.ds(i * 16, 16)] = jnp.zeros((16,), jnp.float32)
            return ()

        lax.fori_loop(0, 640 // 16, fill_z, ())
        for j in range(CHUNK // 16):
            ones[pl.ds(j * 16, 16)] = jnp.full((16,), 1.0, jnp.float32)
        pltpu.sync_copy(zbuf, acc.at[pl.ds(sid * 640, 640)])
        plsc.subcore_barrier()

        def step(i, p, wait_prev, prefetch):
            r = (p + 2) % 3
            if wait_prev:
                wait_scatter(r)
            if prefetch:
                load_idx(i + 2, r)
            wait_idx(p)
            pltpu.async_copy(ones, acc.at[dbuf[p]], ssems[p], add=True)

        def body(i3, _):
            step(3 * i3, 0, True, True)
            step(3 * i3 + 1, 1, True, True)
            step(3 * i3 + 2, 2, True, True)
            return ()

        step(0, 0, False, True)
        step(1, 1, True, True)
        step(2, 2, True, True)
        lax.fori_loop(1, FULL // 3 - 1, body, ())
        step(FULL - 3, 0, True, True)
        step(FULL - 2, 1, True, False)
        step(FULL - 1, 2, True, False)
        wait_scatter(2)
        pltpu.sync_copy(dst_hbm.at[pl.ds(base + FULL * CHUNK, TAIL)], didxt)
        pltpu.sync_copy(ones.at[pl.ds(0, TAIL)], acc.at[didxt], add=True)

        plsc.subcore_barrier()
        pltpu.sync_copy(
            acc.at[pl.ds(sid * 640, 640)], out_hbm.at[cid, pl.ds(sid * 640, 640)]
        )

    return deg_kernel(dst)


def _sc_spmm(h, src, dst, zrows):
    mesh = plsc.VectorSubcoreMesh(
        core_axis_name="c", subcore_axis_name="s", num_cores=NC, num_subcores=NS
    )

    @functools.partial(
        pl.kernel,
        out_type=jax.ShapeDtypeStruct((NC, N, D), jnp.float32),
        mesh=mesh,
        scratch_types=[
            pltpu.VMEM((CHUNK,), jnp.int32),
            pltpu.VMEM((CHUNK,), jnp.int32),
            pltpu.VMEM((CHUNK,), jnp.int32),
            pltpu.VMEM((CHUNK,), jnp.int32),
            pltpu.VMEM((CHUNK,), jnp.int32),
            pltpu.VMEM((CHUNK,), jnp.int32),
            pltpu.VMEM((TAIL,), jnp.int32),
            pltpu.VMEM((TAIL,), jnp.int32),
            pltpu.VMEM((CHUNK, D), jnp.float32),
            pltpu.VMEM((CHUNK, D), jnp.float32),
            pltpu.VMEM((CHUNK, D), jnp.float32),
            pltpu.VMEM_SHARED((N, D), jnp.float32),
            pltpu.SemaphoreType.DMA,
            pltpu.SemaphoreType.DMA,
            pltpu.SemaphoreType.DMA,
            pltpu.SemaphoreType.DMA,
            pltpu.SemaphoreType.DMA,
            pltpu.SemaphoreType.DMA,
            pltpu.SemaphoreType.DMA,
            pltpu.SemaphoreType.DMA,
            pltpu.SemaphoreType.DMA,
        ],
    )
    def spmm_kernel(h_hbm, src_hbm, dst_hbm, z_hbm, out_hbm, sidx0, sidx1,
                    sidx2, didx0, didx1, didx2, sidxt, didxt, rows0, rows1,
                    rows2, acc, sg0, sg1, sg2, si0, si1, si2, ss0, ss1, ss2):
        cid = lax.axis_index("c")
        sid = lax.axis_index("s")
        wid = sid * NC + cid
        base = wid * EPW
        sbuf = (sidx0, sidx1, sidx2)
        dbuf = (didx0, didx1, didx2)
        rbuf = (rows0, rows1, rows2)
        isems = (si0, si1, si2)
        gsems = (sg0, sg1, sg2)
        ssems = (ss0, ss1, ss2)

        def load_idx(i, p):
            off = base + i * CHUNK
            pltpu.async_copy(src_hbm.at[pl.ds(off, CHUNK)], sbuf[p], isems[p])
            pltpu.async_copy(dst_hbm.at[pl.ds(off, CHUNK)], dbuf[p], isems[p])

        def wait_idx(p):
            pltpu.make_async_copy(
                src_hbm.at[pl.ds(base, CHUNK)], sbuf[p], isems[p]
            ).wait()
            pltpu.make_async_copy(
                dst_hbm.at[pl.ds(base, CHUNK)], dbuf[p], isems[p]
            ).wait()

        def start_gather(p):
            pltpu.async_copy(h_hbm.at[sbuf[p]], rbuf[p], gsems[p])

        def wait_gather(p):
            pltpu.make_async_copy(
                h_hbm.at[pl.ds(0, CHUNK), :], rbuf[p], gsems[p]
            ).wait()

        def wait_scatter(p):
            pltpu.make_async_copy(rbuf[p], acc.at[dbuf[p]], ssems[p]).wait()

        load_idx(0, 0)
        load_idx(1, 1)

        @pl.when(sid < COPY_TILES)
        def _zero():
            pltpu.sync_copy(z_hbm, acc.at[pl.ds(sid * ROWS_PER_TILE, ROWS_PER_TILE), :])

        wait_idx(0)
        start_gather(0)
        plsc.subcore_barrier()

        def step(i, p, wait_prev, prefetch_idx, launch):
            q = (p + 1) % 3
            r = (p + 2) % 3
            if launch:
                wait_idx(q)
                start_gather(q)
            if wait_prev:
                wait_scatter(r)
            if prefetch_idx:
                load_idx(i + 2, r)
            wait_gather(p)
            pltpu.async_copy(rbuf[p], acc.at[dbuf[p]], ssems[p], add=True)

        def body(i3, _):
            step(3 * i3, 0, True, True, True)
            step(3 * i3 + 1, 1, True, True, True)
            step(3 * i3 + 2, 2, True, True, True)
            return ()

        step(0, 0, False, True, True)
        step(1, 1, True, True, True)
        step(2, 2, True, True, True)
        lax.fori_loop(1, FULL // 3 - 1, body, ())
        step(FULL - 3, 0, True, True, True)
        step(FULL - 2, 1, True, False, True)
        step(FULL - 1, 2, True, False, False)
        wait_scatter(2)
        pltpu.sync_copy(src_hbm.at[pl.ds(base + FULL * CHUNK, TAIL)], sidxt)
        pltpu.sync_copy(dst_hbm.at[pl.ds(base + FULL * CHUNK, TAIL)], didxt)
        pltpu.async_copy(h_hbm.at[sidxt], rows0.at[pl.ds(0, TAIL), :], sg0).wait()
        pltpu.sync_copy(rows0.at[pl.ds(0, TAIL), :], acc.at[didxt], add=True)
        plsc.subcore_barrier()

        @pl.when(sid < COPY_TILES)
        def _copy_out():
            pltpu.sync_copy(
                acc.at[pl.ds(sid * ROWS_PER_TILE, ROWS_PER_TILE), :],
                out_hbm.at[cid, pl.ds(sid * ROWS_PER_TILE, ROWS_PER_TILE), :],
            )

    return spmm_kernel(h, src, dst, zrows)


def _tc_pre_kernel(x_ref, w_ref, da_ref, db_ref, h_ref, dis_ref):
    dis = lax.rsqrt(da_ref[...] + db_ref[...] + 1.0)
    dis_ref[...] = dis
    h_ref[...] = (
        jnp.dot(x_ref[...], w_ref[...], preferred_element_type=jnp.float32) * dis
    )


def _tc_mid_kernel(agg_ref, hp_ref, dis_ref, b_ref, w_ref, out_ref):
    dis = dis_ref[...]
    s = jnp.maximum(dis * (agg_ref[0] + agg_ref[1] + hp_ref[...]) + b_ref[...], 0.0)
    out_ref[...] = (
        jnp.dot(s, w_ref[...], preferred_element_type=jnp.float32) * dis
    )


def _tc_fin_kernel(agg_ref, hp_ref, dis_ref, b_ref, batch_ref, wfc_ref,
                   bfc_ref, out_ref):
    dis = dis_ref[...]
    s = jnp.maximum(dis * (agg_ref[0] + agg_ref[1] + hp_ref[...]) + b_ref[...], 0.0)
    gids = lax.broadcasted_iota(jnp.int32, (G, N), 0)
    onehot = jnp.where(gids == batch_ref[...], 1.0, 0.0)
    sums = jnp.dot(onehot, s, preferred_element_type=jnp.float32)
    counts = jnp.sum(onehot, axis=1, keepdims=True)
    pooled = sums / jnp.maximum(counts, 1.0)
    logits = jnp.dot(pooled, wfc_ref[...], preferred_element_type=jnp.float32)
    out_ref[...] = jax.nn.sigmoid(logits + bfc_ref[...])


def kernel(x, edge_index, batch, W1, b1, W2, b2, Wfc, bfc):
    src = edge_index[0]
    dst = edge_index[1]

    degp = _sc_degree(dst)
    dega = degp[0, :N].reshape(N, 1)
    degb = degp[1, :N].reshape(N, 1)

    h1p, dis = pl.pallas_call(
        _tc_pre_kernel,
        out_shape=(
            jax.ShapeDtypeStruct((N, D), jnp.float32),
            jax.ShapeDtypeStruct((N, 1), jnp.float32),
        ),
    )(x, W1, dega, degb)

    zrows = jnp.zeros((ROWS_PER_TILE, D), jnp.float32)
    agg1 = _sc_spmm(h1p, src, dst, zrows)

    h2p = pl.pallas_call(
        _tc_mid_kernel,
        out_shape=jax.ShapeDtypeStruct((N, D), jnp.float32),
    )(agg1, h1p, dis, b1.reshape(1, D), W2)

    agg2 = _sc_spmm(h2p, src, dst, zrows)

    out = pl.pallas_call(
        _tc_fin_kernel,
        out_shape=jax.ShapeDtypeStruct((G, 1), jnp.float32),
    )(agg2, h2p, dis, b2.reshape(1, D), batch.reshape(1, N),
      Wfc, bfc.reshape(1, 1))
    return out

# --- scband reference (transcript-rebuilt; emitter-appended) ---
"""Pipeline reference for scband-gcn-8177617732163 (READ-ONLY COPY).

The authoritative reference and input builder live on the scoring server;
editing this copy changes nothing except your own understanding.
"""

import jax, jax.numpy as jnp
import numpy as np

N = 10000
E = 320000
D_IN = 128
D_HID = 128
D_OUT = 1
G = 64


def setup_inputs(seed: int = 0) -> dict:
    key = jax.random.key(seed)
    ks = jax.random.split(key, 10)
    x = jax.random.normal(ks[0], (N, D_IN), dtype=jnp.float32)
    edge_index = jax.random.randint(ks[1], (2, E), 0, N, dtype=jnp.int32)
    batch = jnp.sort(jax.random.randint(ks[2], (N,), 0, G, dtype=jnp.int32))
    s1 = 1.0 / np.sqrt(D_IN)
    s2 = 1.0 / np.sqrt(D_HID)
    W1 = jax.random.uniform(ks[3], (D_IN, D_HID), jnp.float32, -s1, s1)
    b1 = jax.random.uniform(ks[4], (D_HID,), jnp.float32, -s1, s1)
    W2 = jax.random.uniform(ks[5], (D_HID, D_HID), jnp.float32, -s2, s2)
    b2 = jax.random.uniform(ks[6], (D_HID,), jnp.float32, -s2, s2)
    Wfc = jax.random.uniform(ks[7], (D_HID, D_OUT), jnp.float32, -s2, s2)
    bfc = jax.random.uniform(ks[8], (D_OUT,), jnp.float32, -s2, s2)
    return {"x": x, "edge_index": edge_index, "batch": batch,
            "W1": W1, "b1": b1, "W2": W2, "b2": b2, "Wfc": Wfc, "bfc": bfc}


def _gcn_conv(x, src, dst, W, b):
    n = x.shape[0]
    deg = jnp.zeros((n,), dtype=jnp.float32).at[dst].add(1.0)
    dis = jnp.where(deg > 0, 1.0 / jnp.sqrt(jnp.maximum(deg, 1.0)), 0.0)
    norm = dis[src] * dis[dst]
    h = x @ W
    msg = h[src] * norm[:, None]
    out = jnp.zeros((n, W.shape[1]), dtype=jnp.float32).at[dst].add(msg)
    return out + b


def reference(x, edge_index, batch, W1, b1, W2, b2, Wfc, bfc):
    loops = jnp.arange(N, dtype=edge_index.dtype)
    src = jnp.concatenate([edge_index[0], loops])
    dst = jnp.concatenate([edge_index[1], loops])
    h = jax.nn.relu(_gcn_conv(x, src, dst, W1, b1))
    h = jax.nn.relu(_gcn_conv(h, src, dst, W2, b2))
    sums = jax.ops.segment_sum(h, batch, num_segments=G)
    counts = jax.ops.segment_sum(jnp.ones((N,), dtype=jnp.float32), batch, num_segments=G)
    pooled = sums / jnp.maximum(counts, 1.0)[:, None]
    return jax.nn.sigmoid(pooled @ Wfc + bfc)

if __name__ == "__main__":
    import jax
    _d = setup_inputs()
    print(jax.jit(kernel)(*tuple(_d.values())))

</pallas_src>

<mosaic_0001>
#map = affine_map<(d0, d1) -> (0, 0)>
#map1 = affine_map<(d0, d1) -> (0)>
#map2 = affine_map<(d0, d1) -> (0, 0, 0)>
module attributes {stable_mosaic.version = 14 : i64} {
  func.func @spmm_kernel(%arg0: i32, %arg1: i32, %arg2: memref<10000x128xf32, #tpu.memory_space<hbm>>, %arg3: memref<320000xi32, #tpu.memory_space<hbm>>, %arg4: memref<320000xi32, #tpu.memory_space<hbm>>, %arg5: memref<1000x128xf32, #tpu.memory_space<hbm>>, %arg6: memref<2x10000x128xf32, #tpu.memory_space<hbm>>, %arg7: memref<128xi32, #tpu.memory_space<vmem>>, %arg8: memref<128xi32, #tpu.memory_space<vmem>>, %arg9: memref<128xi32, #tpu.memory_space<vmem>>, %arg10: memref<128xi32, #tpu.memory_space<vmem>>, %arg11: memref<128xi32, #tpu.memory_space<vmem>>, %arg12: memref<128xi32, #tpu.memory_space<vmem>>, %arg13: memref<16xi32, #tpu.memory_space<vmem>>, %arg14: memref<16xi32, #tpu.memory_space<vmem>>, %arg15: memref<128x128xf32, #tpu.memory_space<vmem>>, %arg16: memref<128x128xf32, #tpu.memory_space<vmem>>, %arg17: memref<128x128xf32, #tpu.memory_space<vmem>>, %arg18: memref<10000x128xf32, #tpu.memory_space<vmem_shared>>, %arg19: memref<!tpu.dma_semaphore, #tpu.memory_space<semaphore_mem>>, %arg20: memref<!tpu.dma_semaphore, #tpu.memory_space<semaphore_mem>>, %arg21: memref<!tpu.dma_semaphore, #tpu.memory_space<semaphore_mem>>, %arg22: memref<!tpu.dma_semaphore, #tpu.memory_space<semaphore_mem>>, %arg23: memref<!tpu.dma_semaphore, #tpu.memory_space<semaphore_mem>>, %arg24: memref<!tpu.dma_semaphore, #tpu.memory_space<semaphore_mem>>, %arg25: memref<!tpu.dma_semaphore, #tpu.memory_space<semaphore_mem>>, %arg26: memref<!tpu.dma_semaphore, #tpu.memory_space<semaphore_mem>>, %arg27: memref<!tpu.dma_semaphore, #tpu.memory_space<semaphore_mem>>) attributes {dimension_semantics = [#tpu.dimension_semantics<core_parallel>, #tpu.dimension_semantics<subcore_parallel>], iteration_bounds = array<i64: 2, 16>, scalar_prefetch = 0 : i64, scratch_operands = 21 : i64, tpu.core_type = #tpu.core_type<sc_vector_subcore>, window_params = [{transform_indices = #map}, {transform_indices = #map1}, {transform_indices = #map1}, {transform_indices = #map}, {transform_indices = #map2}]} {
    %mul3A = arith.constant 2 : i32
    %mul3A_0 = arith.muli %arg1, %mul3A : i32
    %add3A = arith.addi %mul3A_0, %arg0 : i32
    %mul3A_1 = arith.constant 10000 : i32
    %mul3A_2 = arith.muli %add3A, %mul3A_1 : i32
    %add3A_3 = arith.constant 0 : i32
    %add3A_4 = arith.addi %mul3A_2, %add3A_3 : i32
    %dma_start3A = tpu.memref_slice %arg3[%add3A_4] : memref<320000xi32, #tpu.memory_space<hbm>> -> memref<128xi32, #tpu.memory_space<hbm>>
    %dma_start3A_5 = tpu.memref_slice %arg3[%add3A_4] : memref<320000xi32, #tpu.memory_space<hbm>> -> memref<128xi32, #tpu.memory_space<hbm>>
    tpu.enqueue_dma source(%dma_start3A_5 : memref<128xi32, #tpu.memory_space<hbm>>) target(%arg7 : memref<128xi32, #tpu.memory_space<vmem>>) target_semaphore(%arg22 : memref<!tpu.dma_semaphore, #tpu.memory_space<semaphore_mem>>)
    %dma_start3A_6 = tpu.memref_slice %arg4[%add3A_4] : memref<320000xi32, #tpu.memory_space<hbm>> -> memref<128xi32, #tpu.memory_space<hbm>>
    %dma_start3A_7 = tpu.memref_slice %arg4[%add3A_4] : memref<320000xi32, #tpu.memory_space<hbm>> -> memref<128xi32, #tpu.memory_space<hbm>>
    tpu.enqueue_dma source(%dma_start3A_7 : memref<128xi32, #tpu.memory_space<hbm>>) target(%arg10 : memref<128xi32, #tpu.memory_space<vmem>>) target_semaphore(%arg22 : memref<!tpu.dma_semaphore, #tpu.memory_space<semaphore_mem>>)
    %add3A_8 = arith.constant 128 : i32
    %add3A_9 = arith.addi %mul3A_2, %add3A_8 : i32
    %dma_start3A_10 = tpu.memref_slice %arg3[%add3A_9] : memref<320000xi32, #tpu.memory_space<hbm>> -> memref<128xi32, #tpu.memory_space<hbm>>
    %dma_start3A_11 = tpu.memref_slice %arg3[%add3A_9] : memref<320000xi32, #tpu.memory_space<hbm>> -> memref<128xi32, #tpu.memory_space<hbm>>
    tpu.enqueue_dma source(%dma_start3A_11 : memref<128xi32, #tpu.memory_space<hbm>>) target(%arg8 : memref<128xi32, #tpu.memory_space<vmem>>) target_semaphore(%arg23 : memref<!tpu.dma_semaphore, #tpu.memory_space<semaphore_mem>>)
    %dma_start3A_12 = tpu.memref_slice %arg4[%add3A_9] : memref<320000xi32, #tpu.memory_space<hbm>> -> memref<128xi32, #tpu.memory_space<hbm>>
    %dma_start3A_13 = tpu.memref_slice %arg4[%add3A_9] : memref<320000xi32, #tpu.memory_space<hbm>> -> memref<128xi32, #tpu.memory_space<hbm>>
    tpu.enqueue_dma source(%dma_start3A_13 : memref<128xi32, #tpu.memory_space<hbm>>) target(%arg11 : memref<128xi32, #tpu.memory_space<vmem>>) target_semaphore(%arg23 : memref<!tpu.dma_semaphore, #tpu.memory_space<semaphore_mem>>)
    %lt3A = arith.constant 10 : i32
    %lt3A_14 = arith.cmpi slt, %arg1, %lt3A : i32
    %convert_element_type3A = arith.extui %lt3A_14 : i1 to i32
    %cond3A = arith.constant 0 : i32
    %cond3A_15 = arith.cmpi ne, %convert_element_type3A, %cond3A : i32
    scf.if %cond3A_15 {
      %mul3A_179 = arith.constant 1000 : i32
      %mul3A_180 = arith.muli %arg1, %mul3A_179 : i32
      "tpu.region"() ({
        %run_scoped3A = tpu.sem_alloc : memref<!tpu.dma_semaphore, #tpu.memory_space<semaphore_mem>>
        %dma_start3A_181 = arith.constant 0 : i32
        %dma_start3A_182 = tpu.memref_slice %arg18[%mul3A_180, %dma_start3A_181] : memref<10000x128xf32, #tpu.memory_space<vmem_shared>> -> memref<1000x128xf32, #tpu.memory_space<vmem_shared>>
        tpu.enqueue_dma source(%arg5 : memref<1000x128xf32, #tpu.memory_space<hbm>>) target(%dma_start3A_182 : memref<1000x128xf32, #tpu.memory_space<vmem_shared>>) target_semaphore(%run_scoped3A : memref<!tpu.dma_semaphore, #tpu.memory_space<semaphore_mem>>)
        %dma_wait3A_183 = arith.constant 0 : i32
        %dma_wait3A_184 = tpu.memref_slice %arg18[%mul3A_180, %dma_wait3A_183] : memref<10000x128xf32, #tpu.memory_space<vmem_shared>> -> memref<1000x128xf32, #tpu.memory_space<vmem_shared>>
        tpu.wait_dma2 semaphore(%run_scoped3A : memref<!tpu.dma_semaphore, #tpu.memory_space<semaphore_mem>>) src(%arg5 : memref<1000x128xf32, #tpu.memory_space<hbm>>) dst(%dma_wait3A_184 : memref<1000x128xf32, #tpu.memory_space<vmem_shared>>)
        tpu.yield
      }) : () -> ()
    } else {
    }
    %dma_wait3A = tpu.memref_slice %arg3[%mul3A_2] : memref<320000xi32, #tpu.memory_space<hbm>> -> memref<128xi32, #tpu.memory_space<hbm>>
    %dma_wait3A_16 = tpu.memref_slice %arg3[%mul3A_2] : memref<320000xi32, #tpu.memory_space<hbm>> -> memref<128xi32, #tpu.memory_space<hbm>>
    tpu.wait_dma2 semaphore(%arg22 : memref<!tpu.dma_semaphore, #tpu.memory_space<semaphore_mem>>) src(%dma_wait3A_16 : memref<128xi32, #tpu.memory_space<hbm>>) dst(%arg7 : memref<128xi32, #tpu.memory_space<vmem>>)
    %dma_wait3A_17 = tpu.memref_slice %arg4[%mul3A_2] : memref<320000xi32, #tpu.memory_space<hbm>> -> memref<128xi32, #tpu.memory_space<hbm>>
    %dma_wait3A_18 = tpu.memref_slice %arg4[%mul3A_2] : memref<320000xi32, #tpu.memory_space<hbm>> -> memref<128xi32, #tpu.memory_space<hbm>>
    tpu.wait_dma2 semaphore(%arg22 : memref<!tpu.dma_semaphore, #tpu.memory_space<semaphore_mem>>) src(%dma_wait3A_18 : memref<128xi32, #tpu.memory_space<hbm>>) dst(%arg10 : memref<128xi32, #tpu.memory_space<vmem>>)
    %dma_start3A_19 = arith.constant 0 : i32
    %dma_start3A_20 = arith.constant 0 : i32
    %dma_start3A_21 = tpu.memref_slice %arg2[%dma_start3A_19, %dma_start3A_20] : memref<10000x128xf32, #tpu.memory_space<hbm>> -> memref<10000x128xf32, #tpu.memory_space<hbm>>
    tpu.enqueue_indirect_dma source(%dma_start3A_21 : memref<10000x128xf32, #tpu.memory_space<hbm>>) target(%arg15 : memref<128x128xf32, #tpu.memory_space<vmem>>) offsets(%arg7 : memref<128xi32, #tpu.memory_space<vmem>>) semaphore(%arg19 : memref<!tpu.dma_semaphore, #tpu.memory_space<semaphore_mem>>)
    %barrier3A = arith.constant 0 : index
    tpu.barrier barrier_id(%barrier3A)
    %dma_wait3A_22 = tpu.memref_slice %arg3[%mul3A_2] : memref<320000xi32, #tpu.memory_space<hbm>> -> memref<128xi32, #tpu.memory_space<hbm>>
    %dma_wait3A_23 = tpu.memref_slice %arg3[%mul3A_2] : memref<320000xi32, #tpu.memory_space<hbm>> -> memref<128xi32, #tpu.memory_space<hbm>>
    tpu.wait_dma2 semaphore(%arg23 : memref<!tpu.dma_semaphore, #tpu.memory_space<semaphore_mem>>) src(%dma_wait3A_23 : memref<128xi32, #tpu.memory_space<hbm>>) dst(%arg8 : memref<128xi32, #tpu.memory_space<vmem>>)
    %dma_wait3A_24 = tpu.memref_slice %arg4[%mul3A_2] : memref<320000xi32, #tpu.memory_space<hbm>> -> memref<128xi32, #tpu.memory_space<hbm>>
    %dma_wait3A_25 = tpu.memref_slice %arg4[%mul3A_2] : memref<320000xi32, #tpu.memory_space<hbm>> -> memref<128xi32, #tpu.memory_space<hbm>>
    tpu.wait_dma2 semaphore(%arg23 : memref<!tpu.dma_semaphore, #tpu.memory_space<semaphore_mem>>) src(%dma_wait3A_25 : memref<128xi32, #tpu.memory_space<hbm>>) dst(%arg11 : memref<128xi32, #tpu.memory_space<vmem>>)
    %dma_start3A_26 = arith.constant 0 : i32
    %dma_start3A_27 = arith.constant 0 : i32
    %dma_start3A_28 = tpu.memref_slice %arg2[%dma_start3A_26, %dma_start3A_27] : memref<10000x128xf32, #tpu.memory_space<hbm>> -> memref<10000x128xf32, #tpu.memory_space<hbm>>
    tpu.enqueue_indirect_dma source(%dma_start3A_28 : memref<10000x128xf32, #tpu.memory_space<hbm>>) target(%arg16 : memref<128x128xf32, #tpu.memory_space<vmem>>) offsets(%arg8 : memref<128xi32, #tpu.memory_space<vmem>>) semaphore(%arg20 : memref<!tpu.dma_semaphore, #tpu.memory_space<semaphore_mem>>)
    %add3A_29 = arith.constant 256 : i32
    %add3A_30 = arith.addi %mul3A_2, %add3A_29 : i32
    %dma_start3A_31 = tpu.memref_slice %arg3[%add3A_30] : memref<320000xi32, #tpu.memory_space<hbm>> -> memref<128xi32, #tpu.memory_space<hbm>>
    %dma_start3A_32 = tpu.memref_slice %arg3[%add3A_30] : memref<320000xi32, #tpu.memory_space<hbm>> -> memref<128xi32, #tpu.memory_space<hbm>>
    tpu.enqueue_dma source(%dma_start3A_32 : memref<128xi32, #tpu.memory_space<hbm>>) target(%arg9 : memref<128xi32, #tpu.memory_space<vmem>>) target_semaphore(%arg24 : memref<!tpu.dma_semaphore, #tpu.memory_space<semaphore_mem>>)
    %dma_start3A_33 = tpu.memref_slice %arg4[%add3A_30] : memref<320000xi32, #tpu.memory_space<hbm>> -> memref<128xi32, #tpu.memory_space<hbm>>
    %dma_start3A_34 = tpu.memref_slice %arg4[%add3A_30] : memref<320000xi32, #tpu.memory_space<hbm>> -> memref<128xi32, #tpu.memory_space<hbm>>
    tpu.enqueue_dma source(%dma_start3A_34 : memref<128xi32, #tpu.memory_space<hbm>>) target(%arg12 : memref<128xi32, #tpu.memory_space<vmem>>) target_semaphore(%arg24 : memref<!tpu.dma_semaphore, #tpu.memory_space<semaphore_mem>>)
    %dma_wait3A_35 = arith.constant 0 : i32
    %dma_wait3A_36 = arith.constant 0 : i32
    %dma_wait3A_37 = tpu.memref_slice %arg2[%dma_wait3A_35, %dma_wait3A_36] : memref<10000x128xf32, #tpu.memory_space<hbm>> -> memref<128x128xf32, #tpu.memory_space<hbm>>
    %dma_wait3A_38 = arith.constant 0 : i32
    %dma_wait3A_39 = arith.constant 0 : i32
    %dma_wait3A_40 = tpu.memref_slice %arg2[%dma_wait3A_38, %dma_wait3A_39] : memref<10000x128xf32, #tpu.memory_space<hbm>> -> memref<128x128xf32, #tpu.memory_space<hbm>>
    tpu.wait_dma2 semaphore(%arg19 : memref<!tpu.dma_semaphore, #tpu.memory_space<semaphore_mem>>) src(%dma_wait3A_40 : memref<128x128xf32, #tpu.memory_space<hbm>>) dst(%arg15 : memref<128x128xf32, #tpu.memory_space<vmem>>)
    %dma_start3A_41 = arith.constant 0 : i32
    %dma_start3A_42 = arith.constant 0 : i32
    %dma_start3A_43 = tpu.memref_slice %arg18[%dma_start3A_41, %dma_start3A_42] : memref<10000x128xf32, #tpu.memory_space<vmem_shared>> -> memref<10000x128xf32, #tpu.memory_space<vmem_shared>>
    tpu.enqueue_indirect_dma source(%arg15 : memref<128x128xf32, #tpu.memory_space<vmem>>) target(%dma_start3A_43 : memref<10000x128xf32, #tpu.memory_space<vmem_shared>>) offsets(%arg10 : memref<128xi32, #tpu.memory_space<vmem>>) semaphore(%arg25 : memref<!tpu.dma_semaphore, #tpu.memory_space<semaphore_mem>>) {add = true}
    %dma_wait3A_44 = tpu.memref_slice %arg3[%mul3A_2] : memref<320000xi32, #tpu.memory_space<hbm>> -> memref<128xi32, #tpu.memory_space<hbm>>
    %dma_wait3A_45 = tpu.memref_slice %arg3[%mul3A_2] : memref<320000xi32, #tpu.memory_space<hbm>> -> memref<128xi32, #tpu.memory_space<hbm>>
    tpu.wait_dma2 semaphore(%arg24 : memref<!tpu.dma_semaphore, #tpu.memory_space<semaphore_mem>>) src(%dma_wait3A_45 : memref<128xi32, #tpu.memory_space<hbm>>) dst(%arg9 : memref<128xi32, #tpu.memory_space<vmem>>)
    %dma_wait3A_46 = tpu.memref_slice %arg4[%mul3A_2] : memref<320000xi32, #tpu.memory_space<hbm>> -> memref<128xi32, #tpu.memory_space<hbm>>
    %dma_wait3A_47 = tpu.memref_slice %arg4[%mul3A_2] : memref<320000xi32, #tpu.memory_space<hbm>> -> memref<128xi32, #tpu.memory_space<hbm>>
    tpu.wait_dma2 semaphore(%arg24 : memref<!tpu.dma_semaphore, #tpu.memory_space<semaphore_mem>>) src(%dma_wait3A_47 : memref<128xi32, #tpu.memory_space<hbm>>) dst(%arg12 : memref<128xi32, #tpu.memory_space<vmem>>)
    %dma_start3A_48 = arith.constant 0 : i32
    %dma_start3A_49 = arith.constant 0 : i32
    %dma_start3A_50 = tpu.memref_slice %arg2[%dma_start3A_48, %dma_start3A_49] : memref<10000x128xf32, #tpu.memory_space<hbm>> -> memref<10000x128xf32, #tpu.memory_space<hbm>>
    tpu.enqueue_indirect_dma source(%dma_start3A_50 : memref<10000x128xf32, #tpu.memory_space<hbm>>) target(%arg17 : memref<128x128xf32, #tpu.memory_space<vmem>>) offsets(%arg9 : memref<128xi32, #tpu.memory_space<vmem>>) semaphore(%arg21 : memref<!tpu.dma_semaphore, #tpu.memory_space<semaphore_mem>>)
    %dma_wait3A_51 = arith.constant 0 : i32
    %dma_wait3A_52 = arith.constant 0 : i32
    %dma_wait3A_53 = tpu.memref_slice %arg18[%dma_wait3A_51, %dma_wait3A_52] : memref<10000x128xf32, #tpu.memory_space<vmem_shared>> -> memref<10000x128xf32, #tpu.memory_space<vmem_shared>>
    tpu.wait_indirect_dma semaphore(%arg25 : memref<!tpu.dma_semaphore, #tpu.memory_space<semaphore_mem>>) src(%arg15 : memref<128x128xf32, #tpu.memory_space<vmem>>) dst(%dma_wait3A_53 : memref<10000x128xf32, #tpu.memory_space<vmem_shared>>)
    %add3A_54 = arith.constant 384 : i32
    %add3A_55 = arith.addi %mul3A_2, %add3A_54 : i32
    %dma_start3A_56 = tpu.memref_slice %arg3[%add3A_55] : memref<320000xi32, #tpu.memory_space<hbm>> -> memref<128xi32, #tpu.memory_space<hbm>>
    %dma_start3A_57 = tpu.memref_slice %arg3[%add3A_55] : memref<320000xi32, #tpu.memory_space<hbm>> -> memref<128xi32, #tpu.memory_space<hbm>>
    tpu.enqueue_dma source(%dma_start3A_57 : memref<128xi32, #tpu.memory_space<hbm>>) target(%arg7 : memref<128xi32, #tpu.memory_space<vmem>>) target_semaphore(%arg22 : memref<!tpu.dma_semaphore, #tpu.memory_space<semaphore_mem>>)
    %dma_start3A_58 = tpu.memref_slice %arg4[%add3A_55] : memref<320000xi32, #tpu.memory_space<hbm>> -> memref<128xi32, #tpu.memory_space<hbm>>
    %dma_start3A_59 = tpu.memref_slice %arg4[%add3A_55] : memref<320000xi32, #tpu.memory_space<hbm>> -> memref<128xi32, #tpu.memory_space<hbm>>
    tpu.enqueue_dma source(%dma_start3A_59 : memref<128xi32, #tpu.memory_space<hbm>>) target(%arg10 : memref<128xi32, #tpu.memory_space<vmem>>) target_semaphore(%arg22 : memref<!tpu.dma_semaphore, #tpu.memory_space<semaphore_mem>>)
    %dma_wait3A_60 = arith.constant 0 : i32
    %dma_wait3A_61 = arith.constant 0 : i32
    %dma_wait3A_62 = tpu.memref_slice %arg2[%dma_wait3A_60, %dma_wait3A_61] : memref<10000x128xf32, #tpu.memory_space<hbm>> -> memref<128x128xf32, #tpu.memory_space<hbm>>
    %dma_wait3A_63 = arith.constant 0 : i32
    %dma_wait3A_64 = arith.constant 0 : i32
    %dma_wait3A_65 = tpu.memref_slice %arg2[%dma_wait3A_63, %dma_wait3A_64] : memref<10000x128xf32, #tpu.memory_space<hbm>> -> memref<128x128xf32, #tpu.memory_space<hbm>>
    tpu.wait_dma2 semaphore(%arg20 : memref<!tpu.dma_semaphore, #tpu.memory_space<semaphore_mem>>) src(%dma_wait3A_65 : memref<128x128xf32, #tpu.memory_space<hbm>>) dst(%arg16 : memref<128x128xf32, #tpu.memory_space<vmem>>)
    %dma_start3A_66 = arith.constant 0 : i32
    %dma_start3A_67 = arith.constant 0 : i32
    %dma_start3A_68 = tpu.memref_slice %arg18[%dma_start3A_66, %dma_start3A_67] : memref<10000x128xf32, #tpu.memory_space<vmem_shared>> -> memref<10000x128xf32, #tpu.memory_space<vmem_shared>>
    tpu.enqueue_indirect_dma source(%arg16 : memref<128x128xf32, #tpu.memory_space<vmem>>) target(%dma_start3A_68 : memref<10000x128xf32, #tpu.memory_space<vmem_shared>>) offsets(%arg11 : memref<128xi32, #tpu.memory_space<vmem>>) semaphore(%arg26 : memref<!tpu.dma_semaphore, #tpu.memory_space<semaphore_mem>>) {add = true}
    %dma_wait3A_69 = tpu.memref_slice %arg3[%mul3A_2] : memref<320000xi32, #tpu.memory_space<hbm>> -> memref<128xi32, #tpu.memory_space<hbm>>
    %dma_wait3A_70 = tpu.memref_slice %arg3[%mul3A_2] : memref<320000xi32, #tpu.memory_space<hbm>> -> memref<128xi32, #tpu.memory_space<hbm>>
    tpu.wait_dma2 semaphore(%arg22 : memref<!tpu.dma_semaphore, #tpu.memory_space<semaphore_mem>>) src(%dma_wait3A_70 : memref<128xi32, #tpu.memory_space<hbm>>) dst(%arg7 : memref<128xi32, #tpu.memory_space<vmem>>)
    %dma_wait3A_71 = tpu.memref_slice %arg4[%mul3A_2] : memref<320000xi32, #tpu.memory_space<hbm>> -> memref<128xi32, #tpu.memory_space<hbm>>
    %dma_wait3A_72 = tpu.memref_slice %arg4[%mul3A_2] : memref<320000xi32, #tpu.memory_space<hbm>> -> memref<128xi32, #tpu.memory_space<hbm>>
    tpu.wait_dma2 semaphore(%arg22 : memref<!tpu.dma_semaphore, #tpu.memory_space<semaphore_mem>>) src(%dma_wait3A_72 : memref<128xi32, #tpu.memory_space<hbm>>) dst(%arg10 : memref<128xi32, #tpu.memory_space<vmem>>)
    %dma_start3A_73 = arith.constant 0 : i32
    %dma_start3A_74 = arith.constant 0 : i32
    %dma_start3A_75 = tpu.memref_slice %arg2[%dma_start3A_73, %dma_start3A_74] : memref<10000x128xf32, #tpu.memory_space<hbm>> -> memref<10000x128xf32, #tpu.memory_space<hbm>>
    tpu.enqueue_indirect_dma source(%dma_start3A_75 : memref<10000x128xf32, #tpu.memory_space<hbm>>) target(%arg15 : memref<128x128xf32, #tpu.memory_space<vmem>>) offsets(%arg7 : memref<128xi32, #tpu.memory_space<vmem>>) semaphore(%arg19 : memref<!tpu.dma_semaphore, #tpu.memory_space<semaphore_mem>>)
    %dma_wait3A_76 = arith.constant 0 : i32
    %dma_wait3A_77 = arith.constant 0 : i32
    %dma_wait3A_78 = tpu.memref_slice %arg18[%dma_wait3A_76, %dma_wait3A_77] : memref<10000x128xf32, #tpu.memory_space<vmem_shared>> -> memref<10000x128xf32, #tpu.memory_space<vmem_shared>>
    tpu.wait_indirect_dma semaphore(%arg26 : memref<!tpu.dma_semaphore, #tpu.memory_space<semaphore_mem>>) src(%arg16 : memref<128x128xf32, #tpu.memory_space<vmem>>) dst(%dma_wait3A_78 : memref<10000x128xf32, #tpu.memory_space<vmem_shared>>)
    %add3A_79 = arith.constant 512 : i32
    %add3A_80 = arith.addi %mul3A_2, %add3A_79 : i32
    %dma_start3A_81 = tpu.memref_slice %arg3[%add3A_80] : memref<320000xi32, #tpu.memory_space<hbm>> -> memref<128xi32, #tpu.memory_space<hbm>>
    %dma_start3A_82 = tpu.memref_slice %arg3[%add3A_80] : memref<320000xi32, #tpu.memory_space<hbm>> -> memref<128xi32, #tpu.memory_space<hbm>>
    tpu.enqueue_dma source(%dma_start3A_82 : memref<128xi32, #tpu.memory_space<hbm>>) target(%arg8 : memref<128xi32, #tpu.memory_space<vmem>>) target_semaphore(%arg23 : memref<!tpu.dma_semaphore, #tpu.memory_space<semaphore_mem>>)
    %dma_start3A_83 = tpu.memref_slice %arg4[%add3A_80] : memref<320000xi32, #tpu.memory_space<hbm>> -> memref<128xi32, #tpu.memory_space<hbm>>
    %dma_start3A_84 = tpu.memref_slice %arg4[%add3A_80] : memref<320000xi32, #tpu.memory_space<hbm>> -> memref<128xi32, #tpu.memory_space<hbm>>
    tpu.enqueue_dma source(%dma_start3A_84 : memref<128xi32, #tpu.memory_space<hbm>>) target(%arg11 : memref<128xi32, #tpu.memory_space<vmem>>) target_semaphore(%arg23 : memref<!tpu.dma_semaphore, #tpu.memory_space<semaphore_mem>>)
    %dma_wait3A_85 = arith.constant 0 : i32
    %dma_wait3A_86 = arith.constant 0 : i32
    %dma_wait3A_87 = tpu.memref_slice %arg2[%dma_wait3A_85, %dma_wait3A_86] : memref<10000x128xf32, #tpu.memory_space<hbm>> -> memref<128x128xf32, #tpu.memory_space<hbm>>
    %dma_wait3A_88 = arith.constant 0 : i32
    %dma_wait3A_89 = arith.constant 0 : i32
    %dma_wait3A_90 = tpu.memref_slice %arg2[%dma_wait3A_88, %dma_wait3A_89] : memref<10000x128xf32, #tpu.memory_space<hbm>> -> memref<128x128xf32, #tpu.memory_space<hbm>>
    tpu.wait_dma2 semaphore(%arg21 : memref<!tpu.dma_semaphore, #tpu.memory_space<semaphore_mem>>) src(%dma_wait3A_90 : memref<128x128xf32, #tpu.memory_space<hbm>>) dst(%arg17 : memref<128x128xf32, #tpu.memory_space<vmem>>)
    %dma_start3A_91 = arith.constant 0 : i32
    %dma_start3A_92 = arith.constant 0 : i32
    %dma_start3A_93 = tpu.memref_slice %arg18[%dma_start3A_91, %dma_start3A_92] : memref<10000x128xf32, #tpu.memory_space<vmem_shared>> -> memref<10000x128xf32, #tpu.memory_space<vmem_shared>>
    tpu.enqueue_indirect_dma source(%arg17 : memref<128x128xf32, #tpu.memory_space<vmem>>) target(%dma_start3A_93 : memref<10000x128xf32, #tpu.memory_space<vmem_shared>>) offsets(%arg12 : memref<128xi32, #tpu.memory_space<vmem>>) semaphore(%arg27 : memref<!tpu.dma_semaphore, #tpu.memory_space<semaphore_mem>>) {add = true}
    %scan3A = arith.constant 1 : i32
    %scan3A_94 = arith.constant 24 : i32
    %scan3A_95 = arith.addi %scan3A, %scan3A_94 : i32
    %scan3A_96 = arith.constant 1 : i32
    scf.for %scan3A_179 = %scan3A to %scan3A_95 step %scan3A_96  : i32 {
      %mul3A_180 = arith.constant 3 : i32
      %mul3A_181 = arith.muli %mul3A_180, %scan3A_179 : i32
      %dma_wait3A_182 = tpu.memref_slice %arg3[%mul3A_2] : memref<320000xi32, #tpu.memory_space<hbm>> -> memref<128xi32, #tpu.memory_space<hbm>>
      %dma_wait3A_183 = tpu.memref_slice %arg3[%mul3A_2] : memref<320000xi32, #tpu.memory_space<hbm>> -> memref<128xi32, #tpu.memory_space<hbm>>
      tpu.wait_dma2 semaphore(%arg23 : memref<!tpu.dma_semaphore, #tpu.memory_space<semaphore_mem>>) src(%dma_wait3A_183 : memref<128xi32, #tpu.memory_space<hbm>>) dst(%arg8 : memref<128xi32, #tpu.memory_space<vmem>>)
      %dma_wait3A_184 = tpu.memref_slice %arg4[%mul3A_2] : memref<320000xi32, #tpu.memory_space<hbm>> -> memref<128xi32, #tpu.memory_space<hbm>>
      %dma_wait3A_185 = tpu.memref_slice %arg4[%mul3A_2] : memref<320000xi32, #tpu.memory_space<hbm>> -> memref<128xi32, #tpu.memory_space<hbm>>
      tpu.wait_dma2 semaphore(%arg23 : memref<!tpu.dma_semaphore, #tpu.memory_space<semaphore_mem>>) src(%dma_wait3A_185 : memref<128xi32, #tpu.memory_space<hbm>>) dst(%arg11 : memref<128xi32, #tpu.memory_space<vmem>>)
      %dma_start3A_186 = arith.constant 0 : i32
      %dma_start3A_187 = arith.constant 0 : i32
      %dma_start3A_188 = tpu.memref_slice %arg2[%dma_start3A_186, %dma_start3A_187] : memref<10000x128xf32, #tpu.memory_space<hbm>> -> memref<10000x128xf32, #tpu.memory_space<hbm>>
      tpu.enqueue_indirect_dma source(%dma_start3A_188 : memref<10000x128xf32, #tpu.memory_space<hbm>>) target(%arg16 : memref<128x128xf32, #tpu.memory_space<vmem>>) offsets(%arg8 : memref<128xi32, #tpu.memory_space<vmem>>) semaphore(%arg20 : memref<!tpu.dma_semaphore, #tpu.memory_space<semaphore_mem>>)
      %dma_wait3A_189 = arith.constant 0 : i32
      %dma_wait3A_190 = arith.constant 0 : i32
      %dma_wait3A_191 = tpu.memref_slice %arg18[%dma_wait3A_189, %dma_wait3A_190] : memref<10000x128xf32, #tpu.memory_space<vmem_shared>> -> memref<10000x128xf32, #tpu.memory_space<vmem_shared>>
      tpu.wait_indirect_dma semaphore(%arg27 : memref<!tpu.dma_semaphore, #tpu.memory_space<semaphore_mem>>) src(%arg17 : memref<128x128xf32, #tpu.memory_space<vmem>>) dst(%dma_wait3A_191 : memref<10000x128xf32, #tpu.memory_space<vmem_shared>>)
      %add3A_192 = arith.constant 2 : i32
      %add3A_193 = arith.addi %mul3A_181, %add3A_192 : i32
      %mul3A_194 = arith.constant 128 : i32
      %mul3A_195 = arith.muli %add3A_193, %mul3A_194 : i32
      %add3A_196 = arith.addi %mul3A_2, %mul3A_195 : i32
      %dma_start3A_197 = tpu.memref_slice %arg3[%add3A_196] : memref<320000xi32, #tpu.memory_space<hbm>> -> memref<128xi32, #tpu.memory_space<hbm>>
      %dma_start3A_198 = tpu.memref_slice %arg3[%add3A_196] : memref<320000xi32, #tpu.memory_space<hbm>> -> memref<128xi32, #tpu.memory_space<hbm>>
      tpu.enqueue_dma source(%dma_start3A_198 : memref<128xi32, #tpu.memory_space<hbm>>) target(%arg9 : memref<128xi32, #tpu.memory_space<vmem>>) target_semaphore(%arg24 : memref<!tpu.dma_semaphore, #tpu.memory_space<semaphore_mem>>)
      %dma_start3A_199 = tpu.memref_slice %arg4[%add3A_196] : memref<320000xi32, #tpu.memory_space<hbm>> -> memref<128xi32, #tpu.memory_space<hbm>>
      %dma_start3A_200 = tpu.memref_slice %arg4[%add3A_196] : memref<320000xi32, #tpu.memory_space<hbm>> -> memref<128xi32, #tpu.memory_space<hbm>>
      tpu.enqueue_dma source(%dma_start3A_200 : memref<128xi32, #tpu.memory_space<hbm>>) target(%arg12 : memref<128xi32, #tpu.memory_space<vmem>>) target_semaphore(%arg24 : memref<!tpu.dma_semaphore, #tpu.memory_space<semaphore_mem>>)
      %dma_wait3A_201 = arith.constant 0 : i32
      %dma_wait3A_202 = arith.constant 0 : i32
      %dma_wait3A_203 = tpu.memref_slice %arg2[%dma_wait3A_201, %dma_wait3A_202] : memref<10000x128xf32, #tpu.memory_space<hbm>> -> memref<128x128xf32, #tpu.memory_space<hbm>>
      %dma_wait3A_204 = arith.constant 0 : i32
      %dma_wait3A_205 = arith.constant 0 : i32
      %dma_wait3A_206 = tpu.memref_slice %arg2[%dma_wait3A_204, %dma_wait3A_205] : memref<10000x128xf32, #tpu.memory_space<hbm>> -> memref<128x128xf32, #tpu.memory_space<hbm>>
      tpu.wait_dma2 semaphore(%arg19 : memref<!tpu.dma_semaphore, #tpu.memory_space<semaphore_mem>>) src(%dma_wait3A_206 : memref<128x128xf32, #tpu.memory_space<hbm>>) dst(%arg15 : memref<128x128xf32, #tpu.memory_space<vmem>>)
      %dma_start3A_207 = arith.constant 0 : i32
      %dma_start3A_208 = arith.constant 0 : i32
      %dma_start3A_209 = tpu.memref_slice %arg18[%dma_start3A_207, %dma_start3A_208] : memref<10000x128xf32, #tpu.memory_space<vmem_shared>> -> memref<10000x128xf32, #tpu.memory_space<vmem_shared>>
      tpu.enqueue_indirect_dma source(%arg15 : memref<128x128xf32, #tpu.memory_space<vmem>>) target(%dma_start3A_209 : memref<10000x128xf32, #tpu.memory_space<vmem_shared>>) offsets(%arg10 : memref<128xi32, #tpu.memory_space<vmem>>) semaphore(%arg25 : memref<!tpu.dma_semaphore, #tpu.memory_space<semaphore_mem>>) {add = true}
      %mul3A_210 = arith.constant 3 : i32
      %mul3A_211 = arith.muli %mul3A_210, %scan3A_179 : i32
      %add3A_212 = arith.constant 1 : i32
      %add3A_213 = arith.addi %mul3A_211, %add3A_212 : i32
      %dma_wait3A_214 = tpu.memref_slice %arg3[%mul3A_2] : memref<320000xi32, #tpu.memory_space<hbm>> -> memref<128xi32, #tpu.memory_space<hbm>>
      %dma_wait3A_215 = tpu.memref_slice %arg3[%mul3A_2] : memref<320000xi32, #tpu.memory_space<hbm>> -> memref<128xi32, #tpu.memory_space<hbm>>
      tpu.wait_dma2 semaphore(%arg24 : memref<!tpu.dma_semaphore, #tpu.memory_space<semaphore_mem>>) src(%dma_wait3A_215 : memref<128xi32, #tpu.memory_space<hbm>>) dst(%arg9 : memref<128xi32, #tpu.memory_space<vmem>>)
      %dma_wait3A_216 = tpu.memref_slice %arg4[%mul3A_2] : memref<320000xi32, #tpu.memory_space<hbm>> -> memref<128xi32, #tpu.memory_space<hbm>>
      %dma_wait3A_217 = tpu.memref_slice %arg4[%mul3A_2] : memref<320000xi32, #tpu.memory_space<hbm>> -> memref<128xi32, #tpu.memory_space<hbm>>
      tpu.wait_dma2 semaphore(%arg24 : memref<!tpu.dma_semaphore, #tpu.memory_space<semaphore_mem>>) src(%dma_wait3A_217 : memref<128xi32, #tpu.memory_space<hbm>>) dst(%arg12 : memref<128xi32, #tpu.memory_space<vmem>>)
      %dma_start3A_218 = arith.constant 0 : i32
      %dma_start3A_219 = arith.constant 0 : i32
      %dma_start3A_220 = tpu.memref_slice %arg2[%dma_start3A_218, %dma_start3A_219] : memref<10000x128xf32, #tpu.memory_space<hbm>> -> memref<10000x128xf32, #tpu.memory_space<hbm>>
      tpu.enqueue_indirect_dma source(%dma_start3A_220 : memref<10000x128xf32, #tpu.memory_space<hbm>>) target(%arg17 : memref<128x128xf32, #tpu.memory_space<vmem>>) offsets(%arg9 : memref<128xi32, #tpu.memory_space<vmem>>) semaphore(%arg21 : memref<!tpu.dma_semaphore, #tpu.memory_space<semaphore_mem>>)
      %dma_wait3A_221 = arith.constant 0 : i32
      %dma_wait3A_222 = arith.constant 0 : i32
      %dma_wait3A_223 = tpu.memref_slice %arg18[%dma_wait3A_221, %dma_wait3A_222] : memref<10000x128xf32, #tpu.memory_space<vmem_shared>> -> memref<10000x128xf32, #tpu.memory_space<vmem_shared>>
      tpu.wait_indirect_dma semaphore(%arg25 : memref<!tpu.dma_semaphore, #tpu.memory_space<semaphore_mem>>) src(%arg15 : memref<128x128xf32, #tpu.memory_space<vmem>>) dst(%dma_wait3A_223 : memref<10000x128xf32, #tpu.memory_space<vmem_shared>>)
      %add3A_224 = arith.constant 2 : i32
      %add3A_225 = arith.addi %add3A_213, %add3A_224 : i32
      %mul3A_226 = arith.constant 128 : i32
      %mul3A_227 = arith.muli %add3A_225, %mul3A_226 : i32
      %add3A_228 = arith.addi %mul3A_2, %mul3A_227 : i32
      %dma_start3A_229 = tpu.memref_slice %arg3[%add3A_228] : memref<320000xi32, #tpu.memory_space<hbm>> -> memref<128xi32, #tpu.memory_space<hbm>>
      %dma_start3A_230 = tpu.memref_slice %arg3[%add3A_228] : memref<320000xi32, #tpu.memory_space<hbm>> -> memref<128xi32, #tpu.memory_space<hbm>>
      tpu.enqueue_dma source(%dma_start3A_230 : memref<128xi32, #tpu.memory_space<hbm>>) target(%arg7 : memref<128xi32, #tpu.memory_space<vmem>>) target_semaphore(%arg22 : memref<!tpu.dma_semaphore, #tpu.memory_space<semaphore_mem>>)
      %dma_start3A_231 = tpu.memref_slice %arg4[%add3A_228] : memref<320000xi32, #tpu.memory_space<hbm>> -> memref<128xi32, #tpu.memory_space<hbm>>
      %dma_start3A_232 = tpu.memref_slice %arg4[%add3A_228] : memref<320000xi32, #tpu.memory_space<hbm>> -> memref<128xi32, #tpu.memory_space<hbm>>
      tpu.enqueue_dma source(%dma_start3A_232 : memref<128xi32, #tpu.memory_space<hbm>>) target(%arg10 : memref<128xi32, #tpu.memory_space<vmem>>) target_semaphore(%arg22 : memref<!tpu.dma_semaphore, #tpu.memory_space<semaphore_mem>>)
      %dma_wait3A_233 = arith.constant 0 : i32
      %dma_wait3A_234 = arith.constant 0 : i32
      %dma_wait3A_235 = tpu.memref_slice %arg2[%dma_wait3A_233, %dma_wait3A_234] : memref<10000x128xf32, #tpu.memory_space<hbm>> -> memref<128x128xf32, #tpu.memory_space<hbm>>
      %dma_wait3A_236 = arith.constant 0 : i32
      %dma_wait3A_237 = arith.constant 0 : i32
      %dma_wait3A_238 = tpu.memref_slice %arg2[%dma_wait3A_236, %dma_wait3A_237] : memref<10000x128xf32, #tpu.memory_space<hbm>> -> memref<128x128xf32, #tpu.memory_space<hbm>>
      tpu.wait_dma2 semaphore(%arg20 : memref<!tpu.dma_semaphore, #tpu.memory_space<semaphore_mem>>) src(%dma_wait3A_238 : memref<128x128xf32, #tpu.memory_space<hbm>>) dst(%arg16 : memref<128x128xf32, #tpu.memory_space<vmem>>)
      %dma_start3A_239 = arith.constant 0 : i32
      %dma_start3A_240 = arith.constant 0 : i32
      %dma_start3A_241 = tpu.memref_slice %arg18[%dma_start3A_239, %dma_start3A_240] : memref<10000x128xf32, #tpu.memory_space<vmem_shared>> -> memref<10000x128xf32, #tpu.memory_space<vmem_shared>>
      tpu.enqueue_indirect_dma source(%arg16 : memref<128x128xf32, #tpu.memory_space<vmem>>) target(%dma_start3A_241 : memref<10000x128xf32, #tpu.memory_space<vmem_shared>>) offsets(%arg11 : memref<128xi32, #tpu.memory_space<vmem>>) semaphore(%arg26 : memref<!tpu.dma_semaphore, #tpu.memory_space<semaphore_mem>>) {add = true}
      %mul3A_242 = arith.constant 3 : i32
      %mul3A_243 = arith.muli %mul3A_242, %scan3A_179 : i32
      %add3A_244 = arith.constant 2 : i32
      %add3A_245 = arith.addi %mul3A_243, %add3A_244 : i32
      %dma_wait3A_246 = tpu.memref_slice %arg3[%mul3A_2] : memref<320000xi32, #tpu.memory_space<hbm>> -> memref<128xi32, #tpu.memory_space<hbm>>
      %dma_wait3A_247 = tpu.memref_slice %arg3[%mul3A_2] : memref<320000xi32, #tpu.memory_space<hbm>> -> memref<128xi32, #tpu.memory_space<hbm>>
      tpu.wait_dma2 semaphore(%arg22 : memref<!tpu.dma_semaphore, #tpu.memory_space<semaphore_mem>>) src(%dma_wait3A_247 : memref<128xi32, #tpu.memory_space<hbm>>) dst(%arg7 : memref<128xi32, #tpu.memory_space<vmem>>)
      %dma_wait3A_248 = tpu.memref_slice %arg4[%mul3A_2] : memref<320000xi32, #tpu.memory_space<hbm>> -> memref<128xi32, #tpu.memory_space<hbm>>
      %dma_wait3A_249 = tpu.memref_slice %arg4[%mul3A_2] : memref<320000xi32, #tpu.memory_space<hbm>> -> memref<128xi32, #tpu.memory_space<hbm>>
      tpu.wait_dma2 semaphore(%arg22 : memref<!tpu.dma_semaphore, #tpu.memory_space<semaphore_mem>>) src(%dma_wait3A_249 : memref<128xi32, #tpu.memory_space<hbm>>) dst(%arg10 : memref<128xi32, #tpu.memory_space<vmem>>)
      %dma_start3A_250 = arith.constant 0 : i32
      %dma_start3A_251 = arith.constant 0 : i32
      %dma_start3A_252 = tpu.memref_slice %arg2[%dma_start3A_250, %dma_start3A_251] : memref<10000x128xf32, #tpu.memory_space<hbm>> -> memref<10000x128xf32, #tpu.memory_space<hbm>>
      tpu.enqueue_indirect_dma source(%dma_start3A_252 : memref<10000x128xf32, #tpu.memory_space<hbm>>) target(%arg15 : memref<128x128xf32, #tpu.memory_space<vmem>>) offsets(%arg7 : memref<128xi32, #tpu.memory_space<vmem>>) semaphore(%arg19 : memref<!tpu.dma_semaphore, #tpu.memory_space<semaphore_mem>>)
      %dma_wait3A_253 = arith.constant 0 : i32
      %dma_wait3A_254 = arith.constant 0 : i32
      %dma_wait3A_255 = tpu.memref_slice %arg18[%dma_wait3A_253, %dma_wait3A_254] : memref<10000x128xf32, #tpu.memory_space<vmem_shared>> -> memref<10000x128xf32, #tpu.memory_space<vmem_shared>>
      tpu.wait_indirect_dma semaphore(%arg26 : memref<!tpu.dma_semaphore, #tpu.memory_space<semaphore_mem>>) src(%arg16 : memref<128x128xf32, #tpu.memory_space<vmem>>) dst(%dma_wait3A_255 : memref<10000x128xf32, #tpu.memory_space<vmem_shared>>)
      %add3A_256 = arith.constant 2 : i32
      %add3A_257 = arith.addi %add3A_245, %add3A_256 : i32
      %mul3A_258 = arith.constant 128 : i32
      %mul3A_259 = arith.muli %add3A_257, %mul3A_258 : i32
      %add3A_260 = arith.addi %mul3A_2, %mul3A_259 : i32
      %dma_start3A_261 = tpu.memref_slice %arg3[%add3A_260] : memref<320000xi32, #tpu.memory_space<hbm>> -> memref<128xi32, #tpu.memory_space<hbm>>
      %dma_start3A_262 = tpu.memref_slice %arg3[%add3A_260] : memref<320000xi32, #tpu.memory_space<hbm>> -> memref<128xi32, #tpu.memory_space<hbm>>
      tpu.enqueue_dma source(%dma_start3A_262 : memref<128xi32, #tpu.memory_space<hbm>>) target(%arg8 : memref<128xi32, #tpu.memory_space<vmem>>) target_semaphore(%arg23 : memref<!tpu.dma_semaphore, #tpu.memory_space<semaphore_mem>>)
      %dma_start3A_263 = tpu.memref_slice %arg4[%add3A_260] : memref<320000xi32, #tpu.memory_space<hbm>> -> memref<128xi32, #tpu.memory_space<hbm>>
      %dma_start3A_264 = tpu.memref_slice %arg4[%add3A_260] : memref<320000xi32, #tpu.memory_space<hbm>> -> memref<128xi32, #tpu.memory_space<hbm>>
      tpu.enqueue_dma source(%dma_start3A_264 : memref<128xi32, #tpu.memory_space<hbm>>) target(%arg11 : memref<128xi32, #tpu.memory_space<vmem>>) target_semaphore(%arg23 : memref<!tpu.dma_semaphore, #tpu.memory_space<semaphore_mem>>)
      %dma_wait3A_265 = arith.constant 0 : i32
      %dma_wait3A_266 = arith.constant 0 : i32
      %dma_wait3A_267 = tpu.memref_slice %arg2[%dma_wait3A_265, %dma_wait3A_266] : memref<10000x128xf32, #tpu.memory_space<hbm>> -> memref<128x128xf32, #tpu.memory_space<hbm>>
      %dma_wait3A_268 = arith.constant 0 : i32
      %dma_wait3A_269 = arith.constant 0 : i32
      %dma_wait3A_270 = tpu.memref_slice %arg2[%dma_wait3A_268, %dma_wait3A_269] : memref<10000x128xf32, #tpu.memory_space<hbm>> -> memref<128x128xf32, #tpu.memory_space<hbm>>
      tpu.wait_dma2 semaphore(%arg21 : memref<!tpu.dma_semaphore, #tpu.memory_space<semaphore_mem>>) src(%dma_wait3A_270 : memref<128x128xf32, #tpu.memory_space<hbm>>) dst(%arg17 : memref<128x128xf32, #tpu.memory_space<vmem>>)
      %dma_start3A_271 = arith.constant 0 : i32
      %dma_start3A_272 = arith.constant 0 : i32
      %dma_start3A_273 = tpu.memref_slice %arg18[%dma_start3A_271, %dma_start3A_272] : memref<10000x128xf32, #tpu.memory_space<vmem_shared>> -> memref<10000x128xf32, #tpu.memory_space<vmem_shared>>
      tpu.enqueue_indirect_dma source(%arg17 : memref<128x128xf32, #tpu.memory_space<vmem>>) target(%dma_start3A_273 : memref<10000x128xf32, #tpu.memory_space<vmem_shared>>) offsets(%arg12 : memref<128xi32, #tpu.memory_space<vmem>>) semaphore(%arg27 : memref<!tpu.dma_semaphore, #tpu.memory_space<semaphore_mem>>) {add = true}
    }
    %scan3A_97 = arith.constant 24 : i32
    %dma_wait3A_98 = tpu.memref_slice %arg3[%mul3A_2] : memref<320000xi32, #tpu.memory_space<hbm>> -> memref<128xi32, #tpu.memory_space<hbm>>
    %dma_wait3A_99 = tpu.memref_slice %arg3[%mul3A_2] : memref<320000xi32, #tpu.memory_space<hbm>> -> memref<128xi32, #tpu.memory_space<hbm>>
    tpu.wait_dma2 semaphore(%arg23 : memref<!tpu.dma_semaphore, #tpu.memory_space<semaphore_mem>>) src(%dma_wait3A_99 : memref<128xi32, #tpu.memory_space<hbm>>) dst(%arg8 : memref<128xi32, #tpu.memory_space<vmem>>)
    %dma_wait3A_100 = tpu.memref_slice %arg4[%mul3A_2] : memref<320000xi32, #tpu.memory_space<hbm>> -> memref<128xi32, #tpu.memory_space<hbm>>
    %dma_wait3A_101 = tpu.memref_slice %arg4[%mul3A_2] : memref<320000xi32, #tpu.memory_space<hbm>> -> memref<128xi32, #tpu.memory_space<hbm>>
    tpu.wait_dma2 semaphore(%arg23 : memref<!tpu.dma_semaphore, #tpu.memory_space<semaphore_mem>>) src(%dma_wait3A_101 : memref<128xi32, #tpu.memory_space<hbm>>) dst(%arg11 : memref<128xi32, #tpu.memory_space<vmem>>)
    %dma_start3A_102 = arith.constant 0 : i32
    %dma_start3A_103 = arith.constant 0 : i32
    %dma_start3A_104 = tpu.memref_slice %arg2[%dma_start3A_102, %dma_start3A_103] : memref<10000x128xf32, #tpu.memory_space<hbm>> -> memref<10000x128xf32, #tpu.memory_space<hbm>>
    tpu.enqueue_indirect_dma source(%dma_start3A_104 : memref<10000x128xf32, #tpu.memory_space<hbm>>) target(%arg16 : memref<128x128xf32, #tpu.memory_space<vmem>>) offsets(%arg8 : memref<128xi32, #tpu.memory_space<vmem>>) semaphore(%arg20 : memref<!tpu.dma_semaphore, #tpu.memory_space<semaphore_mem>>)
    %dma_wait3A_105 = arith.constant 0 : i32
    %dma_wait3A_106 = arith.constant 0 : i32
    %dma_wait3A_107 = tpu.memref_slice %arg18[%dma_wait3A_105, %dma_wait3A_106] : memref<10000x128xf32, #tpu.memory_space<vmem_shared>> -> memref<10000x128xf32, #tpu.memory_space<vmem_shared>>
    tpu.wait_indirect_dma semaphore(%arg27 : memref<!tpu.dma_semaphore, #tpu.memory_space<semaphore_mem>>) src(%arg17 : memref<128x128xf32, #tpu.memory_space<vmem>>) dst(%dma_wait3A_107 : memref<10000x128xf32, #tpu.memory_space<vmem_shared>>)
    %add3A_108 = arith.constant 9856 : i32
    %add3A_109 = arith.addi %mul3A_2, %add3A_108 : i32
    %dma_start3A_110 = tpu.memref_slice %arg3[%add3A_109] : memref<320000xi32, #tpu.memory_space<hbm>> -> memref<128xi32, #tpu.memory_space<hbm>>
    %dma_start3A_111 = tpu.memref_slice %arg3[%add3A_109] : memref<320000xi32, #tpu.memory_space<hbm>> -> memref<128xi32, #tpu.memory_space<hbm>>
    tpu.enqueue_dma source(%dma_start3A_111 : memref<128xi32, #tpu.memory_space<hbm>>) target(%arg9 : memref<128xi32, #tpu.memory_space<vmem>>) target_semaphore(%arg24 : memref<!tpu.dma_semaphore, #tpu.memory_space<semaphore_mem>>)
    %dma_start3A_112 = tpu.memref_slice %arg4[%add3A_109] : memref<320000xi32, #tpu.memory_space<hbm>> -> memref<128xi32, #tpu.memory_space<hbm>>
    %dma_start3A_113 = tpu.memref_slice %arg4[%add3A_109] : memref<320000xi32, #tpu.memory_space<hbm>> -> memref<128xi32, #tpu.memory_space<hbm>>
    tpu.enqueue_dma source(%dma_start3A_113 : memref<128xi32, #tpu.memory_space<hbm>>) target(%arg12 : memref<128xi32, #tpu.memory_space<vmem>>) target_semaphore(%arg24 : memref<!tpu.dma_semaphore, #tpu.memory_space<semaphore_mem>>)
    %dma_wait3A_114 = arith.constant 0 : i32
    %dma_wait3A_115 = arith.constant 0 : i32
    %dma_wait3A_116 = tpu.memref_slice %arg2[%dma_wait3A_114, %dma_wait3A_115] : memref<10000x128xf32, #tpu.memory_space<hbm>> -> memref<128x128xf32, #tpu.memory_space<hbm>>
    %dma_wait3A_117 = arith.constant 0 : i32
    %dma_wait3A_118 = arith.constant 0 : i32
    %dma_wait3A_119 = tpu.memref_slice %arg2[%dma_wait3A_117, %dma_wait3A_118] : memref<10000x128xf32, #tpu.memory_space<hbm>> -> memref<128x128xf32, #tpu.memory_space<hbm>>
    tpu.wait_dma2 semaphore(%arg19 : memref<!tpu.dma_semaphore, #tpu.memory_space<semaphore_mem>>) src(%dma_wait3A_119 : memref<128x128xf32, #tpu.memory_space<hbm>>) dst(%arg15 : memref<128x128xf32, #tpu.memory_space<vmem>>)
    %dma_start3A_120 = arith.constant 0 : i32
    %dma_start3A_121 = arith.constant 0 : i32
    %dma_start3A_122 = tpu.memref_slice %arg18[%dma_start3A_120, %dma_start3A_121] : memref<10000x128xf32, #tpu.memory_space<vmem_shared>> -> memref<10000x128xf32, #tpu.memory_space<vmem_shared>>
    tpu.enqueue_indirect_dma source(%arg15 : memref<128x128xf32, #tpu.memory_space<vmem>>) target(%dma_start3A_122 : memref<10000x128xf32, #tpu.memory_space<vmem_shared>>) offsets(%arg10 : memref<128xi32, #tpu.memory_space<vmem>>) semaphore(%arg25 : memref<!tpu.dma_semaphore, #tpu.memory_space<semaphore_mem>>) {add = true}
    %dma_wait3A_123 = tpu.memref_slice %arg3[%mul3A_2] : memref<320000xi32, #tpu.memory_space<hbm>> -> memref<128xi32, #tpu.memory_space<hbm>>
    %dma_wait3A_124 = tpu.memref_slice %arg3[%mul3A_2] : memref<320000xi32, #tpu.memory_space<hbm>> -> memref<128xi32, #tpu.memory_space<hbm>>
    tpu.wait_dma2 semaphore(%arg24 : memref<!tpu.dma_semaphore, #tpu.memory_space<semaphore_mem>>) src(%dma_wait3A_124 : memref<128xi32, #tpu.memory_space<hbm>>) dst(%arg9 : memref<128xi32, #tpu.memory_space<vmem>>)
    %dma_wait3A_125 = tpu.memref_slice %arg4[%mul3A_2] : memref<320000xi32, #tpu.memory_space<hbm>> -> memref<128xi32, #tpu.memory_space<hbm>>
    %dma_wait3A_126 = tpu.memref_slice %arg4[%mul3A_2] : memref<320000xi32, #tpu.memory_space<hbm>> -> memref<128xi32, #tpu.memory_space<hbm>>
    tpu.wait_dma2 semaphore(%arg24 : memref<!tpu.dma_semaphore, #tpu.memory_space<semaphore_mem>>) src(%dma_wait3A_126 : memref<128xi32, #tpu.memory_space<hbm>>) dst(%arg12 : memref<128xi32, #tpu.memory_space<vmem>>)
    %dma_start3A_127 = arith.constant 0 : i32
    %dma_start3A_128 = arith.constant 0 : i32
    %dma_start3A_129 = tpu.memref_slice %arg2[%dma_start3A_127, %dma_start3A_128] : memref<10000x128xf32, #tpu.memory_space<hbm>> -> memref<10000x128xf32, #tpu.memory_space<hbm>>
    tpu.enqueue_indirect_dma source(%dma_start3A_129 : memref<10000x128xf32, #tpu.memory_space<hbm>>) target(%arg17 : memref<128x128xf32, #tpu.memory_space<vmem>>) offsets(%arg9 : memref<128xi32, #tpu.memory_space<vmem>>) semaphore(%arg21 : memref<!tpu.dma_semaphore, #tpu.memory_space<semaphore_mem>>)
    %dma_wait3A_130 = arith.constant 0 : i32
    %dma_wait3A_131 = arith.constant 0 : i32
    %dma_wait3A_132 = tpu.memref_slice %arg18[%dma_wait3A_130, %dma_wait3A_131] : memref<10000x128xf32, #tpu.memory_space<vmem_shared>> -> memref<10000x128xf32, #tpu.memory_space<vmem_shared>>
    tpu.wait_indirect_dma semaphore(%arg25 : memref<!tpu.dma_semaphore, #tpu.memory_space<semaphore_mem>>) src(%arg15 : memref<128x128xf32, #tpu.memory_space<vmem>>) dst(%dma_wait3A_132 : memref<10000x128xf32, #tpu.memory_space<vmem_shared>>)
    %dma_wait3A_133 = arith.constant 0 : i32
    %dma_wait3A_134 = arith.constant 0 : i32
    %dma_wait3A_135 = tpu.memref_slice %arg2[%dma_wait3A_133, %dma_wait3A_134] : memref<10000x128xf32, #tpu.memory_space<hbm>> -> memref<128x128xf32, #tpu.memory_space<hbm>>
    %dma_wait3A_136 = arith.constant 0 : i32
    %dma_wait3A_137 = arith.constant 0 : i32
    %dma_wait3A_138 = tpu.memref_slice %arg2[%dma_wait3A_136, %dma_wait3A_137] : memref<10000x128xf32, #tpu.memory_space<hbm>> -> memref<128x128xf32, #tpu.memory_space<hbm>>
    tpu.wait_dma2 semaphore(%arg20 : memref<!tpu.dma_semaphore, #tpu.memory_space<semaphore_mem>>) src(%dma_wait3A_138 : memref<128x128xf32, #tpu.memory_space<hbm>>) dst(%arg16 : memref<128x128xf32, #tpu.memory_space<vmem>>)
    %dma_start3A_139 = arith.constant 0 : i32
    %dma_start3A_140 = arith.constant 0 : i32
    %dma_start3A_141 = tpu.memref_slice %arg18[%dma_start3A_139, %dma_start3A_140] : memref<10000x128xf32, #tpu.memory_space<vmem_shared>> -> memref<10000x128xf32, #tpu.memory_space<vmem_shared>>
    tpu.enqueue_indirect_dma source(%arg16 : memref<128x128xf32, #tpu.memory_space<vmem>>) target(%dma_start3A_141 : memref<10000x128xf32, #tpu.memory_space<vmem_shared>>) offsets(%arg11 : memref<128xi32, #tpu.memory_space<vmem>>) semaphore(%arg26 : memref<!tpu.dma_semaphore, #tpu.memory_space<semaphore_mem>>) {add = true}
    %dma_wait3A_142 = arith.constant 0 : i32
    %dma_wait3A_143 = arith.constant 0 : i32
    %dma_wait3A_144 = tpu.memref_slice %arg18[%dma_wait3A_142, %dma_wait3A_143] : memref<10000x128xf32, #tpu.memory_space<vmem_shared>> -> memref<10000x128xf32, #tpu.memory_space<vmem_shared>>
    tpu.wait_indirect_dma semaphore(%arg26 : memref<!tpu.dma_semaphore, #tpu.memory_space<semaphore_mem>>) src(%arg16 : memref<128x128xf32, #tpu.memory_space<vmem>>) dst(%dma_wait3A_144 : memref<10000x128xf32, #tpu.memory_space<vmem_shared>>)
    %dma_wait3A_145 = arith.constant 0 : i32
    %dma_wait3A_146 = arith.constant 0 : i32
    %dma_wait3A_147 = tpu.memref_slice %arg2[%dma_wait3A_145, %dma_wait3A_146] : memref<10000x128xf32, #tpu.memory_space<hbm>> -> memref<128x128xf32, #tpu.memory_space<hbm>>
    %dma_wait3A_148 = arith.constant 0 : i32
    %dma_wait3A_149 = arith.constant 0 : i32
    %dma_wait3A_150 = tpu.memref_slice %arg2[%dma_wait3A_148, %dma_wait3A_149] : memref<10000x128xf32, #tpu.memory_space<hbm>> -> memref<128x128xf32, #tpu.memory_space<hbm>>
    tpu.wait_dma2 semaphore(%arg21 : memref<!tpu.dma_semaphore, #tpu.memory_space<semaphore_mem>>) src(%dma_wait3A_150 : memref<128x128xf32, #tpu.memory_space<hbm>>) dst(%arg17 : memref<128x128xf32, #tpu.memory_space<vmem>>)
    %dma_start3A_151 = arith.constant 0 : i32
    %dma_start3A_152 = arith.constant 0 : i32
    %dma_start3A_153 = tpu.memref_slice %arg18[%dma_start3A_151, %dma_start3A_152] : memref<10000x128xf32, #tpu.memory_space<vmem_shared>> -> memref<10000x128xf32, #tpu.memory_space<vmem_shared>>
    tpu.enqueue_indirect_dma source(%arg17 : memref<128x128xf32, #tpu.memory_space<vmem>>) target(%dma_start3A_153 : memref<10000x128xf32, #tpu.memory_space<vmem_shared>>) offsets(%arg12 : memref<128xi32, #tpu.memory_space<vmem>>) semaphore(%arg27 : memref<!tpu.dma_semaphore, #tpu.memory_space<semaphore_mem>>) {add = true}
    %dma_wait3A_154 = arith.constant 0 : i32
    %dma_wait3A_155 = arith.constant 0 : i32
    %dma_wait3A_156 = tpu.memref_slice %arg18[%dma_wait3A_154, %dma_wait3A_155] : memref<10000x128xf32, #tpu.memory_space<vmem_shared>> -> memref<10000x128xf32, #tpu.memory_space<vmem_shared>>
    tpu.wait_indirect_dma semaphore(%arg27 : memref<!tpu.dma_semaphore, #tpu.memory_space<semaphore_mem>>) src(%arg17 : memref<128x128xf32, #tpu.memory_space<vmem>>) dst(%dma_wait3A_156 : memref<10000x128xf32, #tpu.memory_space<vmem_shared>>)
    %add3A_157 = arith.constant 9984 : i32
    %add3A_158 = arith.addi %mul3A_2, %add3A_157 : i32
    "tpu.region"() ({
      %run_scoped3A = tpu.sem_alloc : memref<!tpu.dma_semaphore, #tpu.memory_space<semaphore_mem>>
      %dma_start3A_179 = tpu.memref_slice %arg3[%add3A_158] : memref<320000xi32, #tpu.memory_space<hbm>> -> memref<16xi32, #tpu.memory_space<hbm>>
      %dma_start3A_180 = tpu.memref_slice %arg3[%add3A_158] : memref<320000xi32, #tpu.memory_space<hbm>> -> memref<16xi32, #tpu.memory_space<hbm>>
      tpu.enqueue_dma source(%dma_start3A_180 : memref<16xi32, #tpu.memory_space<hbm>>) target(%arg13 : memref<16xi32, #tpu.memory_space<vmem>>) target_semaphore(%run_scoped3A : memref<!tpu.dma_semaphore, #tpu.memory_space<semaphore_mem>>)
      %dma_wait3A_181 = tpu.memref_slice %arg3[%add3A_158] : memref<320000xi32, #tpu.memory_space<hbm>> -> memref<16xi32, #tpu.memory_space<hbm>>
      %dma_wait3A_182 = tpu.memref_slice %arg3[%add3A_158] : memref<320000xi32, #tpu.memory_space<hbm>> -> memref<16xi32, #tpu.memory_space<hbm>>
      tpu.wait_dma2 semaphore(%run_scoped3A : memref<!tpu.dma_semaphore, #tpu.memory_space<semaphore_mem>>) src(%dma_wait3A_182 : memref<16xi32, #tpu.memory_space<hbm>>) dst(%arg13 : memref<16xi32, #tpu.memory_space<vmem>>)
      tpu.yield
    }) : () -> ()
    %add3A_159 = arith.constant 9984 : i32
    %add3A_160 = arith.addi %mul3A_2, %add3A_159 : i32
    "tpu.region"() ({
      %run_scoped3A = tpu.sem_alloc : memref<!tpu.dma_semaphore, #tpu.memory_space<semaphore_mem>>
      %dma_start3A_179 = tpu.memref_slice %arg4[%add3A_160] : memref<320000xi32, #tpu.memory_space<hbm>> -> memref<16xi32, #tpu.memory_space<hbm>>
      %dma_start3A_180 = tpu.memref_slice %arg4[%add3A_160] : memref<320000xi32, #tpu.memory_space<hbm>> -> memref<16xi32, #tpu.memory_space<hbm>>
      tpu.enqueue_dma source(%dma_start3A_180 : memref<16xi32, #tpu.memory_space<hbm>>) target(%arg14 : memref<16xi32, #tpu.memory_space<vmem>>) target_semaphore(%run_scoped3A : memref<!tpu.dma_semaphore, #tpu.memory_space<semaphore_mem>>)
      %dma_wait3A_181 = tpu.memref_slice %arg4[%add3A_160] : memref<320000xi32, #tpu.memory_space<hbm>> -> memref<16xi32, #tpu.memory_space<hbm>>
      %dma_wait3A_182 = tpu.memref_slice %arg4[%add3A_160] : memref<320000xi32, #tpu.memory_space<hbm>> -> memref<16xi32, #tpu.memory_space<hbm>>
      tpu.wait_dma2 semaphore(%run_scoped3A : memref<!tpu.dma_semaphore, #tpu.memory_space<semaphore_mem>>) src(%dma_wait3A_182 : memref<16xi32, #tpu.memory_space<hbm>>) dst(%arg14 : memref<16xi32, #tpu.memory_space<vmem>>)
      tpu.yield
    }) : () -> ()
    %dma_start3A_161 = arith.constant 0 : i32
    %dma_start3A_162 = arith.constant 0 : i32
    %dma_start3A_163 = tpu.memref_slice %arg15[%dma_start3A_161, %dma_start3A_162] : memref<128x128xf32, #tpu.memory_space<vmem>> -> memref<16x128xf32, #tpu.memory_space<vmem>>
    %dma_start3A_164 = arith.constant 0 : i32
    %dma_start3A_165 = arith.constant 0 : i32
    %dma_start3A_166 = tpu.memref_slice %arg2[%dma_start3A_164, %dma_start3A_165] : memref<10000x128xf32, #tpu.memory_space<hbm>> -> memref<10000x128xf32, #tpu.memory_space<hbm>>
    tpu.enqueue_indirect_dma source(%dma_start3A_166 : memref<10000x128xf32, #tpu.memory_space<hbm>>) target(%dma_start3A_163 : memref<16x128xf32, #tpu.memory_space<vmem>>) offsets(%arg13 : memref<16xi32, #tpu.memory_space<vmem>>) semaphore(%arg19 : memref<!tpu.dma_semaphore, #tpu.memory_space<semaphore_mem>>)
    %dma_wait3A_167 = arith.constant 0 : i32
    %dma_wait3A_168 = arith.constant 0 : i32
    %dma_wait3A_169 = tpu.memref_slice %arg15[%dma_wait3A_167, %dma_wait3A_168] : memref<128x128xf32, #tpu.memory_space<vmem>> -> memref<16x128xf32, #tpu.memory_space<vmem>>
    %dma_wait3A_170 = arith.constant 0 : i32
    %dma_wait3A_171 = arith.constant 0 : i32
    %dma_wait3A_172 = tpu.memref_slice %arg2[%dma_wait3A_170, %dma_wait3A_171] : memref<10000x128xf32, #tpu.memory_space<hbm>> -> memref<10000x128xf32, #tpu.memory_space<hbm>>
    tpu.wait_indirect_dma semaphore(%arg19 : memref<!tpu.dma_semaphore, #tpu.memory_space<semaphore_mem>>) src(%dma_wait3A_172 : memref<10000x128xf32, #tpu.memory_space<hbm>>) dst(%dma_wait3A_169 : memref<16x128xf32, #tpu.memory_space<vmem>>)
    "tpu.region"() ({
      %run_scoped3A = tpu.sem_alloc : memref<!tpu.dma_semaphore, #tpu.memory_space<semaphore_mem>>
      %dma_start3A_179 = arith.constant 0 : i32
      %dma_start3A_180 = arith.constant 0 : i32
      %dma_start3A_181 = tpu.memref_slice %arg15[%dma_start3A_179, %dma_start3A_180] : memref<128x128xf32, #tpu.memory_space<vmem>> -> memref<16x128xf32, #tpu.memory_space<vmem>>
      %dma_start3A_182 = arith.constant 0 : i32
      %dma_start3A_183 = arith.constant 0 : i32
      %dma_start3A_184 = tpu.memref_slice %arg18[%dma_start3A_182, %dma_start3A_183] : memref<10000x128xf32, #tpu.memory_space<vmem_shared>> -> memref<10000x128xf32, #tpu.memory_space<vmem_shared>>
      tpu.enqueue_indirect_dma source(%dma_start3A_181 : memref<16x128xf32, #tpu.memory_space<vmem>>) target(%dma_start3A_184 : memref<10000x128xf32, #tpu.memory_space<vmem_shared>>) offsets(%arg14 : memref<16xi32, #tpu.memory_space<vmem>>) semaphore(%run_scoped3A : memref<!tpu.dma_semaphore, #tpu.memory_space<semaphore_mem>>) {add = true}
      %dma_wait3A_185 = arith.constant 0 : i32
      %dma_wait3A_186 = arith.constant 0 : i32
      %dma_wait3A_187 = tpu.memref_slice %arg15[%dma_wait3A_185, %dma_wait3A_186] : memref<128x128xf32, #tpu.memory_space<vmem>> -> memref<16x128xf32, #tpu.memory_space<vmem>>
      %dma_wait3A_188 = arith.constant 0 : i32
      %dma_wait3A_189 = arith.constant 0 : i32
      %dma_wait3A_190 = tpu.memref_slice %arg18[%dma_wait3A_188, %dma_wait3A_189] : memref<10000x128xf32, #tpu.memory_space<vmem_shared>> -> memref<10000x128xf32, #tpu.memory_space<vmem_shared>>
      tpu.wait_indirect_dma semaphore(%run_scoped3A : memref<!tpu.dma_semaphore, #tpu.memory_space<semaphore_mem>>) src(%dma_wait3A_187 : memref<16x128xf32, #tpu.memory_space<vmem>>) dst(%dma_wait3A_190 : memref<10000x128xf32, #tpu.memory_space<vmem_shared>>)
      tpu.yield
    }) : () -> ()
    %barrier3A_173 = arith.constant 0 : index
    tpu.barrier barrier_id(%barrier3A_173)
    %lt3A_174 = arith.constant 10 : i32
    %lt3A_175 = arith.cmpi slt, %arg1, %lt3A_174 : i32
    %convert_element_type3A_176 = arith.extui %lt3A_175 : i1 to i32
    %cond3A_177 = arith.constant 0 : i32
    %cond3A_178 = arith.cmpi ne, %convert_element_type3A_176, %cond3A_177 : i32
    scf.if %cond3A_178 {
      %mul3A_179 = arith.constant 1000 : i32
      %mul3A_180 = arith.muli %arg1, %mul3A_179 : i32
      %mul3A_181 = arith.constant 1000 : i32
      %mul3A_182 = arith.muli %arg1, %mul3A_181 : i32
      "tpu.region"() ({
        %run_scoped3A = tpu.sem_alloc : memref<!tpu.dma_semaphore, #tpu.memory_space<semaphore_mem>>
        %dma_start3A_183 = arith.constant 0 : i32
        %dma_start3A_184 = tpu.memref_slice %arg6[%arg0, %mul3A_182, %dma_start3A_183] : memref<2x10000x128xf32, #tpu.memory_space<hbm>> -> memref<1x1000x128xf32, #tpu.memory_space<hbm>>
        %dma_start3A_185 = tpu.memref_squeeze %dma_start3A_184 : memref<1x1000x128xf32, #tpu.memory_space<hbm>> -> memref<1000x128xf32, #tpu.memory_space<hbm>>
        %dma_start3A_186 = arith.constant 0 : i32
        %dma_start3A_187 = tpu.memref_slice %arg18[%mul3A_180, %dma_start3A_186] : memref<10000x128xf32, #tpu.memory_space<vmem_shared>> -> memref<1000x128xf32, #tpu.memory_space<vmem_shared>>
        tpu.enqueue_dma source(%dma_start3A_187 : memref<1000x128xf32, #tpu.memory_space<vmem_shared>>) target(%dma_start3A_185 : memref<1000x128xf32, #tpu.memory_space<hbm>>) target_semaphore(%run_scoped3A : memref<!tpu.dma_semaphore, #tpu.memory_space<semaphore_mem>>)
        %dma_wait3A_188 = arith.constant 0 : i32
        %dma_wait3A_189 = tpu.memref_slice %arg6[%arg0, %mul3A_182, %dma_wait3A_188] : memref<2x10000x128xf32, #tpu.memory_space<hbm>> -> memref<1x1000x128xf32, #tpu.memory_space<hbm>>
        %dma_wait3A_190 = tpu.memref_squeeze %dma_wait3A_189 : memref<1x1000x128xf32, #tpu.memory_space<hbm>> -> memref<1000x128xf32, #tpu.memory_space<hbm>>
        %dma_wait3A_191 = arith.constant 0 : i32
        %dma_wait3A_192 = tpu.memref_slice %arg18[%mul3A_180, %dma_wait3A_191] : memref<10000x128xf32, #tpu.memory_space<vmem_shared>> -> memref<1000x128xf32, #tpu.memory_space<vmem_shared>>
        tpu.wait_dma2 semaphore(%run_scoped3A : memref<!tpu.dma_semaphore, #tpu.memory_space<semaphore_mem>>) src(%dma_wait3A_192 : memref<1000x128xf32, #tpu.memory_space<vmem_shared>>) dst(%dma_wait3A_190 : memref<1000x128xf32, #tpu.memory_space<hbm>>)
        tpu.yield
      }) : () -> ()
    } else {
    }
    return
  }
}

#map = affine_map<(d0, d1) -> (0, 0)>
#map1 = affine_map<(d0, d1) -> (0)>
#map2 = affine_map<(d0, d1) -> (0, 0, 0)>
module attributes {stable_mosaic.version = 14 : i64} {
  func.func @spmm_kernel(%arg0: i32, %arg1: i32, %arg2: memref<10000x128xf32, #tpu.memory_space<hbm>>, %arg3: memref<320000xi32, #tpu.memory_space<hbm>>, %arg4: memref<320000xi32, #tpu.memory_space<hbm>>, %arg5: memref<1000x128xf32, #tpu.memory_space<hbm>>, %arg6: memref<2x10000x128xf32, #tpu.memory_space<hbm>>, %arg7: memref<128xi32, #tpu.memory_space<vmem>>, %arg8: memref<128xi32, #tpu.memory_space<vmem>>, %arg9: memref<128xi32, #tpu.memory_space<vmem>>, %arg10: memref<128xi32, #tpu.memory_space<vmem>>, %arg11: memref<128xi32, #tpu.memory_space<vmem>>, %arg12: memref<128xi32, #tpu.memory_space<vmem>>, %arg13: memref<16xi32, #tpu.memory_space<vmem>>, %arg14: memref<16xi32, #tpu.memory_space<vmem>>, %arg15: memref<128x128xf32, #tpu.memory_space<vmem>>, %arg16: memref<128x128xf32, #tpu.memory_space<vmem>>, %arg17: memref<128x128xf32, #tpu.memory_space<vmem>>, %arg18: memref<10000x128xf32, #tpu.memory_space<vmem_shared>>, %arg19: memref<!tpu.dma_semaphore, #tpu.memory_space<semaphore_mem>>, %arg20: memref<!tpu.dma_semaphore, #tpu.memory_space<semaphore_mem>>, %arg21: memref<!tpu.dma_semaphore, #tpu.memory_space<semaphore_mem>>, %arg22: memref<!tpu.dma_semaphore, #tpu.memory_space<semaphore_mem>>, %arg23: memref<!tpu.dma_semaphore, #tpu.memory_space<semaphore_mem>>, %arg24: memref<!tpu.dma_semaphore, #tpu.memory_space<semaphore_mem>>, %arg25: memref<!tpu.dma_semaphore, #tpu.memory_space<semaphore_mem>>, %arg26: memref<!tpu.dma_semaphore, #tpu.memory_space<semaphore_mem>>, %arg27: memref<!tpu.dma_semaphore, #tpu.memory_space<semaphore_mem>>) attributes {dimension_semantics = [#tpu.dimension_semantics<core_parallel>, #tpu.dimension_semantics<subcore_parallel>], iteration_bounds = array<i64: 2, 16>, scalar_prefetch = 0 : i64, scratch_operands = 21 : i64, tpu.core_type = #tpu.core_type<sc_vector_subcore>, window_params = [{transform_indices = #map}, {transform_indices = #map1}, {transform_indices = #map1}, {transform_indices = #map}, {transform_indices = #map2}]} {
    %mul3A = arith.constant 2 : i32
    %mul3A_0 = arith.muli %arg1, %mul3A : i32
    %add3A = arith.addi %mul3A_0, %arg0 : i32
    %mul3A_1 = arith.constant 10000 : i32
    %mul3A_2 = arith.muli %add3A, %mul3A_1 : i32
    %add3A_3 = arith.constant 0 : i32
    %add3A_4 = arith.addi %mul3A_2, %add3A_3 : i32
    %dma_start3A = tpu.memref_slice %arg3[%add3A_4] : memref<320000xi32, #tpu.memory_space<hbm>> -> memref<128xi32, #tpu.memory_space<hbm>>
    %dma_start3A_5 = tpu.memref_slice %arg3[%add3A_4] : memref<320000xi32, #tpu.memory_space<hbm>> -> memref<128xi32, #tpu.memory_space<hbm>>
    tpu.enqueue_dma source(%dma_start3A_5 : memref<128xi32, #tpu.memory_space<hbm>>) target(%arg7 : memref<128xi32, #tpu.memory_space<vmem>>) target_semaphore(%arg22 : memref<!tpu.dma_semaphore, #tpu.memory_space<semaphore_mem>>)
    %dma_start3A_6 = tpu.memref_slice %arg4[%add3A_4] : memref<320000xi32, #tpu.memory_space<hbm>> -> memref<128xi32, #tpu.memory_space<hbm>>
    %dma_start3A_7 = tpu.memref_slice %arg4[%add3A_4] : memref<320000xi32, #tpu.memory_space<hbm>> -> memref<128xi32, #tpu.memory_space<hbm>>
    tpu.enqueue_dma source(%dma_start3A_7 : memref<128xi32, #tpu.memory_space<hbm>>) target(%arg10 : memref<128xi32, #tpu.memory_space<vmem>>) target_semaphore(%arg22 : memref<!tpu.dma_semaphore, #tpu.memory_space<semaphore_mem>>)
    %add3A_8 = arith.constant 128 : i32
    %add3A_9 = arith.addi %mul3A_2, %add3A_8 : i32
    %dma_start3A_10 = tpu.memref_slice %arg3[%add3A_9] : memref<320000xi32, #tpu.memory_space<hbm>> -> memref<128xi32, #tpu.memory_space<hbm>>
    %dma_start3A_11 = tpu.memref_slice %arg3[%add3A_9] : memref<320000xi32, #tpu.memory_space<hbm>> -> memref<128xi32, #tpu.memory_space<hbm>>
    tpu.enqueue_dma source(%dma_start3A_11 : memref<128xi32, #tpu.memory_space<hbm>>) target(%arg8 : memref<128xi32, #tpu.memory_space<vmem>>) target_semaphore(%arg23 : memref<!tpu.dma_semaphore, #tpu.memory_space<semaphore_mem>>)
    %dma_start3A_12 = tpu.memref_slice %arg4[%add3A_9] : memref<320000xi32, #tpu.memory_space<hbm>> -> memref<128xi32, #tpu.memory_space<hbm>>
    %dma_start3A_13 = tpu.memref_slice %arg4[%add3A_9] : memref<320000xi32, #tpu.memory_space<hbm>> -> memref<128xi32, #tpu.memory_space<hbm>>
    tpu.enqueue_dma source(%dma_start3A_13 : memref<128xi32, #tpu.memory_space<hbm>>) target(%arg11 : memref<128xi32, #tpu.memory_space<vmem>>) target_semaphore(%arg23 : memref<!tpu.dma_semaphore, #tpu.memory_space<semaphore_mem>>)
    %lt3A = arith.constant 10 : i32
    %lt3A_14 = arith.cmpi slt, %arg1, %lt3A : i32
    %convert_element_type3A = arith.extui %lt3A_14 : i1 to i32
    %cond3A = arith.constant 0 : i32
    %cond3A_15 = arith.cmpi ne, %convert_element_type3A, %cond3A : i32
    scf.if %cond3A_15 {
      %mul3A_179 = arith.constant 1000 : i32
      %mul3A_180 = arith.muli %arg1, %mul3A_179 : i32
      "tpu.region"() ({
        %run_scoped3A = tpu.sem_alloc : memref<!tpu.dma_semaphore, #tpu.memory_space<semaphore_mem>>
        %dma_start3A_181 = arith.constant 0 : i32
        %dma_start3A_182 = tpu.memref_slice %arg18[%mul3A_180, %dma_start3A_181] : memref<10000x128xf32, #tpu.memory_space<vmem_shared>> -> memref<1000x128xf32, #tpu.memory_space<vmem_shared>>
        tpu.enqueue_dma source(%arg5 : memref<1000x128xf32, #tpu.memory_space<hbm>>) target(%dma_start3A_182 : memref<1000x128xf32, #tpu.memory_space<vmem_shared>>) target_semaphore(%run_scoped3A : memref<!tpu.dma_semaphore, #tpu.memory_space<semaphore_mem>>)
        %dma_wait3A_183 = arith.constant 0 : i32
        %dma_wait3A_184 = tpu.memref_slice %arg18[%mul3A_180, %dma_wait3A_183] : memref<10000x128xf32, #tpu.memory_space<vmem_shared>> -> memref<1000x128xf32, #tpu.memory_space<vmem_shared>>
        tpu.wait_dma2 semaphore(%run_scoped3A : memref<!tpu.dma_semaphore, #tpu.memory_space<semaphore_mem>>) src(%arg5 : memref<1000x128xf32, #tpu.memory_space<hbm>>) dst(%dma_wait3A_184 : memref<1000x128xf32, #tpu.memory_space<vmem_shared>>)
        tpu.yield
      }) : () -> ()
    } else {
    }
    %dma_wait3A = tpu.memref_slice %arg3[%mul3A_2] : memref<320000xi32, #tpu.memory_space<hbm>> -> memref<128xi32, #tpu.memory_space<hbm>>
    %dma_wait3A_16 = tpu.memref_slice %arg3[%mul3A_2] : memref<320000xi32, #tpu.memory_space<hbm>> -> memref<128xi32, #tpu.memory_space<hbm>>
    tpu.wait_dma2 semaphore(%arg22 : memref<!tpu.dma_semaphore, #tpu.memory_space<semaphore_mem>>) src(%dma_wait3A_16 : memref<128xi32, #tpu.memory_space<hbm>>) dst(%arg7 : memref<128xi32, #tpu.memory_space<vmem>>)
    %dma_wait3A_17 = tpu.memref_slice %arg4[%mul3A_2] : memref<320000xi32, #tpu.memory_space<hbm>> -> memref<128xi32, #tpu.memory_space<hbm>>
    %dma_wait3A_18 = tpu.memref_slice %arg4[%mul3A_2] : memref<320000xi32, #tpu.memory_space<hbm>> -> memref<128xi32, #tpu.memory_space<hbm>>
    tpu.wait_dma2 semaphore(%arg22 : memref<!tpu.dma_semaphore, #tpu.memory_space<semaphore_mem>>) src(%dma_wait3A_18 : memref<128xi32, #tpu.memory_space<hbm>>) dst(%arg10 : memref<128xi32, #tpu.memory_space<vmem>>)
    %dma_start3A_19 = arith.constant 0 : i32
    %dma_start3A_20 = arith.constant 0 : i32
    %dma_start3A_21 = tpu.memref_slice %arg2[%dma_start3A_19, %dma_start3A_20] : memref<10000x128xf32, #tpu.memory_space<hbm>> -> memref<10000x128xf32, #tpu.memory_space<hbm>>
    tpu.enqueue_indirect_dma source(%dma_start3A_21 : memref<10000x128xf32, #tpu.memory_space<hbm>>) target(%arg15 : memref<128x128xf32, #tpu.memory_space<vmem>>) offsets(%arg7 : memref<128xi32, #tpu.memory_space<vmem>>) semaphore(%arg19 : memref<!tpu.dma_semaphore, #tpu.memory_space<semaphore_mem>>)
    %barrier3A = arith.constant 0 : index
    tpu.barrier barrier_id(%barrier3A)
    %dma_wait3A_22 = tpu.memref_slice %arg3[%mul3A_2] : memref<320000xi32, #tpu.memory_space<hbm>> -> memref<128xi32, #tpu.memory_space<hbm>>
    %dma_wait3A_23 = tpu.memref_slice %arg3[%mul3A_2] : memref<320000xi32, #tpu.memory_space<hbm>> -> memref<128xi32, #tpu.memory_space<hbm>>
    tpu.wait_dma2 semaphore(%arg23 : memref<!tpu.dma_semaphore, #tpu.memory_space<semaphore_mem>>) src(%dma_wait3A_23 : memref<128xi32, #tpu.memory_space<hbm>>) dst(%arg8 : memref<128xi32, #tpu.memory_space<vmem>>)
    %dma_wait3A_24 = tpu.memref_slice %arg4[%mul3A_2] : memref<320000xi32, #tpu.memory_space<hbm>> -> memref<128xi32, #tpu.memory_space<hbm>>
    %dma_wait3A_25 = tpu.memref_slice %arg4[%mul3A_2] : memref<320000xi32, #tpu.memory_space<hbm>> -> memref<128xi32, #tpu.memory_space<hbm>>
    tpu.wait_dma2 semaphore(%arg23 : memref<!tpu.dma_semaphore, #tpu.memory_space<semaphore_mem>>) src(%dma_wait3A_25 : memref<128xi32, #tpu.memory_space<hbm>>) dst(%arg11 : memref<128xi32, #tpu.memory_space<vmem>>)
    %dma_start3A_26 = arith.constant 0 : i32
    %dma_start3A_27 = arith.constant 0 : i32
    %dma_start3A_28 = tpu.memref_slice %arg2[%dma_start3A_26, %dma_start3A_27] : memref<10000x128xf32, #tpu.memory_space<hbm>> -> memref<10000x128xf32, #tpu.memory_space<hbm>>
    tpu.enqueue_indirect_dma source(%dma_start3A_28 : memref<10000x128xf32, #tpu.memory_space<hbm>>) target(%arg16 : memref<128x128xf32, #tpu.memory_space<vmem>>) offsets(%arg8 : memref<128xi32, #tpu.memory_space<vmem>>) semaphore(%arg20 : memref<!tpu.dma_semaphore, #tpu.memory_space<semaphore_mem>>)
    %add3A_29 = arith.constant 256 : i32
    %add3A_30 = arith.addi %mul3A_2, %add3A_29 : i32
    %dma_start3A_31 = tpu.memref_slice %arg3[%add3A_30] : memref<320000xi32, #tpu.memory_space<hbm>> -> memref<128xi32, #tpu.memory_space<hbm>>
    %dma_start3A_32 = tpu.memref_slice %arg3[%add3A_30] : memref<320000xi32, #tpu.memory_space<hbm>> -> memref<128xi32, #tpu.memory_space<hbm>>
    tpu.enqueue_dma source(%dma_start3A_32 : memref<128xi32, #tpu.memory_space<hbm>>) target(%arg9 : memref<128xi32, #tpu.memory_space<vmem>>) target_semaphore(%arg24 : memref<!tpu.dma_semaphore, #tpu.memory_space<semaphore_mem>>)
    %dma_start3A_33 = tpu.memref_slice %arg4[%add3A_30] : memref<320000xi32, #tpu.memory_space<hbm>> -> memref<128xi32, #tpu.memory_space<hbm>>
    %dma_start3A_34 = tpu.memref_slice %arg4[%add3A_30] : memref<320000xi32, #tpu.memory_space<hbm>> -> memref<128xi32, #tpu.memory_space<hbm>>
    tpu.enqueue_dma source(%dma_start3A_34 : memref<128xi32, #tpu.memory_space<hbm>>) target(%arg12 : memref<128xi32, #tpu.memory_space<vmem>>) target_semaphore(%arg24 : memref<!tpu.dma_semaphore, #tpu.memory_space<semaphore_mem>>)
    %dma_wait3A_35 = arith.constant 0 : i32
    %dma_wait3A_36 = arith.constant 0 : i32
    %dma_wait3A_37 = tpu.memref_slice %arg2[%dma_wait3A_35, %dma_wait3A_36] : memref<10000x128xf32, #tpu.memory_space<hbm>> -> memref<128x128xf32, #tpu.memory_space<hbm>>
    %dma_wait3A_38 = arith.constant 0 : i32
    %dma_wait3A_39 = arith.constant 0 : i32
    %dma_wait3A_40 = tpu.memref_slice %arg2[%dma_wait3A_38, %dma_wait3A_39] : memref<10000x128xf32, #tpu.memory_space<hbm>> -> memref<128x128xf32, #tpu.memory_space<hbm>>
    tpu.wait_dma2 semaphore(%arg19 : memref<!tpu.dma_semaphore, #tpu.memory_space<semaphore_mem>>) src(%dma_wait3A_40 : memref<128x128xf32, #tpu.memory_space<hbm>>) dst(%arg15 : memref<128x128xf32, #tpu.memory_space<vmem>>)
    %dma_start3A_41 = arith.constant 0 : i32
    %dma_start3A_42 = arith.constant 0 : i32
    %dma_start3A_43 = tpu.memref_slice %arg18[%dma_start3A_41, %dma_start3A_42] : memref<10000x128xf32, #tpu.memory_space<vmem_shared>> -> memref<10000x128xf32, #tpu.memory_space<vmem_shared>>
    tpu.enqueue_indirect_dma source(%arg15 : memref<128x128xf32, #tpu.memory_space<vmem>>) target(%dma_start3A_43 : memref<10000x128xf32, #tpu.memory_space<vmem_shared>>) offsets(%arg10 : memref<128xi32, #tpu.memory_space<vmem>>) semaphore(%arg25 : memref<!tpu.dma_semaphore, #tpu.memory_space<semaphore_mem>>) {add = true}
    %dma_wait3A_44 = tpu.memref_slice %arg3[%mul3A_2] : memref<320000xi32, #tpu.memory_space<hbm>> -> memref<128xi32, #tpu.memory_space<hbm>>
    %dma_wait3A_45 = tpu.memref_slice %arg3[%mul3A_2] : memref<320000xi32, #tpu.memory_space<hbm>> -> memref<128xi32, #tpu.memory_space<hbm>>
    tpu.wait_dma2 semaphore(%arg24 : memref<!tpu.dma_semaphore, #tpu.memory_space<semaphore_mem>>) src(%dma_wait3A_45 : memref<128xi32, #tpu.memory_space<hbm>>) dst(%arg9 : memref<128xi32, #tpu.memory_space<vmem>>)
    %dma_wait3A_46 = tpu.memref_slice %arg4[%mul3A_2] : memref<320000xi32, #tpu.memory_space<hbm>> -> memref<128xi32, #tpu.memory_space<hbm>>
    %dma_wait3A_47 = tpu.memref_slice %arg4[%mul3A_2] : memref<320000xi32, #tpu.memory_space<hbm>> -> memref<128xi32, #tpu.memory_space<hbm>>
    tpu.wait_dma2 semaphore(%arg24 : memref<!tpu.dma_semaphore, #tpu.memory_space<semaphore_mem>>) src(%dma_wait3A_47 : memref<128xi32, #tpu.memory_space<hbm>>) dst(%arg12 : memref<128xi32, #tpu.memory_space<vmem>>)
    %dma_start3A_48 = arith.constant 0 : i32
    %dma_start3A_49 = arith.constant 0 : i32
    %dma_start3A_50 = tpu.memref_slice %arg2[%dma_start3A_48, %dma_start3A_49] : memref<10000x128xf32, #tpu.memory_space<hbm>> -> memref<10000x128xf32, #tpu.memory_space<hbm>>
    tpu.enqueue_indirect_dma source(%dma_start3A_50 : memref<10000x128xf32, #tpu.memory_space<hbm>>) target(%arg17 : memref<128x128xf32, #tpu.memory_space<vmem>>) offsets(%arg9 : memref<128xi32, #tpu.memory_space<vmem>>) semaphore(%arg21 : memref<!tpu.dma_semaphore, #tpu.memory_space<semaphore_mem>>)
    %dma_wait3A_51 = arith.constant 0 : i32
    %dma_wait3A_52 = arith.constant 0 : i32
    %dma_wait3A_53 = tpu.memref_slice %arg18[%dma_wait3A_51, %dma_wait3A_52] : memref<10000x128xf32, #tpu.memory_space<vmem_shared>> -> memref<10000x128xf32, #tpu.memory_space<vmem_shared>>
    tpu.wait_indirect_dma semaphore(%arg25 : memref<!tpu.dma_semaphore, #tpu.memory_space<semaphore_mem>>) src(%arg15 : memref<128x128xf32, #tpu.memory_space<vmem>>) dst(%dma_wait3A_53 : memref<10000x128xf32, #tpu.memory_space<vmem_shared>>)
    %add3A_54 = arith.constant 384 : i32
    %add3A_55 = arith.addi %mul3A_2, %add3A_54 : i32
    %dma_start3A_56 = tpu.memref_slice %arg3[%add3A_55] : memref<320000xi32, #tpu.memory_space<hbm>> -> memref<128xi32, #tpu.memory_space<hbm>>
    %dma_start3A_57 = tpu.memref_slice %arg3[%add3A_55] : memref<320000xi32, #tpu.memory_space<hbm>> -> memref<128xi32, #tpu.memory_space<hbm>>
    tpu.enqueue_dma source(%dma_start3A_57 : memref<128xi32, #tpu.memory_space<hbm>>) target(%arg7 : memref<128xi32, #tpu.memory_space<vmem>>) target_semaphore(%arg22 : memref<!tpu.dma_semaphore, #tpu.memory_space<semaphore_mem>>)
    %dma_start3A_58 = tpu.memref_slice %arg4[%add3A_55] : memref<320000xi32, #tpu.memory_space<hbm>> -> memref<128xi32, #tpu.memory_space<hbm>>
    %dma_start3A_59 = tpu.memref_slice %arg4[%add3A_55] : memref<320000xi32, #tpu.memory_space<hbm>> -> memref<128xi32, #tpu.memory_space<hbm>>
    tpu.enqueue_dma source(%dma_start3A_59 : memref<128xi32, #tpu.memory_space<hbm>>) target(%arg10 : memref<128xi32, #tpu.memory_space<vmem>>) target_semaphore(%arg22 : memref<!tpu.dma_semaphore, #tpu.memory_space<semaphore_mem>>)
    %dma_wait3A_60 = arith.constant 0 : i32
    %dma_wait3A_61 = arith.constant 0 : i32
    %dma_wait3A_62 = tpu.memref_slice %arg2[%dma_wait3A_60, %dma_wait3A_61] : memref<10000x128xf32, #tpu.memory_space<hbm>> -> memref<128x128xf32, #tpu.memory_space<hbm>>
    %dma_wait3A_63 = arith.constant 0 : i32
    %dma_wait3A_64 = arith.constant 0 : i32
    %dma_wait3A_65 = tpu.memref_slice %arg2[%dma_wait3A_63, %dma_wait3A_64] : memref<10000x128xf32, #tpu.memory_space<hbm>> -> memref<128x128xf32, #tpu.memory_space<hbm>>
    tpu.wait_dma2 semaphore(%arg20 : memref<!tpu.dma_semaphore, #tpu.memory_space<semaphore_mem>>) src(%dma_wait3A_65 : memref<128x128xf32, #tpu.memory_space<hbm>>) dst(%arg16 : memref<128x128xf32, #tpu.memory_space<vmem>>)
    %dma_start3A_66 = arith.constant 0 : i32
    %dma_start3A_67 = arith.constant 0 : i32
    %dma_start3A_68 = tpu.memref_slice %arg18[%dma_start3A_66, %dma_start3A_67] : memref<10000x128xf32, #tpu.memory_space<vmem_shared>> -> memref<10000x128xf32, #tpu.memory_space<vmem_shared>>
    tpu.enqueue_indirect_dma source(%arg16 : memref<128x128xf32, #tpu.memory_space<vmem>>) target(%dma_start3A_68 : memref<10000x128xf32, #tpu.memory_space<vmem_shared>>) offsets(%arg11 : memref<128xi32, #tpu.memory_space<vmem>>) semaphore(%arg26 : memref<!tpu.dma_semaphore, #tpu.memory_space<semaphore_mem>>) {add = true}
    %dma_wait3A_69 = tpu.memref_slice %arg3[%mul3A_2] : memref<320000xi32, #tpu.memory_space<hbm>> -> memref<128xi32, #tpu.memory_space<hbm>>
    %dma_wait3A_70 = tpu.memref_slice %arg3[%mul3A_2] : memref<320000xi32, #tpu.memory_space<hbm>> -> memref<128xi32, #tpu.memory_space<hbm>>
    tpu.wait_dma2 semaphore(%arg22 : memref<!tpu.dma_semaphore, #tpu.memory_space<semaphore_mem>>) src(%dma_wait3A_70 : memref<128xi32, #tpu.memory_space<hbm>>) dst(%arg7 : memref<128xi32, #tpu.memory_space<vmem>>)
    %dma_wait3A_71 = tpu.memref_slice %arg4[%mul3A_2] : memref<320000xi32, #tpu.memory_space<hbm>> -> memref<128xi32, #tpu.memory_space<hbm>>
    %dma_wait3A_72 = tpu.memref_slice %arg4[%mul3A_2] : memref<320000xi32, #tpu.memory_space<hbm>> -> memref<128xi32, #tpu.memory_space<hbm>>
    tpu.wait_dma2 semaphore(%arg22 : memref<!tpu.dma_semaphore, #tpu.memory_space<semaphore_mem>>) src(%dma_wait3A_72 : memref<128xi32, #tpu.memory_space<hbm>>) dst(%arg10 : memref<128xi32, #tpu.memory_space<vmem>>)
    %dma_start3A_73 = arith.constant 0 : i32
    %dma_start3A_74 = arith.constant 0 : i32
    %dma_start3A_75 = tpu.memref_slice %arg2[%dma_start3A_73, %dma_start3A_74] : memref<10000x128xf32, #tpu.memory_space<hbm>> -> memref<10000x128xf32, #tpu.memory_space<hbm>>
    tpu.enqueue_indirect_dma source(%dma_start3A_75 : memref<10000x128xf32, #tpu.memory_space<hbm>>) target(%arg15 : memref<128x128xf32, #tpu.memory_space<vmem>>) offsets(%arg7 : memref<128xi32, #tpu.memory_space<vmem>>) semaphore(%arg19 : memref<!tpu.dma_semaphore, #tpu.memory_space<semaphore_mem>>)
    %dma_wait3A_76 = arith.constant 0 : i32
    %dma_wait3A_77 = arith.constant 0 : i32
    %dma_wait3A_78 = tpu.memref_slice %arg18[%dma_wait3A_76, %dma_wait3A_77] : memref<10000x128xf32, #tpu.memory_space<vmem_shared>> -> memref<10000x128xf32, #tpu.memory_space<vmem_shared>>
    tpu.wait_indirect_dma semaphore(%arg26 : memref<!tpu.dma_semaphore, #tpu.memory_space<semaphore_mem>>) src(%arg16 : memref<128x128xf32, #tpu.memory_space<vmem>>) dst(%dma_wait3A_78 : memref<10000x128xf32, #tpu.memory_space<vmem_shared>>)
    %add3A_79 = arith.constant 512 : i32
    %add3A_80 = arith.addi %mul3A_2, %add3A_79 : i32
    %dma_start3A_81 = tpu.memref_slice %arg3[%add3A_80] : memref<320000xi32, #tpu.memory_space<hbm>> -> memref<128xi32, #tpu.memory_space<hbm>>
    %dma_start3A_82 = tpu.memref_slice %arg3[%add3A_80] : memref<320000xi32, #tpu.memory_space<hbm>> -> memref<128xi32, #tpu.memory_space<hbm>>
    tpu.enqueue_dma source(%dma_start3A_82 : memref<128xi32, #tpu.memory_space<hbm>>) target(%arg8 : memref<128xi32, #tpu.memory_space<vmem>>) target_semaphore(%arg23 : memref<!tpu.dma_semaphore, #tpu.memory_space<semaphore_mem>>)
    %dma_start3A_83 = tpu.memref_slice %arg4[%add3A_80] : memref<320000xi32, #tpu.memory_space<hbm>> -> memref<128xi32, #tpu.memory_space<hbm>>
    %dma_start3A_84 = tpu.memref_slice %arg4[%add3A_80] : memref<320000xi32, #tpu.memory_space<hbm>> -> memref<128xi32, #tpu.memory_space<hbm>>
    tpu.enqueue_dma source(%dma_start3A_84 : memref<128xi32, #tpu.memory_space<hbm>>) target(%arg11 : memref<128xi32, #tpu.memory_space<vmem>>) target_semaphore(%arg23 : memref<!tpu.dma_semaphore, #tpu.memory_space<semaphore_mem>>)
    %dma_wait3A_85 = arith.constant 0 : i32
    %dma_wait3A_86 = arith.constant 0 : i32
    %dma_wait3A_87 = tpu.memref_slice %arg2[%dma_wait3A_85, %dma_wait3A_86] : memref<10000x128xf32, #tpu.memory_space<hbm>> -> memref<128x128xf32, #tpu.memory_space<hbm>>
    %dma_wait3A_88 = arith.constant 0 : i32
    %dma_wait3A_89 = arith.constant 0 : i32
    %dma_wait3A_90 = tpu.memref_slice %arg2[%dma_wait3A_88, %dma_wait3A_89] : memref<10000x128xf32, #tpu.memory_space<hbm>> -> memref<128x128xf32, #tpu.memory_space<hbm>>
    tpu.wait_dma2 semaphore(%arg21 : memref<!tpu.dma_semaphore, #tpu.memory_space<semaphore_mem>>) src(%dma_wait3A_90 : memref<128x128xf32, #tpu.memory_space<hbm>>) dst(%arg17 : memref<128x128xf32, #tpu.memory_space<vmem>>)
    %dma_start3A_91 = arith.constant 0 : i32
    %dma_start3A_92 = arith.constant 0 : i32
    %dma_start3A_93 = tpu.memref_slice %arg18[%dma_start3A_91, %dma_start3A_92] : memref<10000x128xf32, #tpu.memory_space<vmem_shared>> -> memref<10000x128xf32, #tpu.memory_space<vmem_shared>>
    tpu.enqueue_indirect_dma source(%arg17 : memref<128x128xf32, #tpu.memory_space<vmem>>) target(%dma_start3A_93 : memref<10000x128xf32, #tpu.memory_space<vmem_shared>>) offsets(%arg12 : memref<128xi32, #tpu.memory_space<vmem>>) semaphore(%arg27 : memref<!tpu.dma_semaphore, #tpu.memory_space<semaphore_mem>>) {add = true}
    %scan3A = arith.constant 1 : i32
    %scan3A_94 = arith.constant 24 : i32
    %scan3A_95 = arith.addi %scan3A, %scan3A_94 : i32
    %scan3A_96 = arith.constant 1 : i32
    scf.for %scan3A_179 = %scan3A to %scan3A_95 step %scan3A_96  : i32 {
      %mul3A_180 = arith.constant 3 : i32
      %mul3A_181 = arith.muli %mul3A_180, %scan3A_179 : i32
      %dma_wait3A_182 = tpu.memref_slice %arg3[%mul3A_2] : memref<320000xi32, #tpu.memory_space<hbm>> -> memref<128xi32, #tpu.memory_space<hbm>>
      %dma_wait3A_183 = tpu.memref_slice %arg3[%mul3A_2] : memref<320000xi32, #tpu.memory_space<hbm>> -> memref<128xi32, #tpu.memory_space<hbm>>
      tpu.wait_dma2 semaphore(%arg23 : memref<!tpu.dma_semaphore, #tpu.memory_space<semaphore_mem>>) src(%dma_wait3A_183 : memref<128xi32, #tpu.memory_space<hbm>>) dst(%arg8 : memref<128xi32, #tpu.memory_space<vmem>>)
      %dma_wait3A_184 = tpu.memref_slice %arg4[%mul3A_2] : memref<320000xi32, #tpu.memory_space<hbm>> -> memref<128xi32, #tpu.memory_space<hbm>>
      %dma_wait3A_185 = tpu.memref_slice %arg4[%mul3A_2] : memref<320000xi32, #tpu.memory_space<hbm>> -> memref<128xi32, #tpu.memory_space<hbm>>
      tpu.wait_dma2 semaphore(%arg23 : memref<!tpu.dma_semaphore, #tpu.memory_space<semaphore_mem>>) src(%dma_wait3A_185 : memref<128xi32, #tpu.memory_space<hbm>>) dst(%arg11 : memref<128xi32, #tpu.memory_space<vmem>>)
      %dma_start3A_186 = arith.constant 0 : i32
      %dma_start3A_187 = arith.constant 0 : i32
      %dma_start3A_188 = tpu.memref_slice %arg2[%dma_start3A_186, %dma_start3A_187] : memref<10000x128xf32, #tpu.memory_space<hbm>> -> memref<10000x128xf32, #tpu.memory_space<hbm>>
      tpu.enqueue_indirect_dma source(%dma_start3A_188 : memref<10000x128xf32, #tpu.memory_space<hbm>>) target(%arg16 : memref<128x128xf32, #tpu.memory_space<vmem>>) offsets(%arg8 : memref<128xi32, #tpu.memory_space<vmem>>) semaphore(%arg20 : memref<!tpu.dma_semaphore, #tpu.memory_space<semaphore_mem>>)
      %dma_wait3A_189 = arith.constant 0 : i32
      %dma_wait3A_190 = arith.constant 0 : i32
      %dma_wait3A_191 = tpu.memref_slice %arg18[%dma_wait3A_189, %dma_wait3A_190] : memref<10000x128xf32, #tpu.memory_space<vmem_shared>> -> memref<10000x128xf32, #tpu.memory_space<vmem_shared>>
      tpu.wait_indirect_dma semaphore(%arg27 : memref<!tpu.dma_semaphore, #tpu.memory_space<semaphore_mem>>) src(%arg17 : memref<128x128xf32, #tpu.memory_space<vmem>>) dst(%dma_wait3A_191 : memref<10000x128xf32, #tpu.memory_space<vmem_shared>>)
      %add3A_192 = arith.constant 2 : i32
      %add3A_193 = arith.addi %mul3A_181, %add3A_192 : i32
      %mul3A_194 = arith.constant 128 : i32
      %mul3A_195 = arith.muli %add3A_193, %mul3A_194 : i32
      %add3A_196 = arith.addi %mul3A_2, %mul3A_195 : i32
      %dma_start3A_197 = tpu.memref_slice %arg3[%add3A_196] : memref<320000xi32, #tpu.memory_space<hbm>> -> memref<128xi32, #tpu.memory_space<hbm>>
      %dma_start3A_198 = tpu.memref_slice %arg3[%add3A_196] : memref<320000xi32, #tpu.memory_space<hbm>> -> memref<128xi32, #tpu.memory_space<hbm>>
      tpu.enqueue_dma source(%dma_start3A_198 : memref<128xi32, #tpu.memory_space<hbm>>) target(%arg9 : memref<128xi32, #tpu.memory_space<vmem>>) target_semaphore(%arg24 : memref<!tpu.dma_semaphore, #tpu.memory_space<semaphore_mem>>)
      %dma_start3A_199 = tpu.memref_slice %arg4[%add3A_196] : memref<320000xi32, #tpu.memory_space<hbm>> -> memref<128xi32, #tpu.memory_space<hbm>>
      %dma_start3A_200 = tpu.memref_slice %arg4[%add3A_196] : memref<320000xi32, #tpu.memory_space<hbm>> -> memref<128xi32, #tpu.memory_space<hbm>>
      tpu.enqueue_dma source(%dma_start3A_200 : memref<128xi32, #tpu.memory_space<hbm>>) target(%arg12 : memref<128xi32, #tpu.memory_space<vmem>>) target_semaphore(%arg24 : memref<!tpu.dma_semaphore, #tpu.memory_space<semaphore_mem>>)
      %dma_wait3A_201 = arith.constant 0 : i32
      %dma_wait3A_202 = arith.constant 0 : i32
      %dma_wait3A_203 = tpu.memref_slice %arg2[%dma_wait3A_201, %dma_wait3A_202] : memref<10000x128xf32, #tpu.memory_space<hbm>> -> memref<128x128xf32, #tpu.memory_space<hbm>>
      %dma_wait3A_204 = arith.constant 0 : i32
      %dma_wait3A_205 = arith.constant 0 : i32
      %dma_wait3A_206 = tpu.memref_slice %arg2[%dma_wait3A_204, %dma_wait3A_205] : memref<10000x128xf32, #tpu.memory_space<hbm>> -> memref<128x128xf32, #tpu.memory_space<hbm>>
      tpu.wait_dma2 semaphore(%arg19 : memref<!tpu.dma_semaphore, #tpu.memory_space<semaphore_mem>>) src(%dma_wait3A_206 : memref<128x128xf32, #tpu.memory_space<hbm>>) dst(%arg15 : memref<128x128xf32, #tpu.memory_space<vmem>>)
      %dma_start3A_207 = arith.constant 0 : i32
      %dma_start3A_208 = arith.constant 0 : i32
      %dma_start3A_209 = tpu.memref_slice %arg18[%dma_start3A_207, %dma_start3A_208] : memref<10000x128xf32, #tpu.memory_space<vmem_shared>> -> memref<10000x128xf32, #tpu.memory_space<vmem_shared>>
      tpu.enqueue_indirect_dma source(%arg15 : memref<128x128xf32, #tpu.memory_space<vmem>>) target(%dma_start3A_209 : memref<10000x128xf32, #tpu.memory_space<vmem_shared>>) offsets(%arg10 : memref<128xi32, #tpu.memory_space<vmem>>) semaphore(%arg25 : memref<!tpu.dma_semaphore, #tpu.memory_space<semaphore_mem>>) {add = true}
      %mul3A_210 = arith.constant 3 : i32
      %mul3A_211 = arith.muli %mul3A_210, %scan3A_179 : i32
      %add3A_212 = arith.constant 1 : i32
      %add3A_213 = arith.addi %mul3A_211, %add3A_212 : i32
      %dma_wait3A_214 = tpu.memref_slice %arg3[%mul3A_2] : memref<320000xi32, #tpu.memory_space<hbm>> -> memref<128xi32, #tpu.memory_space<hbm>>
      %dma_wait3A_215 = tpu.memref_slice %arg3[%mul3A_2] : memref<320000xi32, #tpu.memory_space<hbm>> -> memref<128xi32, #tpu.memory_space<hbm>>
      tpu.wait_dma2 semaphore(%arg24 : memref<!tpu.dma_semaphore, #tpu.memory_space<semaphore_mem>>) src(%dma_wait3A_215 : memref<128xi32, #tpu.memory_space<hbm>>) dst(%arg9 : memref<128xi32, #tpu.memory_space<vmem>>)
      %dma_wait3A_216 = tpu.memref_slice %arg4[%mul3A_2] : memref<320000xi32, #tpu.memory_space<hbm>> -> memref<128xi32, #tpu.memory_space<hbm>>
      %dma_wait3A_217 = tpu.memref_slice %arg4[%mul3A_2] : memref<320000xi32, #tpu.memory_space<hbm>> -> memref<128xi32, #tpu.memory_space<hbm>>
      tpu.wait_dma2 semaphore(%arg24 : memref<!tpu.dma_semaphore, #tpu.memory_space<semaphore_mem>>) src(%dma_wait3A_217 : memref<128xi32, #tpu.memory_space<hbm>>) dst(%arg12 : memref<128xi32, #tpu.memory_space<vmem>>)
      %dma_start3A_218 = arith.constant 0 : i32
      %dma_start3A_219 = arith.constant 0 : i32
      %dma_start3A_220 = tpu.memref_slice %arg2[%dma_start3A_218, %dma_start3A_219] : memref<10000x128xf32, #tpu.memory_space<hbm>> -> memref<10000x128xf32, #tpu.memory_space<hbm>>
      tpu.enqueue_indirect_dma source(%dma_start3A_220 : memref<10000x128xf32, #tpu.memory_space<hbm>>) target(%arg17 : memref<128x128xf32, #tpu.memory_space<vmem>>) offsets(%arg9 : memref<128xi32, #tpu.memory_space<vmem>>) semaphore(%arg21 : memref<!tpu.dma_semaphore, #tpu.memory_space<semaphore_mem>>)
      %dma_wait3A_221 = arith.constant 0 : i32
      %dma_wait3A_222 = arith.constant 0 : i32
      %dma_wait3A_223 = tpu.memref_slice %arg18[%dma_wait3A_221, %dma_wait3A_222] : memref<10000x128xf32, #tpu.memory_space<vmem_shared>> -> memref<10000x128xf32, #tpu.memory_space<vmem_shared>>
      tpu.wait_indirect_dma semaphore(%arg25 : memref<!tpu.dma_semaphore, #tpu.memory_space<semaphore_mem>>) src(%arg15 : memref<128x128xf32, #tpu.memory_space<vmem>>) dst(%dma_wait3A_223 : memref<10000x128xf32, #tpu.memory_space<vmem_shared>>)
      %add3A_224 = arith.constant 2 : i32
      %add3A_225 = arith.addi %add3A_213, %add3A_224 : i32
      %mul3A_226 = arith.constant 128 : i32
      %mul3A_227 = arith.muli %add3A_225, %mul3A_226 : i32
      %add3A_228 = arith.addi %mul3A_2, %mul3A_227 : i32
      %dma_start3A_229 = tpu.memref_slice %arg3[%add3A_228] : memref<320000xi32, #tpu.memory_space<hbm>> -> memref<128xi32, #tpu.memory_space<hbm>>
      %dma_start3A_230 = tpu.memref_slice %arg3[%add3A_228] : memref<320000xi32, #tpu.memory_space<hbm>> -> memref<128xi32, #tpu.memory_space<hbm>>
      tpu.enqueue_dma source(%dma_start3A_230 : memref<128xi32, #tpu.memory_space<hbm>>) target(%arg7 : memref<128xi32, #tpu.memory_space<vmem>>) target_semaphore(%arg22 : memref<!tpu.dma_semaphore, #tpu.memory_space<semaphore_mem>>)
      %dma_start3A_231 = tpu.memref_slice %arg4[%add3A_228] : memref<320000xi32, #tpu.memory_space<hbm>> -> memref<128xi32, #tpu.memory_space<hbm>>
      %dma_start3A_232 = tpu.memref_slice %arg4[%add3A_228] : memref<320000xi32, #tpu.memory_space<hbm>> -> memref<128xi32, #tpu.memory_space<hbm>>
      tpu.enqueue_dma source(%dma_start3A_232 : memref<128xi32, #tpu.memory_space<hbm>>) target(%arg10 : memref<128xi32, #tpu.memory_space<vmem>>) target_semaphore(%arg22 : memref<!tpu.dma_semaphore, #tpu.memory_space<semaphore_mem>>)
      %dma_wait3A_233 = arith.constant 0 : i32
      %dma_wait3A_234 = arith.constant 0 : i32
      %dma_wait3A_235 = tpu.memref_slice %arg2[%dma_wait3A_233, %dma_wait3A_234] : memref<10000x128xf32, #tpu.memory_space<hbm>> -> memref<128x128xf32, #tpu.memory_space<hbm>>
      %dma_wait3A_236 = arith.constant 0 : i32
      %dma_wait3A_237 = arith.constant 0 : i32
      %dma_wait3A_238 = tpu.memref_slice %arg2[%dma_wait3A_236, %dma_wait3A_237] : memref<10000x128xf32, #tpu.memory_space<hbm>> -> memref<128x128xf32, #tpu.memory_space<hbm>>
      tpu.wait_dma2 semaphore(%arg20 : memref<!tpu.dma_semaphore, #tpu.memory_space<semaphore_mem>>) src(%dma_wait3A_238 : memref<128x128xf32, #tpu.memory_space<hbm>>) dst(%arg16 : memref<128x128xf32, #tpu.memory_space<vmem>>)
      %dma_start3A_239 = arith.constant 0 : i32
      %dma_start3A_240 = arith.constant 0 : i32
      %dma_start3A_241 = tpu.memref_slice %arg18[%dma_start3A_239, %dma_start3A_240] : memref<10000x128xf32, #tpu.memory_space<vmem_shared>> -> memref<10000x128xf32, #tpu.memory_space<vmem_shared>>
      tpu.enqueue_indirect_dma source(%arg16 : memref<128x128xf32, #tpu.memory_space<vmem>>) target(%dma_start3A_241 : memref<10000x128xf32, #tpu.memory_space<vmem_shared>>) offsets(%arg11 : memref<128xi32, #tpu.memory_space<vmem>>) semaphore(%arg26 : memref<!tpu.dma_semaphore, #tpu.memory_space<semaphore_mem>>) {add = true}
      %mul3A_242 = arith.constant 3 : i32
      %mul3A_243 = arith.muli %mul3A_242, %scan3A_179 : i32
      %add3A_244 = arith.constant 2 : i32
      %add3A_245 = arith.addi %mul3A_243, %add3A_244 : i32
      %dma_wait3A_246 = tpu.memref_slice %arg3[%mul3A_2] : memref<320000xi32, #tpu.memory_space<hbm>> -> memref<128xi32, #tpu.memory_space<hbm>>
      %dma_wait3A_247 = tpu.memref_slice %arg3[%mul3A_2] : memref<320000xi32, #tpu.memory_space<hbm>> -> memref<128xi32, #tpu.memory_space<hbm>>
      tpu.wait_dma2 semaphore(%arg22 : memref<!tpu.dma_semaphore, #tpu.memory_space<semaphore_mem>>) src(%dma_wait3A_247 : memref<128xi32, #tpu.memory_space<hbm>>) dst(%arg7 : memref<128xi32, #tpu.memory_space<vmem>>)
      %dma_wait3A_248 = tpu.memref_slice %arg4[%mul3A_2] : memref<320000xi32, #tpu.memory_space<hbm>> -> memref<128xi32, #tpu.memory_space<hbm>>
      %dma_wait3A_249 = tpu.memref_slice %arg4[%mul3A_2] : memref<320000xi32, #tpu.memory_space<hbm>> -> memref<128xi32, #tpu.memory_space<hbm>>
      tpu.wait_dma2 semaphore(%arg22 : memref<!tpu.dma_semaphore, #tpu.memory_space<semaphore_mem>>) src(%dma_wait3A_249 : memref<128xi32, #tpu.memory_space<hbm>>) dst(%arg10 : memref<128xi32, #tpu.memory_space<vmem>>)
      %dma_start3A_250 = arith.constant 0 : i32
      %dma_start3A_251 = arith.constant 0 : i32
      %dma_start3A_252 = tpu.memref_slice %arg2[%dma_start3A_250, %dma_start3A_251] : memref<10000x128xf32, #tpu.memory_space<hbm>> -> memref<10000x128xf32, #tpu.memory_space<hbm>>
      tpu.enqueue_indirect_dma source(%dma_start3A_252 : memref<10000x128xf32, #tpu.memory_space<hbm>>) target(%arg15 : memref<128x128xf32, #tpu.memory_space<vmem>>) offsets(%arg7 : memref<128xi32, #tpu.memory_space<vmem>>) semaphore(%arg19 : memref<!tpu.dma_semaphore, #tpu.memory_space<semaphore_mem>>)
      %dma_wait3A_253 = arith.constant 0 : i32
      %dma_wait3A_254 = arith.constant 0 : i32
      %dma_wait3A_255 = tpu.memref_slice %arg18[%dma_wait3A_253, %dma_wait3A_254] : memref<10000x128xf32, #tpu.memory_space<vmem_shared>> -> memref<10000x128xf32, #tpu.memory_space<vmem_shared>>
      tpu.wait_indirect_dma semaphore(%arg26 : memref<!tpu.dma_semaphore, #tpu.memory_space<semaphore_mem>>) src(%arg16 : memref<128x128xf32, #tpu.memory_space<vmem>>) dst(%dma_wait3A_255 : memref<10000x128xf32, #tpu.memory_space<vmem_shared>>)
      %add3A_256 = arith.constant 2 : i32
      %add3A_257 = arith.addi %add3A_245, %add3A_256 : i32
      %mul3A_258 = arith.constant 128 : i32
      %mul3A_259 = arith.muli %add3A_257, %mul3A_258 : i32
      %add3A_260 = arith.addi %mul3A_2, %mul3A_259 : i32
      %dma_start3A_261 = tpu.memref_slice %arg3[%add3A_260] : memref<320000xi32, #tpu.memory_space<hbm>> -> memref<128xi32, #tpu.memory_space<hbm>>
      %dma_start3A_262 = tpu.memref_slice %arg3[%add3A_260] : memref<320000xi32, #tpu.memory_space<hbm>> -> memref<128xi32, #tpu.memory_space<hbm>>
      tpu.enqueue_dma source(%dma_start3A_262 : memref<128xi32, #tpu.memory_space<hbm>>) target(%arg8 : memref<128xi32, #tpu.memory_space<vmem>>) target_semaphore(%arg23 : memref<!tpu.dma_semaphore, #tpu.memory_space<semaphore_mem>>)
      %dma_start3A_263 = tpu.memref_slice %arg4[%add3A_260] : memref<320000xi32, #tpu.memory_space<hbm>> -> memref<128xi32, #tpu.memory_space<hbm>>
      %dma_start3A_264 = tpu.memref_slice %arg4[%add3A_260] : memref<320000xi32, #tpu.memory_space<hbm>> -> memref<128xi32, #tpu.memory_space<hbm>>
      tpu.enqueue_dma source(%dma_start3A_264 : memref<128xi32, #tpu.memory_space<hbm>>) target(%arg11 : memref<128xi32, #tpu.memory_space<vmem>>) target_semaphore(%arg23 : memref<!tpu.dma_semaphore, #tpu.memory_space<semaphore_mem>>)
      %dma_wait3A_265 = arith.constant 0 : i32
      %dma_wait3A_266 = arith.constant 0 : i32
      %dma_wait3A_267 = tpu.memref_slice %arg2[%dma_wait3A_265, %dma_wait3A_266] : memref<10000x128xf32, #tpu.memory_space<hbm>> -> memref<128x128xf32, #tpu.memory_space<hbm>>
      %dma_wait3A_268 = arith.constant 0 : i32
      %dma_wait3A_269 = arith.constant 0 : i32
      %dma_wait3A_270 = tpu.memref_slice %arg2[%dma_wait3A_268, %dma_wait3A_269] : memref<10000x128xf32, #tpu.memory_space<hbm>> -> memref<128x128xf32, #tpu.memory_space<hbm>>
      tpu.wait_dma2 semaphore(%arg21 : memref<!tpu.dma_semaphore, #tpu.memory_space<semaphore_mem>>) src(%dma_wait3A_270 : memref<128x128xf32, #tpu.memory_space<hbm>>) dst(%arg17 : memref<128x128xf32, #tpu.memory_space<vmem>>)
      %dma_start3A_271 = arith.constant 0 : i32
      %dma_start3A_272 = arith.constant 0 : i32
      %dma_start3A_273 = tpu.memref_slice %arg18[%dma_start3A_271, %dma_start3A_272] : memref<10000x128xf32, #tpu.memory_space<vmem_shared>> -> memref<10000x128xf32, #tpu.memory_space<vmem_shared>>
      tpu.enqueue_indirect_dma source(%arg17 : memref<128x128xf32, #tpu.memory_space<vmem>>) target(%dma_start3A_273 : memref<10000x128xf32, #tpu.memory_space<vmem_shared>>) offsets(%arg12 : memref<128xi32, #tpu.memory_space<vmem>>) semaphore(%arg27 : memref<!tpu.dma_semaphore, #tpu.memory_space<semaphore_mem>>) {add = true}
    }
    %scan3A_97 = arith.constant 24 : i32
    %dma_wait3A_98 = tpu.memref_slice %arg3[%mul3A_2] : memref<320000xi32, #tpu.memory_space<hbm>> -> memref<128xi32, #tpu.memory_space<hbm>>
    %dma_wait3A_99 = tpu.memref_slice %arg3[%mul3A_2] : memref<320000xi32, #tpu.memory_space<hbm>> -> memref<128xi32, #tpu.memory_space<hbm>>
    tpu.wait_dma2 semaphore(%arg23 : memref<!tpu.dma_semaphore, #tpu.memory_space<semaphore_mem>>) src(%dma_wait3A_99 : memref<128xi32, #tpu.memory_space<hbm>>) dst(%arg8 : memref<128xi32, #tpu.memory_space<vmem>>)
    %dma_wait3A_100 = tpu.memref_slice %arg4[%mul3A_2] : memref<320000xi32, #tpu.memory_space<hbm>> -> memref<128xi32, #tpu.memory_space<hbm>>
    %dma_wait3A_101 = tpu.memref_slice %arg4[%mul3A_2] : memref<320000xi32, #tpu.memory_space<hbm>> -> memref<128xi32, #tpu.memory_space<hbm>>
    tpu.wait_dma2 semaphore(%arg23 : memref<!tpu.dma_semaphore, #tpu.memory_space<semaphore_mem>>) src(%dma_wait3A_101 : memref<128xi32, #tpu.memory_space<hbm>>) dst(%arg11 : memref<128xi32, #tpu.memory_space<vmem>>)
    %dma_start3A_102 = arith.constant 0 : i32
    %dma_start3A_103 = arith.constant 0 : i32
    %dma_start3A_104 = tpu.memref_slice %arg2[%dma_start3A_102, %dma_start3A_103] : memref<10000x128xf32, #tpu.memory_space<hbm>> -> memref<10000x128xf32, #tpu.memory_space<hbm>>
    tpu.enqueue_indirect_dma source(%dma_start3A_104 : memref<10000x128xf32, #tpu.memory_space<hbm>>) target(%arg16 : memref<128x128xf32, #tpu.memory_space<vmem>>) offsets(%arg8 : memref<128xi32, #tpu.memory_space<vmem>>) semaphore(%arg20 : memref<!tpu.dma_semaphore, #tpu.memory_space<semaphore_mem>>)
    %dma_wait3A_105 = arith.constant 0 : i32
    %dma_wait3A_106 = arith.constant 0 : i32
    %dma_wait3A_107 = tpu.memref_slice %arg18[%dma_wait3A_105, %dma_wait3A_106] : memref<10000x128xf32, #tpu.memory_space<vmem_shared>> -> memref<10000x128xf32, #tpu.memory_space<vmem_shared>>
    tpu.wait_indirect_dma semaphore(%arg27 : memref<!tpu.dma_semaphore, #tpu.memory_space<semaphore_mem>>) src(%arg17 : memref<128x128xf32, #tpu.memory_space<vmem>>) dst(%dma_wait3A_107 : memref<10000x128xf32, #tpu.memory_space<vmem_shared>>)
    %add3A_108 = arith.constant 9856 : i32
    %add3A_109 = arith.addi %mul3A_2, %add3A_108 : i32
    %dma_start3A_110 = tpu.memref_slice %arg3[%add3A_109] : memref<320000xi32, #tpu.memory_space<hbm>> -> memref<128xi32, #tpu.memory_space<hbm>>
    %dma_start3A_111 = tpu.memref_slice %arg3[%add3A_109] : memref<320000xi32, #tpu.memory_space<hbm>> -> memref<128xi32, #tpu.memory_space<hbm>>
    tpu.enqueue_dma source(%dma_start3A_111 : memref<128xi32, #tpu.memory_space<hbm>>) target(%arg9 : memref<128xi32, #tpu.memory_space<vmem>>) target_semaphore(%arg24 : memref<!tpu.dma_semaphore, #tpu.memory_space<semaphore_mem>>)
    %dma_start3A_112 = tpu.memref_slice %arg4[%add3A_109] : memref<320000xi32, #tpu.memory_space<hbm>> -> memref<128xi32, #tpu.memory_space<hbm>>
    %dma_start3A_113 = tpu.memref_slice %arg4[%add3A_109] : memref<320000xi32, #tpu.memory_space<hbm>> -> memref<128xi32, #tpu.memory_space<hbm>>
    tpu.enqueue_dma source(%dma_start3A_113 : memref<128xi32, #tpu.memory_space<hbm>>) target(%arg12 : memref<128xi32, #tpu.memory_space<vmem>>) target_semaphore(%arg24 : memref<!tpu.dma_semaphore, #tpu.memory_space<semaphore_mem>>)
    %dma_wait3A_114 = arith.constant 0 : i32
    %dma_wait3A_115 = arith.constant 0 : i32
    %dma_wait3A_116 = tpu.memref_slice %arg2[%dma_wait3A_114, %dma_wait3A_115] : memref<10000x128xf32, #tpu.memory_space<hbm>> -> memref<128x128xf32, #tpu.memory_space<hbm>>
    %dma_wait3A_117 = arith.constant 0 : i32
    %dma_wait3A_118 = arith.constant 0 : i32
    %dma_wait3A_119 = tpu.memref_slice %arg2[%dma_wait3A_117, %dma_wait3A_118] : memref<10000x128xf32, #tpu.memory_space<hbm>> -> memref<128x128xf32, #tpu.memory_space<hbm>>
    tpu.wait_dma2 semaphore(%arg19 : memref<!tpu.dma_semaphore, #tpu.memory_space<semaphore_mem>>) src(%dma_wait3A_119 : memref<128x128xf32, #tpu.memory_space<hbm>>) dst(%arg15 : memref<128x128xf32, #tpu.memory_space<vmem>>)
    %dma_start3A_120 = arith.constant 0 : i32
    %dma_start3A_121 = arith.constant 0 : i32
    %dma_start3A_122 = tpu.memref_slice %arg18[%dma_start3A_120, %dma_start3A_121] : memref<10000x128xf32, #tpu.memory_space<vmem_shared>> -> memref<10000x128xf32, #tpu.memory_space<vmem_shared>>
    tpu.enqueue_indirect_dma source(%arg15 : memref<128x128xf32, #tpu.memory_space<vmem>>) target(%dma_start3A_122 : memref<10000x128xf32, #tpu.memory_space<vmem_shared>>) offsets(%arg10 : memref<128xi32, #tpu.memory_space<vmem>>) semaphore(%arg25 : memref<!tpu.dma_semaphore, #tpu.memory_space<semaphore_mem>>) {add = true}
    %dma_wait3A_123 = tpu.memref_slice %arg3[%mul3A_2] : memref<320000xi32, #tpu.memory_space<hbm>> -> memref<128xi32, #tpu.memory_space<hbm>>
    %dma_wait3A_124 = tpu.memref_slice %arg3[%mul3A_2] : memref<320000xi32, #tpu.memory_space<hbm>> -> memref<128xi32, #tpu.memory_space<hbm>>
    tpu.wait_dma2 semaphore(%arg24 : memref<!tpu.dma_semaphore, #tpu.memory_space<semaphore_mem>>) src(%dma_wait3A_124 : memref<128xi32, #tpu.memory_space<hbm>>) dst(%arg9 : memref<128xi32, #tpu.memory_space<vmem>>)
    %dma_wait3A_125 = tpu.memref_slice %arg4[%mul3A_2] : memref<320000xi32, #tpu.memory_space<hbm>> -> memref<128xi32, #tpu.memory_space<hbm>>
    %dma_wait3A_126 = tpu.memref_slice %arg4[%mul3A_2] : memref<320000xi32, #tpu.memory_space<hbm>> -> memref<128xi32, #tpu.memory_space<hbm>>
    tpu.wait_dma2 semaphore(%arg24 : memref<!tpu.dma_semaphore, #tpu.memory_space<semaphore_mem>>) src(%dma_wait3A_126 : memref<128xi32, #tpu.memory_space<hbm>>) dst(%arg12 : memref<128xi32, #tpu.memory_space<vmem>>)
    %dma_start3A_127 = arith.constant 0 : i32
    %dma_start3A_128 = arith.constant 0 : i32
    %dma_start3A_129 = tpu.memref_slice %arg2[%dma_start3A_127, %dma_start3A_128] : memref<10000x128xf32, #tpu.memory_space<hbm>> -> memref<10000x128xf32, #tpu.memory_space<hbm>>
    tpu.enqueue_indirect_dma source(%dma_start3A_129 : memref<10000x128xf32, #tpu.memory_space<hbm>>) target(%arg17 : memref<128x128xf32, #tpu.memory_space<vmem>>) offsets(%arg9 : memref<128xi32, #tpu.memory_space<vmem>>) semaphore(%arg21 : memref<!tpu.dma_semaphore, #tpu.memory_space<semaphore_mem>>)
    %dma_wait3A_130 = arith.constant 0 : i32
    %dma_wait3A_131 = arith.constant 0 : i32
    %dma_wait3A_132 = tpu.memref_slice %arg18[%dma_wait3A_130, %dma_wait3A_131] : memref<10000x128xf32, #tpu.memory_space<vmem_shared>> -> memref<10000x128xf32, #tpu.memory_space<vmem_shared>>
    tpu.wait_indirect_dma semaphore(%arg25 : memref<!tpu.dma_semaphore, #tpu.memory_space<semaphore_mem>>) src(%arg15 : memref<128x128xf32, #tpu.memory_space<vmem>>) dst(%dma_wait3A_132 : memref<10000x128xf32, #tpu.memory_space<vmem_shared>>)
    %dma_wait3A_133 = arith.constant 0 : i32
    %dma_wait3A_134 = arith.constant 0 : i32
    %dma_wait3A_135 = tpu.memref_slice %arg2[%dma_wait3A_133, %dma_wait3A_134] : memref<10000x128xf32, #tpu.memory_space<hbm>> -> memref<128x128xf32, #tpu.memory_space<hbm>>
    %dma_wait3A_136 = arith.constant 0 : i32
    %dma_wait3A_137 = arith.constant 0 : i32
    %dma_wait3A_138 = tpu.memref_slice %arg2[%dma_wait3A_136, %dma_wait3A_137] : memref<10000x128xf32, #tpu.memory_space<hbm>> -> memref<128x128xf32, #tpu.memory_space<hbm>>
    tpu.wait_dma2 semaphore(%arg20 : memref<!tpu.dma_semaphore, #tpu.memory_space<semaphore_mem>>) src(%dma_wait3A_138 : memref<128x128xf32, #tpu.memory_space<hbm>>) dst(%arg16 : memref<128x128xf32, #tpu.memory_space<vmem>>)
    %dma_start3A_139 = arith.constant 0 : i32
    %dma_start3A_140 = arith.constant 0 : i32
    %dma_start3A_141 = tpu.memref_slice %arg18[%dma_start3A_139, %dma_start3A_140] : memref<10000x128xf32, #tpu.memory_space<vmem_shared>> -> memref<10000x128xf32, #tpu.memory_space<vmem_shared>>
    tpu.enqueue_indirect_dma source(%arg16 : memref<128x128xf32, #tpu.memory_space<vmem>>) target(%dma_start3A_141 : memref<10000x128xf32, #tpu.memory_space<vmem_shared>>) offsets(%arg11 : memref<128xi32, #tpu.memory_space<vmem>>) semaphore(%arg26 : memref<!tpu.dma_semaphore, #tpu.memory_space<semaphore_mem>>) {add = true}
    %dma_wait3A_142 = arith.constant 0 : i32
    %dma_wait3A_143 = arith.constant 0 : i32
    %dma_wait3A_144 = tpu.memref_slice %arg18[%dma_wait3A_142, %dma_wait3A_143] : memref<10000x128xf32, #tpu.memory_space<vmem_shared>> -> memref<10000x128xf32, #tpu.memory_space<vmem_shared>>
    tpu.wait_indirect_dma semaphore(%arg26 : memref<!tpu.dma_semaphore, #tpu.memory_space<semaphore_mem>>) src(%arg16 : memref<128x128xf32, #tpu.memory_space<vmem>>) dst(%dma_wait3A_144 : memref<10000x128xf32, #tpu.memory_space<vmem_shared>>)
    %dma_wait3A_145 = arith.constant 0 : i32
    %dma_wait3A_146 = arith.constant 0 : i32
    %dma_wait3A_147 = tpu.memref_slice %arg2[%dma_wait3A_145, %dma_wait3A_146] : memref<10000x128xf32, #tpu.memory_space<hbm>> -> memref<128x128xf32, #tpu.memory_space<hbm>>
    %dma_wait3A_148 = arith.constant 0 : i32
    %dma_wait3A_149 = arith.constant 0 : i32
    %dma_wait3A_150 = tpu.memref_slice %arg2[%dma_wait3A_148, %dma_wait3A_149] : memref<10000x128xf32, #tpu.memory_space<hbm>> -> memref<128x128xf32, #tpu.memory_space<hbm>>
    tpu.wait_dma2 semaphore(%arg21 : memref<!tpu.dma_semaphore, #tpu.memory_space<semaphore_mem>>) src(%dma_wait3A_150 : memref<128x128xf32, #tpu.memory_space<hbm>>) dst(%arg17 : memref<128x128xf32, #tpu.memory_space<vmem>>)
    %dma_start3A_151 = arith.constant 0 : i32
    %dma_start3A_152 = arith.constant 0 : i32
    %dma_start3A_153 = tpu.memref_slice %arg18[%dma_start3A_151, %dma_start3A_152] : memref<10000x128xf32, #tpu.memory_space<vmem_shared>> -> memref<10000x128xf32, #tpu.memory_space<vmem_shared>>
    tpu.enqueue_indirect_dma source(%arg17 : memref<128x128xf32, #tpu.memory_space<vmem>>) target(%dma_start3A_153 : memref<10000x128xf32, #tpu.memory_space<vmem_shared>>) offsets(%arg12 : memref<128xi32, #tpu.memory_space<vmem>>) semaphore(%arg27 : memref<!tpu.dma_semaphore, #tpu.memory_space<semaphore_mem>>) {add = true}
    %dma_wait3A_154 = arith.constant 0 : i32
    %dma_wait3A_155 = arith.constant 0 : i32
    %dma_wait3A_156 = tpu.memref_slice %arg18[%dma_wait3A_154, %dma_wait3A_155] : memref<10000x128xf32, #tpu.memory_space<vmem_shared>> -> memref<10000x128xf32, #tpu.memory_space<vmem_shared>>
    tpu.wait_indirect_dma semaphore(%arg27 : memref<!tpu.dma_semaphore, #tpu.memory_space<semaphore_mem>>) src(%arg17 : memref<128x128xf32, #tpu.memory_space<vmem>>) dst(%dma_wait3A_156 : memref<10000x128xf32, #tpu.memory_space<vmem_shared>>)
    %add3A_157 = arith.constant 9984 : i32
    %add3A_158 = arith.addi %mul3A_2, %add3A_157 : i32
    "tpu.region"() ({
      %run_scoped3A = tpu.sem_alloc : memref<!tpu.dma_semaphore, #tpu.memory_space<semaphore_mem>>
      %dma_start3A_179 = tpu.memref_slice %arg3[%add3A_158] : memref<320000xi32, #tpu.memory_space<hbm>> -> memref<16xi32, #tpu.memory_space<hbm>>
      %dma_start3A_180 = tpu.memref_slice %arg3[%add3A_158] : memref<320000xi32, #tpu.memory_space<hbm>> -> memref<16xi32, #tpu.memory_space<hbm>>
      tpu.enqueue_dma source(%dma_start3A_180 : memref<16xi32, #tpu.memory_space<hbm>>) target(%arg13 : memref<16xi32, #tpu.memory_space<vmem>>) target_semaphore(%run_scoped3A : memref<!tpu.dma_semaphore, #tpu.memory_space<semaphore_mem>>)
      %dma_wait3A_181 = tpu.memref_slice %arg3[%add3A_158] : memref<320000xi32, #tpu.memory_space<hbm>> -> memref<16xi32, #tpu.memory_space<hbm>>
      %dma_wait3A_182 = tpu.memref_slice %arg3[%add3A_158] : memref<320000xi32, #tpu.memory_space<hbm>> -> memref<16xi32, #tpu.memory_space<hbm>>
      tpu.wait_dma2 semaphore(%run_scoped3A : memref<!tpu.dma_semaphore, #tpu.memory_space<semaphore_mem>>) src(%dma_wait3A_182 : memref<16xi32, #tpu.memory_space<hbm>>) dst(%arg13 : memref<16xi32, #tpu.memory_space<vmem>>)
      tpu.yield
    }) : () -> ()
    %add3A_159 = arith.constant 9984 : i32
    %add3A_160 = arith.addi %mul3A_2, %add3A_159 : i32
    "tpu.region"() ({
      %run_scoped3A = tpu.sem_alloc : memref<!tpu.dma_semaphore, #tpu.memory_space<semaphore_mem>>
      %dma_start3A_179 = tpu.memref_slice %arg4[%add3A_160] : memref<320000xi32, #tpu.memory_space<hbm>> -> memref<16xi32, #tpu.memory_space<hbm>>
      %dma_start3A_180 = tpu.memref_slice %arg4[%add3A_160] : memref<320000xi32, #tpu.memory_space<hbm>> -> memref<16xi32, #tpu.memory_space<hbm>>
      tpu.enqueue_dma source(%dma_start3A_180 : memref<16xi32, #tpu.memory_space<hbm>>) target(%arg14 : memref<16xi32, #tpu.memory_space<vmem>>) target_semaphore(%run_scoped3A : memref<!tpu.dma_semaphore, #tpu.memory_space<semaphore_mem>>)
      %dma_wait3A_181 = tpu.memref_slice %arg4[%add3A_160] : memref<320000xi32, #tpu.memory_space<hbm>> -> memref<16xi32, #tpu.memory_space<hbm>>
      %dma_wait3A_182 = tpu.memref_slice %arg4[%add3A_160] : memref<320000xi32, #tpu.memory_space<hbm>> -> memref<16xi32, #tpu.memory_space<hbm>>
      tpu.wait_dma2 semaphore(%run_scoped3A : memref<!tpu.dma_semaphore, #tpu.memory_space<semaphore_mem>>) src(%dma_wait3A_182 : memref<16xi32, #tpu.memory_space<hbm>>) dst(%arg14 : memref<16xi32, #tpu.memory_space<vmem>>)
      tpu.yield
    }) : () -> ()
    %dma_start3A_161 = arith.constant 0 : i32
    %dma_start3A_162 = arith.constant 0 : i32
    %dma_start3A_163 = tpu.memref_slice %arg15[%dma_start3A_161, %dma_start3A_162] : memref<128x128xf32, #tpu.memory_space<vmem>> -> memref<16x128xf32, #tpu.memory_space<vmem>>
    %dma_start3A_164 = arith.constant 0 : i32
    %dma_start3A_165 = arith.constant 0 : i32
    %dma_start3A_166 = tpu.memref_slice %arg2[%dma_start3A_164, %dma_start3A_165] : memref<10000x128xf32, #tpu.memory_space<hbm>> -> memref<10000x128xf32, #tpu.memory_space<hbm>>
    tpu.enqueue_indirect_dma source(%dma_start3A_166 : memref<10000x128xf32, #tpu.memory_space<hbm>>) target(%dma_start3A_163 : memref<16x128xf32, #tpu.memory_space<vmem>>) offsets(%arg13 : memref<16xi32, #tpu.memory_space<vmem>>) semaphore(%arg19 : memref<!tpu.dma_semaphore, #tpu.memory_space<semaphore_mem>>)
    %dma_wait3A_167 = arith.constant 0 : i32
    %dma_wait3A_168 = arith.constant 0 : i32
    %dma_wait3A_169 = tpu.memref_slice %arg15[%dma_wait3A_167, %dma_wait3A_168] : memref<128x128xf32, #tpu.memory_space<vmem>> -> memref<16x128xf32, #tpu.memory_space<vmem>>
    %dma_wait3A_170 = arith.constant 0 : i32
    %dma_wait3A_171 = arith.constant 0 : i32
    %dma_wait3A_172 = tpu.memref_slice %arg2[%dma_wait3A_170, %dma_wait3A_171] : memref<10000x128xf32, #tpu.memory_space<hbm>> -> memref<10000x128xf32, #tpu.memory_space<hbm>>
    tpu.wait_indirect_dma semaphore(%arg19 : memref<!tpu.dma_semaphore, #tpu.memory_space<semaphore_mem>>) src(%dma_wait3A_172 : memref<10000x128xf32, #tpu.memory_space<hbm>>) dst(%dma_wait3A_169 : memref<16x128xf32, #tpu.memory_space<vmem>>)
    "tpu.region"() ({
      %run_scoped3A = tpu.sem_alloc : memref<!tpu.dma_semaphore, #tpu.memory_space<semaphore_mem>>
      %dma_start3A_179 = arith.constant 0 : i32
      %dma_start3A_180 = arith.constant 0 : i32
      %dma_start3A_181 = tpu.memref_slice %arg15[%dma_start3A_179, %dma_start3A_180] : memref<128x128xf32, #tpu.memory_space<vmem>> -> memref<16x128xf32, #tpu.memory_space<vmem>>
      %dma_start3A_182 = arith.constant 0 : i32
      %dma_start3A_183 = arith.constant 0 : i32
      %dma_start3A_184 = tpu.memref_slice %arg18[%dma_start3A_182, %dma_start3A_183] : memref<10000x128xf32, #tpu.memory_space<vmem_shared>> -> memref<10000x128xf32, #tpu.memory_space<vmem_shared>>
      tpu.enqueue_indirect_dma source(%dma_start3A_181 : memref<16x128xf32, #tpu.memory_space<vmem>>) target(%dma_start3A_184 : memref<10000x128xf32, #tpu.memory_space<vmem_shared>>) offsets(%arg14 : memref<16xi32, #tpu.memory_space<vmem>>) semaphore(%run_scoped3A : memref<!tpu.dma_semaphore, #tpu.memory_space<semaphore_mem>>) {add = true}
      %dma_wait3A_185 = arith.constant 0 : i32
      %dma_wait3A_186 = arith.constant 0 : i32
      %dma_wait3A_187 = tpu.memref_slice %arg15[%dma_wait3A_185, %dma_wait3A_186] : memref<128x128xf32, #tpu.memory_space<vmem>> -> memref<16x128xf32, #tpu.memory_space<vmem>>
      %dma_wait3A_188 = arith.constant 0 : i32
      %dma_wait3A_189 = arith.constant 0 : i32
      %dma_wait3A_190 = tpu.memref_slice %arg18[%dma_wait3A_188, %dma_wait3A_189] : memref<10000x128xf32, #tpu.memory_space<vmem_shared>> -> memref<10000x128xf32, #tpu.memory_space<vmem_shared>>
      tpu.wait_indirect_dma semaphore(%run_scoped3A : memref<!tpu.dma_semaphore, #tpu.memory_space<semaphore_mem>>) src(%dma_wait3A_187 : memref<16x128xf32, #tpu.memory_space<vmem>>) dst(%dma_wait3A_190 : memref<10000x128xf32, #tpu.memory_space<vmem_shared>>)
      tpu.yield
    }) : () -> ()
    %barrier3A_173 = arith.constant 0 : index
    tpu.barrier barrier_id(%barrier3A_173)
    %lt3A_174 = arith.constant 10 : i32
    %lt3A_175 = arith.cmpi slt, %arg1, %lt3A_174 : i32
    %convert_element_type3A_176 = arith.extui %lt3A_175 : i1 to i32
    %cond3A_177 = arith.constant 0 : i32
    %cond3A_178 = arith.cmpi ne, %convert_element_type3A_176, %cond3A_177 : i32
    scf.if %cond3A_178 {
      %mul3A_179 = arith.constant 1000 : i32
      %mul3A_180 = arith.muli %arg1, %mul3A_179 : i32
      %mul3A_181 = arith.constant 1000 : i32
      %mul3A_182 = arith.muli %arg1, %mul3A_181 : i32
      "tpu.region"() ({
        %run_scoped3A = tpu.sem_alloc : memref<!tpu.dma_semaphore, #tpu.memory_space<semaphore_mem>>
        %dma_start3A_183 = arith.constant 0 : i32
        %dma_start3A_184 = tpu.memref_slice %arg6[%arg0, %mul3A_182, %dma_start3A_183] : memref<2x10000x128xf32, #tpu.memory_space<hbm>> -> memref<1x1000x128xf32, #tpu.memory_space<hbm>>
        %dma_start3A_185 = tpu.memref_squeeze %dma_start3A_184 : memref<1x1000x128xf32, #tpu.memory_space<hbm>> -> memref<1000x128xf32, #tpu.memory_space<hbm>>
        %dma_start3A_186 = arith.constant 0 : i32
        %dma_start3A_187 = tpu.memref_slice %arg18[%mul3A_180, %dma_start3A_186] : memref<10000x128xf32, #tpu.memory_space<vmem_shared>> -> memref<1000x128xf32, #tpu.memory_space<vmem_shared>>
        tpu.enqueue_dma source(%dma_start3A_187 : memref<1000x128xf32, #tpu.memory_space<vmem_shared>>) target(%dma_start3A_185 : memref<1000x128xf32, #tpu.memory_space<hbm>>) target_semaphore(%run_scoped3A : memref<!tpu.dma_semaphore, #tpu.memory_space<semaphore_mem>>)
        %dma_wait3A_188 = arith.constant 0 : i32
        %dma_wait3A_189 = tpu.memref_slice %arg6[%arg0, %mul3A_182, %dma_wait3A_188] : memref<2x10000x128xf32, #tpu.memory_space<hbm>> -> memref<1x1000x128xf32, #tpu.memory_space<hbm>>
        %dma_wait3A_190 = tpu.memref_squeeze %dma_wait3A_189 : memref<1x1000x128xf32, #tpu.memory_space<hbm>> -> memref<1000x128xf32, #tpu.memory_space<hbm>>
        %dma_wait3A_191 = arith.constant 0 : i32
        %dma_wait3A_192 = tpu.memref_slice %arg18[%mul3A_180, %dma_wait3A_191] : memref<10000x128xf32, #tpu.memory_space<vmem_shared>> -> memref<1000x128xf32, #tpu.memory_space<vmem_shared>>
        tpu.wait_dma2 semaphore(%run_scoped3A : memref<!tpu.dma_semaphore, #tpu.memory_space<semaphore_mem>>) src(%dma_wait3A_192 : memref<1000x128xf32, #tpu.memory_space<vmem_shared>>) dst(%dma_wait3A_190 : memref<1000x128xf32, #tpu.memory_space<hbm>>)
        tpu.yield
      }) : () -> ()
    } else {
    }
    return
  }
}

#map = affine_map<(d0, d1) -> (0)>
#map1 = affine_map<(d0, d1) -> (0, 0)>
module attributes {stable_mosaic.version = 14 : i64} {
  func.func @deg_kernel(%arg0: i32, %arg1: i32, %arg2: memref<320000xi32, #tpu.memory_space<hbm>>, %arg3: memref<2x10240xf32, #tpu.memory_space<hbm>>, %arg4: memref<128xi32, #tpu.memory_space<vmem>>, %arg5: memref<128xi32, #tpu.memory_space<vmem>>, %arg6: memref<128xi32, #tpu.memory_space<vmem>>, %arg7: memref<16xi32, #tpu.memory_space<vmem>>, %arg8: memref<128xf32, #tpu.memory_space<vmem>>, %arg9: memref<640xf32, #tpu.memory_space<vmem>>, %arg10: memref<10240xf32, #tpu.memory_space<vmem_shared>>, %arg11: memref<!tpu.dma_semaphore, #tpu.memory_space<semaphore_mem>>, %arg12: memref<!tpu.dma_semaphore, #tpu.memory_space<semaphore_mem>>, %arg13: memref<!tpu.dma_semaphore, #tpu.memory_space<semaphore_mem>>, %arg14: memref<!tpu.dma_semaphore, #tpu.memory_space<semaphore_mem>>, %arg15: memref<!tpu.dma_semaphore, #tpu.memory_space<semaphore_mem>>, %arg16: memref<!tpu.dma_semaphore, #tpu.memory_space<semaphore_mem>>) attributes {dimension_semantics = [#tpu.dimension_semantics<core_parallel>, #tpu.dimension_semantics<subcore_parallel>], iteration_bounds = array<i64: 2, 16>, scalar_prefetch = 0 : i64, scratch_operands = 13 : i64, tpu.core_type = #tpu.core_type<sc_vector_subcore>, window_params = [{transform_indices = #map}, {transform_indices = #map1}]} {
    %mul3A = arith.constant 2 : i32
    %mul3A_0 = arith.muli %arg1, %mul3A : i32
    %add3A = arith.addi %mul3A_0, %arg0 : i32
    %mul3A_1 = arith.constant 10000 : i32
    %mul3A_2 = arith.muli %add3A, %mul3A_1 : i32
    %add3A_3 = arith.constant 0 : i32
    %add3A_4 = arith.addi %mul3A_2, %add3A_3 : i32
    %dma_start3A = tpu.memref_slice %arg2[%add3A_4] : memref<320000xi32, #tpu.memory_space<hbm>> -> memref<128xi32, #tpu.memory_space<hbm>>
    %dma_start3A_5 = tpu.memref_slice %arg2[%add3A_4] : memref<320000xi32, #tpu.memory_space<hbm>> -> memref<128xi32, #tpu.memory_space<hbm>>
    tpu.enqueue_dma source(%dma_start3A_5 : memref<128xi32, #tpu.memory_space<hbm>>) target(%arg4 : memref<128xi32, #tpu.memory_space<vmem>>) target_semaphore(%arg11 : memref<!tpu.dma_semaphore, #tpu.memory_space<semaphore_mem>>)
    %add3A_6 = arith.constant 128 : i32
    %add3A_7 = arith.addi %mul3A_2, %add3A_6 : i32
    %dma_start3A_8 = tpu.memref_slice %arg2[%add3A_7] : memref<320000xi32, #tpu.memory_space<hbm>> -> memref<128xi32, #tpu.memory_space<hbm>>
    %dma_start3A_9 = tpu.memref_slice %arg2[%add3A_7] : memref<320000xi32, #tpu.memory_space<hbm>> -> memref<128xi32, #tpu.memory_space<hbm>>
    tpu.enqueue_dma source(%dma_start3A_9 : memref<128xi32, #tpu.memory_space<hbm>>) target(%arg5 : memref<128xi32, #tpu.memory_space<vmem>>) target_semaphore(%arg12 : memref<!tpu.dma_semaphore, #tpu.memory_space<semaphore_mem>>)
    %scan3A = arith.constant 0 : i32
    %scan3A_10 = arith.constant 40 : i32
    %scan3A_11 = arith.addi %scan3A, %scan3A_10 : i32
    %scan3A_12 = arith.constant 1 : i32
    scf.for %scan3A_125 = %scan3A to %scan3A_11 step %scan3A_12  : i32 {
      %broadcast_in_dim3A_126 = arith.constant 0.000000e+00 : f32
      %broadcast_in_dim3A_127 = vector.broadcast %broadcast_in_dim3A_126 : f32 to vector<16xf32>
      %mul3A_128 = arith.constant 16 : i32
      %mul3A_129 = arith.muli %scan3A_125, %mul3A_128 : i32
      %swap3A_130 = arith.index_cast %mul3A_129 : i32 to index
      %swap3A_131 = tpu.vector_load %arg9[%swap3A_130] {strides = array<i32>} : memref<640xf32, #tpu.memory_space<vmem>>, vector<16xf32>,
      %swap3A_132 = vector.shape_cast %swap3A_131 : vector<16xf32> to vector<16xf32>
      %swap3A_133 = vector.shape_cast %broadcast_in_dim3A_127 : vector<16xf32> to vector<16xf32>
      tpu.vector_store %arg9[%swap3A_130], %swap3A_133 {strides = array<i32>} : memref<640xf32, #tpu.memory_space<vmem>>, vector<16xf32>,
    }
    %scan3A_13 = arith.constant 40 : i32
    %broadcast_in_dim3A = arith.constant 1.000000e+00 : f32
    %broadcast_in_dim3A_14 = vector.broadcast %broadcast_in_dim3A : f32 to vector<16xf32>
    %swap3A = arith.constant 0 : index
    %swap3A_15 = tpu.vector_load %arg8[%swap3A] {strides = array<i32>} : memref<128xf32, #tpu.memory_space<vmem>>, vector<16xf32>,
    %swap3A_16 = vector.shape_cast %swap3A_15 : vector<16xf32> to vector<16xf32>
    %swap3A_17 = vector.shape_cast %broadcast_in_dim3A_14 : vector<16xf32> to vector<16xf32>
    tpu.vector_store %arg8[%swap3A], %swap3A_17 {strides = array<i32>} : memref<128xf32, #tpu.memory_space<vmem>>, vector<16xf32>,
    %broadcast_in_dim3A_18 = arith.constant 1.000000e+00 : f32
    %broadcast_in_dim3A_19 = vector.broadcast %broadcast_in_dim3A_18 : f32 to vector<16xf32>
    %swap3A_20 = arith.constant 16 : index
    %swap3A_21 = tpu.vector_load %arg8[%swap3A_20] {strides = array<i32>} : memref<128xf32, #tpu.memory_space<vmem>>, vector<16xf32>,
    %swap3A_22 = vector.shape_cast %swap3A_21 : vector<16xf32> to vector<16xf32>
    %swap3A_23 = vector.shape_cast %broadcast_in_dim3A_19 : vector<16xf32> to vector<16xf32>
    tpu.vector_store %arg8[%swap3A_20], %swap3A_23 {strides = array<i32>} : memref<128xf32, #tpu.memory_space<vmem>>, vector<16xf32>,
    %broadcast_in_dim3A_24 = arith.constant 1.000000e+00 : f32
    %broadcast_in_dim3A_25 = vector.broadcast %broadcast_in_dim3A_24 : f32 to vector<16xf32>
    %swap3A_26 = arith.constant 32 : index
    %swap3A_27 = tpu.vector_load %arg8[%swap3A_26] {strides = array<i32>} : memref<128xf32, #tpu.memory_space<vmem>>, vector<16xf32>,
    %swap3A_28 = vector.shape_cast %swap3A_27 : vector<16xf32> to vector<16xf32>
    %swap3A_29 = vector.shape_cast %broadcast_in_dim3A_25 : vector<16xf32> to vector<16xf32>
    tpu.vector_store %arg8[%swap3A_26], %swap3A_29 {strides = array<i32>} : memref<128xf32, #tpu.memory_space<vmem>>, vector<16xf32>,
    %broadcast_in_dim3A_30 = arith.constant 1.000000e+00 : f32
    %broadcast_in_dim3A_31 = vector.broadcast %broadcast_in_dim3A_30 : f32 to vector<16xf32>
    %swap3A_32 = arith.constant 48 : index
    %swap3A_33 = tpu.vector_load %arg8[%swap3A_32] {strides = array<i32>} : memref<128xf32, #tpu.memory_space<vmem>>, vector<16xf32>,
    %swap3A_34 = vector.shape_cast %swap3A_33 : vector<16xf32> to vector<16xf32>
    %swap3A_35 = vector.shape_cast %broadcast_in_dim3A_31 : vector<16xf32> to vector<16xf32>
    tpu.vector_store %arg8[%swap3A_32], %swap3A_35 {strides = array<i32>} : memref<128xf32, #tpu.memory_space<vmem>>, vector<16xf32>,
    %broadcast_in_dim3A_36 = arith.constant 1.000000e+00 : f32
    %broadcast_in_dim3A_37 = vector.broadcast %broadcast_in_dim3A_36 : f32 to vector<16xf32>
    %swap3A_38 = arith.constant 64 : index
    %swap3A_39 = tpu.vector_load %arg8[%swap3A_38] {strides = array<i32>} : memref<128xf32, #tpu.memory_space<vmem>>, vector<16xf32>,
    %swap3A_40 = vector.shape_cast %swap3A_39 : vector<16xf32> to vector<16xf32>
    %swap3A_41 = vector.shape_cast %broadcast_in_dim3A_37 : vector<16xf32> to vector<16xf32>
    tpu.vector_store %arg8[%swap3A_38], %swap3A_41 {strides = array<i32>} : memref<128xf32, #tpu.memory_space<vmem>>, vector<16xf32>,
    %broadcast_in_dim3A_42 = arith.constant 1.000000e+00 : f32
    %broadcast_in_dim3A_43 = vector.broadcast %broadcast_in_dim3A_42 : f32 to vector<16xf32>
    %swap3A_44 = arith.constant 80 : index
    %swap3A_45 = tpu.vector_load %arg8[%swap3A_44] {strides = array<i32>} : memref<128xf32, #tpu.memory_space<vmem>>, vector<16xf32>,
    %swap3A_46 = vector.shape_cast %swap3A_45 : vector<16xf32> to vector<16xf32>
    %swap3A_47 = vector.shape_cast %broadcast_in_dim3A_43 : vector<16xf32> to vector<16xf32>
    tpu.vector_store %arg8[%swap3A_44], %swap3A_47 {strides = array<i32>} : memref<128xf32, #tpu.memory_space<vmem>>, vector<16xf32>,
    %broadcast_in_dim3A_48 = arith.constant 1.000000e+00 : f32
    %broadcast_in_dim3A_49 = vector.broadcast %broadcast_in_dim3A_48 : f32 to vector<16xf32>
    %swap3A_50 = arith.constant 96 : index
    %swap3A_51 = tpu.vector_load %arg8[%swap3A_50] {strides = array<i32>} : memref<128xf32, #tpu.memory_space<vmem>>, vector<16xf32>,
    %swap3A_52 = vector.shape_cast %swap3A_51 : vector<16xf32> to vector<16xf32>
    %swap3A_53 = vector.shape_cast %broadcast_in_dim3A_49 : vector<16xf32> to vector<16xf32>
    tpu.vector_store %arg8[%swap3A_50], %swap3A_53 {strides = array<i32>} : memref<128xf32, #tpu.memory_space<vmem>>, vector<16xf32>,
    %broadcast_in_dim3A_54 = arith.constant 1.000000e+00 : f32
    %broadcast_in_dim3A_55 = vector.broadcast %broadcast_in_dim3A_54 : f32 to vector<16xf32>
    %swap3A_56 = arith.constant 112 : index
    %swap3A_57 = tpu.vector_load %arg8[%swap3A_56] {strides = array<i32>} : memref<128xf32, #tpu.memory_space<vmem>>, vector<16xf32>,
    %swap3A_58 = vector.shape_cast %swap3A_57 : vector<16xf32> to vector<16xf32>
    %swap3A_59 = vector.shape_cast %broadcast_in_dim3A_55 : vector<16xf32> to vector<16xf32>
    tpu.vector_store %arg8[%swap3A_56], %swap3A_59 {strides = array<i32>} : memref<128xf32, #tpu.memory_space<vmem>>, vector<16xf32>,
    %mul3A_60 = arith.constant 640 : i32
    %mul3A_61 = arith.muli %arg1, %mul3A_60 : i32
    "tpu.region"() ({
      %run_scoped3A = tpu.sem_alloc : memref<!tpu.dma_semaphore, #tpu.memory_space<semaphore_mem>>
      %dma_start3A_125 = tpu.memref_slice %arg10[%mul3A_61] : memref<10240xf32, #tpu.memory_space<vmem_shared>> -> memref<640xf32, #tpu.memory_space<vmem_shared>>
      %dma_start3A_126 = tpu.memref_slice %arg10[%mul3A_61] : memref<10240xf32, #tpu.memory_space<vmem_shared>> -> memref<640xf32, #tpu.memory_space<vmem_shared>>
      tpu.enqueue_dma source(%arg9 : memref<640xf32, #tpu.memory_space<vmem>>) target(%dma_start3A_126 : memref<640xf32, #tpu.memory_space<vmem_shared>>) target_semaphore(%run_scoped3A : memref<!tpu.dma_semaphore, #tpu.memory_space<semaphore_mem>>)
      %dma_wait3A_127 = tpu.memref_slice %arg10[%mul3A_61] : memref<10240xf32, #tpu.memory_space<vmem_shared>> -> memref<640xf32, #tpu.memory_space<vmem_shared>>
      %dma_wait3A_128 = tpu.memref_slice %arg10[%mul3A_61] : memref<10240xf32, #tpu.memory_space<vmem_shared>> -> memref<640xf32, #tpu.memory_space<vmem_shared>>
      tpu.wait_dma2 semaphore(%run_scoped3A : memref<!tpu.dma_semaphore, #tpu.memory_space<semaphore_mem>>) src(%arg9 : memref<640xf32, #tpu.memory_space<vmem>>) dst(%dma_wait3A_128 : memref<640xf32, #tpu.memory_space<vmem_shared>>)
      tpu.yield
    }) : () -> ()
    %barrier3A = arith.constant 0 : index
    tpu.barrier barrier_id(%barrier3A)
    %add3A_62 = arith.constant 256 : i32
    %add3A_63 = arith.addi %mul3A_2, %add3A_62 : i32
    %dma_start3A_64 = tpu.memref_slice %arg2[%add3A_63] : memref<320000xi32, #tpu.memory_space<hbm>> -> memref<128xi32, #tpu.memory_space<hbm>>
    %dma_start3A_65 = tpu.memref_slice %arg2[%add3A_63] : memref<320000xi32, #tpu.memory_space<hbm>> -> memref<128xi32, #tpu.memory_space<hbm>>
    tpu.enqueue_dma source(%dma_start3A_65 : memref<128xi32, #tpu.memory_space<hbm>>) target(%arg6 : memref<128xi32, #tpu.memory_space<vmem>>) target_semaphore(%arg13 : memref<!tpu.dma_semaphore, #tpu.memory_space<semaphore_mem>>)
    %dma_wait3A = tpu.memref_slice %arg2[%mul3A_2] : memref<320000xi32, #tpu.memory_space<hbm>> -> memref<128xi32, #tpu.memory_space<hbm>>
    %dma_wait3A_66 = tpu.memref_slice %arg2[%mul3A_2] : memref<320000xi32, #tpu.memory_space<hbm>> -> memref<128xi32, #tpu.memory_space<hbm>>
    tpu.wait_dma2 semaphore(%arg11 : memref<!tpu.dma_semaphore, #tpu.memory_space<semaphore_mem>>) src(%dma_wait3A_66 : memref<128xi32, #tpu.memory_space<hbm>>) dst(%arg4 : memref<128xi32, #tpu.memory_space<vmem>>)
    %dma_start3A_67 = arith.constant 0 : i32
    %dma_start3A_68 = tpu.memref_slice %arg10[%dma_start3A_67] : memref<10240xf32, #tpu.memory_space<vmem_shared>> -> memref<10240xf32, #tpu.memory_space<vmem_shared>>
    tpu.enqueue_indirect_dma source(%arg8 : memref<128xf32, #tpu.memory_space<vmem>>) target(%dma_start3A_68 : memref<10240xf32, #tpu.memory_space<vmem_shared>>) offsets(%arg4 : memref<128xi32, #tpu.memory_space<vmem>>) semaphore(%arg14 : memref<!tpu.dma_semaphore, #tpu.memory_space<semaphore_mem>>) {add = true}
    %dma_wait3A_69 = arith.constant 0 : i32
    %dma_wait3A_70 = tpu.memref_slice %arg10[%dma_wait3A_69] : memref<10240xf32, #tpu.memory_space<vmem_shared>> -> memref<10240xf32, #tpu.memory_space<vmem_shared>>
    tpu.wait_indirect_dma semaphore(%arg14 : memref<!tpu.dma_semaphore, #tpu.memory_space<semaphore_mem>>) src(%arg8 : memref<128xf32, #tpu.memory_space<vmem>>) dst(%dma_wait3A_70 : memref<10240xf32, #tpu.memory_space<vmem_shared>>)
    %add3A_71 = arith.constant 384 : i32
    %add3A_72 = arith.addi %mul3A_2, %add3A_71 : i32
    %dma_start3A_73 = tpu.memref_slice %arg2[%add3A_72] : memref<320000xi32, #tpu.memory_space<hbm>> -> memref<128xi32, #tpu.memory_space<hbm>>
    %dma_start3A_74 = tpu.memref_slice %arg2[%add3A_72] : memref<320000xi32, #tpu.memory_space<hbm>> -> memref<128xi32, #tpu.memory_space<hbm>>
    tpu.enqueue_dma source(%dma_start3A_74 : memref<128xi32, #tpu.memory_space<hbm>>) target(%arg4 : memref<128xi32, #tpu.memory_space<vmem>>) target_semaphore(%arg11 : memref<!tpu.dma_semaphore, #tpu.memory_space<semaphore_mem>>)
    %dma_wait3A_75 = tpu.memref_slice %arg2[%mul3A_2] : memref<320000xi32, #tpu.memory_space<hbm>> -> memref<128xi32, #tpu.memory_space<hbm>>
    %dma_wait3A_76 = tpu.memref_slice %arg2[%mul3A_2] : memref<320000xi32, #tpu.memory_space<hbm>> -> memref<128xi32, #tpu.memory_space<hbm>>
    tpu.wait_dma2 semaphore(%arg12 : memref<!tpu.dma_semaphore, #tpu.memory_space<semaphore_mem>>) src(%dma_wait3A_76 : memref<128xi32, #tpu.memory_space<hbm>>) dst(%arg5 : memref<128xi32, #tpu.memory_space<vmem>>)
    %dma_start3A_77 = arith.constant 0 : i32
    %dma_start3A_78 = tpu.memref_slice %arg10[%dma_start3A_77] : memref<10240xf32, #tpu.memory_space<vmem_shared>> -> memref<10240xf32, #tpu.memory_space<vmem_shared>>
    tpu.enqueue_indirect_dma source(%arg8 : memref<128xf32, #tpu.memory_space<vmem>>) target(%dma_start3A_78 : memref<10240xf32, #tpu.memory_space<vmem_shared>>) offsets(%arg5 : memref<128xi32, #tpu.memory_space<vmem>>) semaphore(%arg15 : memref<!tpu.dma_semaphore, #tpu.memory_space<semaphore_mem>>) {add = true}
    %dma_wait3A_79 = arith.constant 0 : i32
    %dma_wait3A_80 = tpu.memref_slice %arg10[%dma_wait3A_79] : memref<10240xf32, #tpu.memory_space<vmem_shared>> -> memref<10240xf32, #tpu.memory_space<vmem_shared>>
    tpu.wait_indirect_dma semaphore(%arg15 : memref<!tpu.dma_semaphore, #tpu.memory_space<semaphore_mem>>) src(%arg8 : memref<128xf32, #tpu.memory_space<vmem>>) dst(%dma_wait3A_80 : memref<10240xf32, #tpu.memory_space<vmem_shared>>)
    %add3A_81 = arith.constant 512 : i32
    %add3A_82 = arith.addi %mul3A_2, %add3A_81 : i32
    %dma_start3A_83 = tpu.memref_slice %arg2[%add3A_82] : memref<320000xi32, #tpu.memory_space<hbm>> -> memref<128xi32, #tpu.memory_space<hbm>>
    %dma_start3A_84 = tpu.memref_slice %arg2[%add3A_82] : memref<320000xi32, #tpu.memory_space<hbm>> -> memref<128xi32, #tpu.memory_space<hbm>>
    tpu.enqueue_dma source(%dma_start3A_84 : memref<128xi32, #tpu.memory_space<hbm>>) target(%arg5 : memref<128xi32, #tpu.memory_space<vmem>>) target_semaphore(%arg12 : memref<!tpu.dma_semaphore, #tpu.memory_space<semaphore_mem>>)
    %dma_wait3A_85 = tpu.memref_slice %arg2[%mul3A_2] : memref<320000xi32, #tpu.memory_space<hbm>> -> memref<128xi32, #tpu.memory_space<hbm>>
    %dma_wait3A_86 = tpu.memref_slice %arg2[%mul3A_2] : memref<320000xi32, #tpu.memory_space<hbm>> -> memref<128xi32, #tpu.memory_space<hbm>>
    tpu.wait_dma2 semaphore(%arg13 : memref<!tpu.dma_semaphore, #tpu.memory_space<semaphore_mem>>) src(%dma_wait3A_86 : memref<128xi32, #tpu.memory_space<hbm>>) dst(%arg6 : memref<128xi32, #tpu.memory_space<vmem>>)
    %dma_start3A_87 = arith.constant 0 : i32
    %dma_start3A_88 = tpu.memref_slice %arg10[%dma_start3A_87] : memref<10240xf32, #tpu.memory_space<vmem_shared>> -> memref<10240xf32, #tpu.memory_space<vmem_shared>>
    tpu.enqueue_indirect_dma source(%arg8 : memref<128xf32, #tpu.memory_space<vmem>>) target(%dma_start3A_88 : memref<10240xf32, #tpu.memory_space<vmem_shared>>) offsets(%arg6 : memref<128xi32, #tpu.memory_space<vmem>>) semaphore(%arg16 : memref<!tpu.dma_semaphore, #tpu.memory_space<semaphore_mem>>) {add = true}
    %scan3A_89 = arith.constant 1 : i32
    %scan3A_90 = arith.constant 24 : i32
    %scan3A_91 = arith.addi %scan3A_89, %scan3A_90 : i32
    %scan3A_92 = arith.constant 1 : i32
    scf.for %scan3A_125 = %scan3A_89 to %scan3A_91 step %scan3A_92  : i32 {
      %mul3A_126 = arith.constant 3 : i32
      %mul3A_127 = arith.muli %mul3A_126, %scan3A_125 : i32
      %dma_wait3A_128 = arith.constant 0 : i32
      %dma_wait3A_129 = tpu.memref_slice %arg10[%dma_wait3A_128] : memref<10240xf32, #tpu.memory_space<vmem_shared>> -> memref<10240xf32, #tpu.memory_space<vmem_shared>>
      tpu.wait_indirect_dma semaphore(%arg16 : memref<!tpu.dma_semaphore, #tpu.memory_space<semaphore_mem>>) src(%arg8 : memref<128xf32, #tpu.memory_space<vmem>>) dst(%dma_wait3A_129 : memref<10240xf32, #tpu.memory_space<vmem_shared>>)
      %add3A_130 = arith.constant 2 : i32
      %add3A_131 = arith.addi %mul3A_127, %add3A_130 : i32
      %mul3A_132 = arith.constant 128 : i32
      %mul3A_133 = arith.muli %add3A_131, %mul3A_132 : i32
      %add3A_134 = arith.addi %mul3A_2, %mul3A_133 : i32
      %dma_start3A_135 = tpu.memref_slice %arg2[%add3A_134] : memref<320000xi32, #tpu.memory_space<hbm>> -> memref<128xi32, #tpu.memory_space<hbm>>
      %dma_start3A_136 = tpu.memref_slice %arg2[%add3A_134] : memref<320000xi32, #tpu.memory_space<hbm>> -> memref<128xi32, #tpu.memory_space<hbm>>
      tpu.enqueue_dma source(%dma_start3A_136 : memref<128xi32, #tpu.memory_space<hbm>>) target(%arg6 : memref<128xi32, #tpu.memory_space<vmem>>) target_semaphore(%arg13 : memref<!tpu.dma_semaphore, #tpu.memory_space<semaphore_mem>>)
      %dma_wait3A_137 = tpu.memref_slice %arg2[%mul3A_2] : memref<320000xi32, #tpu.memory_space<hbm>> -> memref<128xi32, #tpu.memory_space<hbm>>
      %dma_wait3A_138 = tpu.memref_slice %arg2[%mul3A_2] : memref<320000xi32, #tpu.memory_space<hbm>> -> memref<128xi32, #tpu.memory_space<hbm>>
      tpu.wait_dma2 semaphore(%arg11 : memref<!tpu.dma_semaphore, #tpu.memory_space<semaphore_mem>>) src(%dma_wait3A_138 : memref<128xi32, #tpu.memory_space<hbm>>) dst(%arg4 : memref<128xi32, #tpu.memory_space<vmem>>)
      %dma_start3A_139 = arith.constant 0 : i32
      %dma_start3A_140 = tpu.memref_slice %arg10[%dma_start3A_139] : memref<10240xf32, #tpu.memory_space<vmem_shared>> -> memref<10240xf32, #tpu.memory_space<vmem_shared>>
      tpu.enqueue_indirect_dma source(%arg8 : memref<128xf32, #tpu.memory_space<vmem>>) target(%dma_start3A_140 : memref<10240xf32, #tpu.memory_space<vmem_shared>>) offsets(%arg4 : memref<128xi32, #tpu.memory_space<vmem>>) semaphore(%arg14 : memref<!tpu.dma_semaphore, #tpu.memory_space<semaphore_mem>>) {add = true}
      %mul3A_141 = arith.constant 3 : i32
      %mul3A_142 = arith.muli %mul3A_141, %scan3A_125 : i32
      %add3A_143 = arith.constant 1 : i32
      %add3A_144 = arith.addi %mul3A_142, %add3A_143 : i32
      %dma_wait3A_145 = arith.constant 0 : i32
      %dma_wait3A_146 = tpu.memref_slice %arg10[%dma_wait3A_145] : memref<10240xf32, #tpu.memory_space<vmem_shared>> -> memref<10240xf32, #tpu.memory_space<vmem_shared>>
      tpu.wait_indirect_dma semaphore(%arg14 : memref<!tpu.dma_semaphore, #tpu.memory_space<semaphore_mem>>) src(%arg8 : memref<128xf32, #tpu.memory_space<vmem>>) dst(%dma_wait3A_146 : memref<10240xf32, #tpu.memory_space<vmem_shared>>)
      %add3A_147 = arith.constant 2 : i32
      %add3A_148 = arith.addi %add3A_144, %add3A_147 : i32
      %mul3A_149 = arith.constant 128 : i32
      %mul3A_150 = arith.muli %add3A_148, %mul3A_149 : i32
      %add3A_151 = arith.addi %mul3A_2, %mul3A_150 : i32
      %dma_start3A_152 = tpu.memref_slice %arg2[%add3A_151] : memref<320000xi32, #tpu.memory_space<hbm>> -> memref<128xi32, #tpu.memory_space<hbm>>
      %dma_start3A_153 = tpu.memref_slice %arg2[%add3A_151] : memref<320000xi32, #tpu.memory_space<hbm>> -> memref<128xi32, #tpu.memory_space<hbm>>
      tpu.enqueue_dma source(%dma_start3A_153 : memref<128xi32, #tpu.memory_space<hbm>>) target(%arg4 : memref<128xi32, #tpu.memory_space<vmem>>) target_semaphore(%arg11 : memref<!tpu.dma_semaphore, #tpu.memory_space<semaphore_mem>>)
      %dma_wait3A_154 = tpu.memref_slice %arg2[%mul3A_2] : memref<320000xi32, #tpu.memory_space<hbm>> -> memref<128xi32, #tpu.memory_space<hbm>>
      %dma_wait3A_155 = tpu.memref_slice %arg2[%mul3A_2] : memref<320000xi32, #tpu.memory_space<hbm>> -> memref<128xi32, #tpu.memory_space<hbm>>
      tpu.wait_dma2 semaphore(%arg12 : memref<!tpu.dma_semaphore, #tpu.memory_space<semaphore_mem>>) src(%dma_wait3A_155 : memref<128xi32, #tpu.memory_space<hbm>>) dst(%arg5 : memref<128xi32, #tpu.memory_space<vmem>>)
      %dma_start3A_156 = arith.constant 0 : i32
      %dma_start3A_157 = tpu.memref_slice %arg10[%dma_start3A_156] : memref<10240xf32, #tpu.memory_space<vmem_shared>> -> memref<10240xf32, #tpu.memory_space<vmem_shared>>
      tpu.enqueue_indirect_dma source(%arg8 : memref<128xf32, #tpu.memory_space<vmem>>) target(%dma_start3A_157 : memref<10240xf32, #tpu.memory_space<vmem_shared>>) offsets(%arg5 : memref<128xi32, #tpu.memory_space<vmem>>) semaphore(%arg15 : memref<!tpu.dma_semaphore, #tpu.memory_space<semaphore_mem>>) {add = true}
      %mul3A_158 = arith.constant 3 : i32
      %mul3A_159 = arith.muli %mul3A_158, %scan3A_125 : i32
      %add3A_160 = arith.constant 2 : i32
      %add3A_161 = arith.addi %mul3A_159, %add3A_160 : i32
      %dma_wait3A_162 = arith.constant 0 : i32
      %dma_wait3A_163 = tpu.memref_slice %arg10[%dma_wait3A_162] : memref<10240xf32, #tpu.memory_space<vmem_shared>> -> memref<10240xf32, #tpu.memory_space<vmem_shared>>
      tpu.wait_indirect_dma semaphore(%arg15 : memref<!tpu.dma_semaphore, #tpu.memory_space<semaphore_mem>>) src(%arg8 : memref<128xf32, #tpu.memory_space<vmem>>) dst(%dma_wait3A_163 : memref<10240xf32, #tpu.memory_space<vmem_shared>>)
      %add3A_164 = arith.constant 2 : i32
      %add3A_165 = arith.addi %add3A_161, %add3A_164 : i32
      %mul3A_166 = arith.constant 128 : i32
      %mul3A_167 = arith.muli %add3A_165, %mul3A_166 : i32
      %add3A_168 = arith.addi %mul3A_2, %mul3A_167 : i32
      %dma_start3A_169 = tpu.memref_slice %arg2[%add3A_168] : memref<320000xi32, #tpu.memory_space<hbm>> -> memref<128xi32, #tpu.memory_space<hbm>>
      %dma_start3A_170 = tpu.memref_slice %arg2[%add3A_168] : memref<320000xi32, #tpu.memory_space<hbm>> -> memref<128xi32, #tpu.memory_space<hbm>>
      tpu.enqueue_dma source(%dma_start3A_170 : memref<128xi32, #tpu.memory_space<hbm>>) target(%arg5 : memref<128xi32, #tpu.memory_space<vmem>>) target_semaphore(%arg12 : memref<!tpu.dma_semaphore, #tpu.memory_space<semaphore_mem>>)
      %dma_wait3A_171 = tpu.memref_slice %arg2[%mul3A_2] : memref<320000xi32, #tpu.memory_space<hbm>> -> memref<128xi32, #tpu.memory_space<hbm>>
      %dma_wait3A_172 = tpu.memref_slice %arg2[%mul3A_2] : memref<320000xi32, #tpu.memory_space<hbm>> -> memref<128xi32, #tpu.memory_space<hbm>>
      tpu.wait_dma2 semaphore(%arg13 : memref<!tpu.dma_semaphore, #tpu.memory_space<semaphore_mem>>) src(%dma_wait3A_172 : memref<128xi32, #tpu.memory_space<hbm>>) dst(%arg6 : memref<128xi32, #tpu.memory_space<vmem>>)
      %dma_start3A_173 = arith.constant 0 : i32
      %dma_start3A_174 = tpu.memref_slice %arg10[%dma_start3A_173] : memref<10240xf32, #tpu.memory_space<vmem_shared>> -> memref<10240xf32, #tpu.memory_space<vmem_shared>>
      tpu.enqueue_indirect_dma source(%arg8 : memref<128xf32, #tpu.memory_space<vmem>>) target(%dma_start3A_174 : memref<10240xf32, #tpu.memory_space<vmem_shared>>) offsets(%arg6 : memref<128xi32, #tpu.memory_space<vmem>>) semaphore(%arg16 : memref<!tpu.dma_semaphore, #tpu.memory_space<semaphore_mem>>) {add = true}
    }
    %scan3A_93 = arith.constant 24 : i32
    %dma_wait3A_94 = arith.constant 0 : i32
    %dma_wait3A_95 = tpu.memref_slice %arg10[%dma_wait3A_94] : memref<10240xf32, #tpu.memory_space<vmem_shared>> -> memref<10240xf32, #tpu.memory_space<vmem_shared>>
    tpu.wait_indirect_dma semaphore(%arg16 : memref<!tpu.dma_semaphore, #tpu.memory_space<semaphore_mem>>) src(%arg8 : memref<128xf32, #tpu.memory_space<vmem>>) dst(%dma_wait3A_95 : memref<10240xf32, #tpu.memory_space<vmem_shared>>)
    %add3A_96 = arith.constant 9856 : i32
    %add3A_97 = arith.addi %mul3A_2, %add3A_96 : i32
    %dma_start3A_98 = tpu.memref_slice %arg2[%add3A_97] : memref<320000xi32, #tpu.memory_space<hbm>> -> memref<128xi32, #tpu.memory_space<hbm>>
    %dma_start3A_99 = tpu.memref_slice %arg2[%add3A_97] : memref<320000xi32, #tpu.memory_space<hbm>> -> memref<128xi32, #tpu.memory_space<hbm>>
    tpu.enqueue_dma source(%dma_start3A_99 : memref<128xi32, #tpu.memory_space<hbm>>) target(%arg6 : memref<128xi32, #tpu.memory_space<vmem>>) target_semaphore(%arg13 : memref<!tpu.dma_semaphore, #tpu.memory_space<semaphore_mem>>)
    %dma_wait3A_100 = tpu.memref_slice %arg2[%mul3A_2] : memref<320000xi32, #tpu.memory_space<hbm>> -> memref<128xi32, #tpu.memory_space<hbm>>
    %dma_wait3A_101 = tpu.memref_slice %arg2[%mul3A_2] : memref<320000xi32, #tpu.memory_space<hbm>> -> memref<128xi32, #tpu.memory_space<hbm>>
    tpu.wait_dma2 semaphore(%arg11 : memref<!tpu.dma_semaphore, #tpu.memory_space<semaphore_mem>>) src(%dma_wait3A_101 : memref<128xi32, #tpu.memory_space<hbm>>) dst(%arg4 : memref<128xi32, #tpu.memory_space<vmem>>)
    %dma_start3A_102 = arith.constant 0 : i32
    %dma_start3A_103 = tpu.memref_slice %arg10[%dma_start3A_102] : memref<10240xf32, #tpu.memory_space<vmem_shared>> -> memref<10240xf32, #tpu.memory_space<vmem_shared>>
    tpu.enqueue_indirect_dma source(%arg8 : memref<128xf32, #tpu.memory_space<vmem>>) target(%dma_start3A_103 : memref<10240xf32, #tpu.memory_space<vmem_shared>>) offsets(%arg4 : memref<128xi32, #tpu.memory_space<vmem>>) semaphore(%arg14 : memref<!tpu.dma_semaphore, #tpu.memory_space<semaphore_mem>>) {add = true}
    %dma_wait3A_104 = arith.constant 0 : i32
    %dma_wait3A_105 = tpu.memref_slice %arg10[%dma_wait3A_104] : memref<10240xf32, #tpu.memory_space<vmem_shared>> -> memref<10240xf32, #tpu.memory_space<vmem_shared>>
    tpu.wait_indirect_dma semaphore(%arg14 : memref<!tpu.dma_semaphore, #tpu.memory_space<semaphore_mem>>) src(%arg8 : memref<128xf32, #tpu.memory_space<vmem>>) dst(%dma_wait3A_105 : memref<10240xf32, #tpu.memory_space<vmem_shared>>)
    %dma_wait3A_106 = tpu.memref_slice %arg2[%mul3A_2] : memref<320000xi32, #tpu.memory_space<hbm>> -> memref<128xi32, #tpu.memory_space<hbm>>
    %dma_wait3A_107 = tpu.memref_slice %arg2[%mul3A_2] : memref<320000xi32, #tpu.memory_space<hbm>> -> memref<128xi32, #tpu.memory_space<hbm>>
    tpu.wait_dma2 semaphore(%arg12 : memref<!tpu.dma_semaphore, #tpu.memory_space<semaphore_mem>>) src(%dma_wait3A_107 : memref<128xi32, #tpu.memory_space<hbm>>) dst(%arg5 : memref<128xi32, #tpu.memory_space<vmem>>)
    %dma_start3A_108 = arith.constant 0 : i32
    %dma_start3A_109 = tpu.memref_slice %arg10[%dma_start3A_108] : memref<10240xf32, #tpu.memory_space<vmem_shared>> -> memref<10240xf32, #tpu.memory_space<vmem_shared>>
    tpu.enqueue_indirect_dma source(%arg8 : memref<128xf32, #tpu.memory_space<vmem>>) target(%dma_start3A_109 : memref<10240xf32, #tpu.memory_space<vmem_shared>>) offsets(%arg5 : memref<128xi32, #tpu.memory_space<vmem>>) semaphore(%arg15 : memref<!tpu.dma_semaphore, #tpu.memory_space<semaphore_mem>>) {add = true}
    %dma_wait3A_110 = arith.constant 0 : i32
    %dma_wait3A_111 = tpu.memref_slice %arg10[%dma_wait3A_110] : memref<10240xf32, #tpu.memory_space<vmem_shared>> -> memref<10240xf32, #tpu.memory_space<vmem_shared>>
    tpu.wait_indirect_dma semaphore(%arg15 : memref<!tpu.dma_semaphore, #tpu.memory_space<semaphore_mem>>) src(%arg8 : memref<128xf32, #tpu.memory_space<vmem>>) dst(%dma_wait3A_111 : memref<10240xf32, #tpu.memory_space<vmem_shared>>)
    %dma_wait3A_112 = tpu.memref_slice %arg2[%mul3A_2] : memref<320000xi32, #tpu.memory_space<hbm>> -> memref<128xi32, #tpu.memory_space<hbm>>
    %dma_wait3A_113 = tpu.memref_slice %arg2[%mul3A_2] : memref<320000xi32, #tpu.memory_space<hbm>> -> memref<128xi32, #tpu.memory_space<hbm>>
    tpu.wait_dma2 semaphore(%arg13 : memref<!tpu.dma_semaphore, #tpu.memory_space<semaphore_mem>>) src(%dma_wait3A_113 : memref<128xi32, #tpu.memory_space<hbm>>) dst(%arg6 : memref<128xi32, #tpu.memory_space<vmem>>)
    %dma_start3A_114 = arith.constant 0 : i32
    %dma_start3A_115 = tpu.memref_slice %arg10[%dma_start3A_114] : memref<10240xf32, #tpu.memory_space<vmem_shared>> -> memref<10240xf32, #tpu.memory_space<vmem_shared>>
    tpu.enqueue_indirect_dma source(%arg8 : memref<128xf32, #tpu.memory_space<vmem>>) target(%dma_start3A_115 : memref<10240xf32, #tpu.memory_space<vmem_shared>>) offsets(%arg6 : memref<128xi32, #tpu.memory_space<vmem>>) semaphore(%arg16 : memref<!tpu.dma_semaphore, #tpu.memory_space<semaphore_mem>>) {add = true}
    %dma_wait3A_116 = arith.constant 0 : i32
    %dma_wait3A_117 = tpu.memref_slice %arg10[%dma_wait3A_116] : memref<10240xf32, #tpu.memory_space<vmem_shared>> -> memref<10240xf32, #tpu.memory_space<vmem_shared>>
    tpu.wait_indirect_dma semaphore(%arg16 : memref<!tpu.dma_semaphore, #tpu.memory_space<semaphore_mem>>) src(%arg8 : memref<128xf32, #tpu.memory_space<vmem>>) dst(%dma_wait3A_117 : memref<10240xf32, #tpu.memory_space<vmem_shared>>)
    %add3A_118 = arith.constant 9984 : i32
    %add3A_119 = arith.addi %mul3A_2, %add3A_118 : i32
    "tpu.region"() ({
      %run_scoped3A = tpu.sem_alloc : memref<!tpu.dma_semaphore, #tpu.memory_space<semaphore_mem>>
      %dma_start3A_125 = tpu.memref_slice %arg2[%add3A_119] : memref<320000xi32, #tpu.memory_space<hbm>> -> memref<16xi32, #tpu.memory_space<hbm>>
      %dma_start3A_126 = tpu.memref_slice %arg2[%add3A_119] : memref<320000xi32, #tpu.memory_space<hbm>> -> memref<16xi32, #tpu.memory_space<hbm>>
      tpu.enqueue_dma source(%dma_start3A_126 : memref<16xi32, #tpu.memory_space<hbm>>) target(%arg7 : memref<16xi32, #tpu.memory_space<vmem>>) target_semaphore(%run_scoped3A : memref<!tpu.dma_semaphore, #tpu.memory_space<semaphore_mem>>)
      %dma_wait3A_127 = tpu.memref_slice %arg2[%add3A_119] : memref<320000xi32, #tpu.memory_space<hbm>> -> memref<16xi32, #tpu.memory_space<hbm>>
      %dma_wait3A_128 = tpu.memref_slice %arg2[%add3A_119] : memref<320000xi32, #tpu.memory_space<hbm>> -> memref<16xi32, #tpu.memory_space<hbm>>
      tpu.wait_dma2 semaphore(%run_scoped3A : memref<!tpu.dma_semaphore, #tpu.memory_space<semaphore_mem>>) src(%dma_wait3A_128 : memref<16xi32, #tpu.memory_space<hbm>>) dst(%arg7 : memref<16xi32, #tpu.memory_space<vmem>>)
      tpu.yield
    }) : () -> ()
    "tpu.region"() ({
      %run_scoped3A = tpu.sem_alloc : memref<!tpu.dma_semaphore, #tpu.memory_space<semaphore_mem>>
      %dma_start3A_125 = arith.constant 0 : i32
      %dma_start3A_126 = tpu.memref_slice %arg8[%dma_start3A_125] : memref<128xf32, #tpu.memory_space<vmem>> -> memref<16xf32, #tpu.memory_space<vmem>>
      %dma_start3A_127 = arith.constant 0 : i32
      %dma_start3A_128 = tpu.memref_slice %arg10[%dma_start3A_127] : memref<10240xf32, #tpu.memory_space<vmem_shared>> -> memref<10240xf32, #tpu.memory_space<vmem_shared>>
      tpu.enqueue_indirect_dma source(%dma_start3A_126 : memref<16xf32, #tpu.memory_space<vmem>>) target(%dma_start3A_128 : memref<10240xf32, #tpu.memory_space<vmem_shared>>) offsets(%arg7 : memref<16xi32, #tpu.memory_space<vmem>>) semaphore(%run_scoped3A : memref<!tpu.dma_semaphore, #tpu.memory_space<semaphore_mem>>) {add = true}
      %dma_wait3A_129 = arith.constant 0 : i32
      %dma_wait3A_130 = tpu.memref_slice %arg8[%dma_wait3A_129] : memref<128xf32, #tpu.memory_space<vmem>> -> memref<16xf32, #tpu.memory_space<vmem>>
      %dma_wait3A_131 = arith.constant 0 : i32
      %dma_wait3A_132 = tpu.memref_slice %arg10[%dma_wait3A_131] : memref<10240xf32, #tpu.memory_space<vmem_shared>> -> memref<10240xf32, #tpu.memory_space<vmem_shared>>
      tpu.wait_indirect_dma semaphore(%run_scoped3A : memref<!tpu.dma_semaphore, #tpu.memory_space<semaphore_mem>>) src(%dma_wait3A_130 : memref<16xf32, #tpu.memory_space<vmem>>) dst(%dma_wait3A_132 : memref<10240xf32, #tpu.memory_space<vmem_shared>>)
      tpu.yield
    }) : () -> ()
    %barrier3A_120 = arith.constant 0 : index
    tpu.barrier barrier_id(%barrier3A_120)
    %mul3A_121 = arith.constant 640 : i32
    %mul3A_122 = arith.muli %arg1, %mul3A_121 : i32
    %mul3A_123 = arith.constant 640 : i32
    %mul3A_124 = arith.muli %arg1, %mul3A_123 : i32
    "tpu.region"() ({
      %run_scoped3A = tpu.sem_alloc : memref<!tpu.dma_semaphore, #tpu.memory_space<semaphore_mem>>
      %dma_start3A_125 = tpu.memref_slice %arg3[%arg0, %mul3A_124] : memref<2x10240xf32, #tpu.memory_space<hbm>> -> memref<1x640xf32, #tpu.memory_space<hbm>>
      %dma_start3A_126 = tpu.memref_squeeze %dma_start3A_125 : memref<1x640xf32, #tpu.memory_space<hbm>> -> memref<640xf32, #tpu.memory_space<hbm>>
      %dma_start3A_127 = tpu.memref_slice %arg10[%mul3A_122] : memref<10240xf32, #tpu.memory_space<vmem_shared>> -> memref<640xf32, #tpu.memory_space<vmem_shared>>
      tpu.enqueue_dma source(%dma_start3A_127 : memref<640xf32, #tpu.memory_space<vmem_shared>>) target(%dma_start3A_126 : memref<640xf32, #tpu.memory_space<hbm>>) target_semaphore(%run_scoped3A : memref<!tpu.dma_semaphore, #tpu.memory_space<semaphore_mem>>)
      %dma_wait3A_128 = tpu.memref_slice %arg3[%arg0, %mul3A_124] : memref<2x10240xf32, #tpu.memory_space<hbm>> -> memref<1x640xf32, #tpu.memory_space<hbm>>
      %dma_wait3A_129 = tpu.memref_squeeze %dma_wait3A_128 : memref<1x640xf32, #tpu.memory_space<hbm>> -> memref<640xf32, #tpu.memory_space<hbm>>
      %dma_wait3A_130 = tpu.memref_slice %arg10[%mul3A_122] : memref<10240xf32, #tpu.memory_space<vmem_shared>> -> memref<640xf32, #tpu.memory_space<vmem_shared>>
      tpu.wait_dma2 semaphore(%run_scoped3A : memref<!tpu.dma_semaphore, #tpu.memory_space<semaphore_mem>>) src(%dma_wait3A_130 : memref<640xf32, #tpu.memory_space<vmem_shared>>) dst(%dma_wait3A_129 : memref<640xf32, #tpu.memory_space<hbm>>)
      tpu.yield
    }) : () -> ()
    return
  }
}

module attributes {stable_mosaic.version = 14 : i64} {
  func.func @_tc_pre_kernel(%arg0: memref<10000x128xf32, #tpu.memory_space<vmem>>, %arg1: memref<128x128xf32, #tpu.memory_space<vmem>>, %arg2: memref<10000x1xf32, #tpu.memory_space<vmem>>, %arg3: memref<10000x1xf32, #tpu.memory_space<vmem>>, %arg4: memref<10000x128xf32, #tpu.memory_space<vmem>>, %arg5: memref<10000x1xf32, #tpu.memory_space<vmem>>) attributes {dimension_semantics = [], scalar_prefetch = 0 : i64, scratch_operands = 0 : i64, tpu.core_type = #tpu.core_type<tc>} {
    %get3A = arith.constant 0 : index
    %get3A_0 = arith.constant 0 : index
    %get3A_1 = vector.load %arg2[%get3A, %get3A_0] : memref<10000x1xf32, #tpu.memory_space<vmem>>, vector<10000x1xf32>
    %get3A_2 = arith.constant 0 : index
    %get3A_3 = arith.constant 0 : index
    %get3A_4 = vector.load %arg3[%get3A_2, %get3A_3] : memref<10000x1xf32, #tpu.memory_space<vmem>>, vector<10000x1xf32>
    %add3A = arith.addf %get3A_1, %get3A_4 : vector<10000x1xf32>
    %add3A_5 = arith.constant 1.000000e+00 : f32
    %add3A_6 = vector.broadcast %add3A_5 : f32 to vector<10000x1xf32>
    %add3A_7 = arith.addf %add3A, %add3A_6 : vector<10000x1xf32>
    %rsqrt3A = math.rsqrt %add3A_7 : vector<10000x1xf32>
    %swap3A = arith.constant 0 : index
    %swap3A_8 = arith.constant 0 : index
    %swap3A_9 = vector.load %arg5[%swap3A, %swap3A_8] : memref<10000x1xf32, #tpu.memory_space<vmem>>, vector<10000x1xf32>
    tpu.vector_store %arg5[%swap3A, %swap3A_8], %rsqrt3A {strides = array<i32>} : memref<10000x1xf32, #tpu.memory_space<vmem>>, vector<10000x1xf32>,
    %get3A_10 = arith.constant 0 : index
    %get3A_11 = arith.constant 0 : index
    %get3A_12 = vector.load %arg0[%get3A_10, %get3A_11] : memref<10000x128xf32, #tpu.memory_space<vmem>>, vector<10000x128xf32>
    %get3A_13 = arith.constant 0 : index
    %get3A_14 = arith.constant 0 : index
    %get3A_15 = vector.load %arg1[%get3A_13, %get3A_14] : memref<128x128xf32, #tpu.memory_space<vmem>>, vector<128x128xf32>
    %dot_general3A = arith.constant dense<0.000000e+00> : vector<10000x128xf32>
    %dot_general3A_16 = tpu.matmul %get3A_12, %get3A_15, %dot_general3A {dimension_numbers = #tpu.dot_dimension_numbers<[1], [0], [0], [1], [0, 0, 1, 1], [], []>, transpose_lhs_hint = false} : vector<10000x128xf32>, vector<128x128xf32>, vector<10000x128xf32> -> vector<10000x128xf32>
    %mul3A = vector.broadcast %rsqrt3A : vector<10000x1xf32> to vector<10000x128xf32>
    %mul3A_17 = arith.mulf %dot_general3A_16, %mul3A : vector<10000x128xf32>
    %swap3A_18 = arith.constant 0 : index
    %swap3A_19 = arith.constant 0 : index
    %swap3A_20 = vector.load %arg4[%swap3A_18, %swap3A_19] : memref<10000x128xf32, #tpu.memory_space<vmem>>, vector<10000x128xf32>
    tpu.vector_store %arg4[%swap3A_18, %swap3A_19], %mul3A_17 {strides = array<i32>} : memref<10000x128xf32, #tpu.memory_space<vmem>>, vector<10000x128xf32>,
    return
  }
}

module attributes {stable_mosaic.version = 14 : i64} {
  func.func @_tc_mid_kernel(%arg0: memref<2x10000x128xf32, #tpu.memory_space<vmem>>, %arg1: memref<10000x128xf32, #tpu.memory_space<vmem>>, %arg2: memref<10000x1xf32, #tpu.memory_space<vmem>>, %arg3: memref<1x128xf32, #tpu.memory_space<vmem>>, %arg4: memref<128x128xf32, #tpu.memory_space<vmem>>, %arg5: memref<10000x128xf32, #tpu.memory_space<vmem>>) attributes {dimension_semantics = [], scalar_prefetch = 0 : i64, scratch_operands = 0 : i64, tpu.core_type = #tpu.core_type<tc>} {
    %get3A = arith.constant 0 : index
    %get3A_0 = arith.constant 0 : index
    %get3A_1 = vector.load %arg2[%get3A, %get3A_0] : memref<10000x1xf32, #tpu.memory_space<vmem>>, vector<10000x1xf32>
    %get3A_2 = arith.constant 0 : index
    %get3A_3 = arith.constant 0 : index
    %get3A_4 = arith.constant 0 : index
    %get3A_5 = vector.load %arg0[%get3A_2, %get3A_3, %get3A_4] : memref<2x10000x128xf32, #tpu.memory_space<vmem>>, vector<1x10000x128xf32>
    %get3A_6 = vector.shape_cast %get3A_5 : vector<1x10000x128xf32> to vector<10000x128xf32>
    %get3A_7 = arith.constant 1 : index
    %get3A_8 = arith.constant 0 : index
    %get3A_9 = arith.constant 0 : index
    %get3A_10 = vector.load %arg0[%get3A_7, %get3A_8, %get3A_9] : memref<2x10000x128xf32, #tpu.memory_space<vmem>>, vector<1x10000x128xf32>
    %get3A_11 = vector.shape_cast %get3A_10 : vector<1x10000x128xf32> to vector<10000x128xf32>
    %add3A = arith.addf %get3A_6, %get3A_11 : vector<10000x128xf32>
    %get3A_12 = arith.constant 0 : index
    %get3A_13 = arith.constant 0 : index
    %get3A_14 = vector.load %arg1[%get3A_12, %get3A_13] : memref<10000x128xf32, #tpu.memory_space<vmem>>, vector<10000x128xf32>
    %add3A_15 = arith.addf %add3A, %get3A_14 : vector<10000x128xf32>
    %mul3A = vector.broadcast %get3A_1 : vector<10000x1xf32> to vector<10000x128xf32>
    %mul3A_16 = arith.mulf %mul3A, %add3A_15 : vector<10000x128xf32>
    %get3A_17 = arith.constant 0 : index
    %get3A_18 = arith.constant 0 : index
    %get3A_19 = vector.load %arg3[%get3A_17, %get3A_18] : memref<1x128xf32, #tpu.memory_space<vmem>>, vector<1x128xf32>
    %add3A_20 = vector.broadcast %get3A_19 : vector<1x128xf32> to vector<10000x128xf32>
    %add3A_21 = arith.addf %mul3A_16, %add3A_20 : vector<10000x128xf32>
    %max3A = arith.constant 0.000000e+00 : f32
    %max3A_22 = vector.broadcast %max3A : f32 to vector<10000x128xf32>
    %max3A_23 = arith.maximumf %add3A_21, %max3A_22 : vector<10000x128xf32>
    %get3A_24 = arith.constant 0 : index
    %get3A_25 = arith.constant 0 : index
    %get3A_26 = vector.load %arg4[%get3A_24, %get3A_25] : memref<128x128xf32, #tpu.memory_space<vmem>>, vector<128x128xf32>
    %dot_general3A = arith.constant dense<0.000000e+00> : vector<10000x128xf32>
    %dot_general3A_27 = tpu.matmul %max3A_23, %get3A_26, %dot_general3A {dimension_numbers = #tpu.dot_dimension_numbers<[1], [0], [0], [1], [0, 0, 1, 1], [], []>, transpose_lhs_hint = false} : vector<10000x128xf32>, vector<128x128xf32>, vector<10000x128xf32> -> vector<10000x128xf32>
    %mul3A_28 = vector.broadcast %get3A_1 : vector<10000x1xf32> to vector<10000x128xf32>
    %mul3A_29 = arith.mulf %dot_general3A_27, %mul3A_28 : vector<10000x128xf32>
    %swap3A = arith.constant 0 : index
    %swap3A_30 = arith.constant 0 : index
    %swap3A_31 = vector.load %arg5[%swap3A, %swap3A_30] : memref<10000x128xf32, #tpu.memory_space<vmem>>, vector<10000x128xf32>
    tpu.vector_store %arg5[%swap3A, %swap3A_30], %mul3A_29 {strides = array<i32>} : memref<10000x128xf32, #tpu.memory_space<vmem>>, vector<10000x128xf32>,
    return
  }
}

module attributes {stable_mosaic.version = 14 : i64} {
  func.func @_tc_fin_kernel(%arg0: memref<2x10000x128xf32, #tpu.memory_space<vmem>>, %arg1: memref<10000x128xf32, #tpu.memory_space<vmem>>, %arg2: memref<10000x1xf32, #tpu.memory_space<vmem>>, %arg3: memref<1x128xf32, #tpu.memory_space<vmem>>, %arg4: memref<1x10000xi32, #tpu.memory_space<vmem>>, %arg5: memref<128x1xf32, #tpu.memory_space<vmem>>, %arg6: memref<1x1xf32, #tpu.memory_space<vmem>>, %arg7: memref<64x1xf32, #tpu.memory_space<vmem>>) attributes {dimension_semantics = [], scalar_prefetch = 0 : i64, scratch_operands = 0 : i64, tpu.core_type = #tpu.core_type<tc>} {
    %get3A = arith.constant 0 : index
    %get3A_0 = arith.constant 0 : index
    %get3A_1 = vector.load %arg2[%get3A, %get3A_0] : memref<10000x1xf32, #tpu.memory_space<vmem>>, vector<10000x1xf32>
    %get3A_2 = arith.constant 0 : index
    %get3A_3 = arith.constant 0 : index
    %get3A_4 = arith.constant 0 : index
    %get3A_5 = vector.load %arg0[%get3A_2, %get3A_3, %get3A_4] : memref<2x10000x128xf32, #tpu.memory_space<vmem>>, vector<1x10000x128xf32>
    %get3A_6 = vector.shape_cast %get3A_5 : vector<1x10000x128xf32> to vector<10000x128xf32>
    %get3A_7 = arith.constant 1 : index
    %get3A_8 = arith.constant 0 : index
    %get3A_9 = arith.constant 0 : index
    %get3A_10 = vector.load %arg0[%get3A_7, %get3A_8, %get3A_9] : memref<2x10000x128xf32, #tpu.memory_space<vmem>>, vector<1x10000x128xf32>
    %get3A_11 = vector.shape_cast %get3A_10 : vector<1x10000x128xf32> to vector<10000x128xf32>
    %add3A = arith.addf %get3A_6, %get3A_11 : vector<10000x128xf32>
    %get3A_12 = arith.constant 0 : index
    %get3A_13 = arith.constant 0 : index
    %get3A_14 = vector.load %arg1[%get3A_12, %get3A_13] : memref<10000x128xf32, #tpu.memory_space<vmem>>, vector<10000x128xf32>
    %add3A_15 = arith.addf %add3A, %get3A_14 : vector<10000x128xf32>
    %mul3A = vector.broadcast %get3A_1 : vector<10000x1xf32> to vector<10000x128xf32>
    %mul3A_16 = arith.mulf %mul3A, %add3A_15 : vector<10000x128xf32>
    %get3A_17 = arith.constant 0 : index
    %get3A_18 = arith.constant 0 : index
    %get3A_19 = vector.load %arg3[%get3A_17, %get3A_18] : memref<1x128xf32, #tpu.memory_space<vmem>>, vector<1x128xf32>
    %add3A_20 = vector.broadcast %get3A_19 : vector<1x128xf32> to vector<10000x128xf32>
    %add3A_21 = arith.addf %mul3A_16, %add3A_20 : vector<10000x128xf32>
    %max3A = arith.constant 0.000000e+00 : f32
    %max3A_22 = vector.broadcast %max3A : f32 to vector<10000x128xf32>
    %max3A_23 = arith.maximumf %add3A_21, %max3A_22 : vector<10000x128xf32>
    %iota3A = tpu.iota {dimensions = array<i32: 0>} : vector<64x10000xi32>
    %get3A_24 = arith.constant 0 : index
    %get3A_25 = arith.constant 0 : index
    %get3A_26 = vector.load %arg4[%get3A_24, %get3A_25] : memref<1x10000xi32, #tpu.memory_space<vmem>>, vector<1x10000xi32>
    %eq3A = vector.broadcast %get3A_26 : vector<1x10000xi32> to vector<64x10000xi32>
    %eq3A_27 = arith.cmpi eq, %iota3A, %eq3A : vector<64x10000xi32>
    %jit3A = arith.constant 1.000000e+00 : f32
    %jit3A_28 = arith.constant 0.000000e+00 : f32
    %broadcast_in_dim3A = vector.broadcast %jit3A : f32 to vector<64x10000xf32>
    %broadcast_in_dim3A_29 = vector.broadcast %jit3A_28 : f32 to vector<64x10000xf32>
    %select_n3A = arith.select %eq3A_27, %broadcast_in_dim3A, %broadcast_in_dim3A_29 : vector<64x10000xi1>, vector<64x10000xf32>
    %dot_general3A = arith.constant dense<0.000000e+00> : vector<64x128xf32>
    %dot_general3A_30 = tpu.matmul %select_n3A, %max3A_23, %dot_general3A {dimension_numbers = #tpu.dot_dimension_numbers<[1], [0], [0], [1], [0, 0, 1, 1], [], []>, transpose_lhs_hint = false} : vector<64x10000xf32>, vector<10000x128xf32>, vector<64x128xf32> -> vector<64x128xf32>
    %reduce_sum3A = arith.constant dense<0.000000e+00> : vector<64xf32>
    %reduce_sum3A_31 = vector.multi_reduction <add>, %select_n3A, %reduce_sum3A [1] : vector<64x10000xf32> to vector<64xf32>
    %broadcast_in_dim3A_32 = vector.shape_cast %reduce_sum3A_31 : vector<64xf32> to vector<64x1xf32>
    %max3A_33 = arith.constant 1.000000e+00 : f32
    %max3A_34 = vector.broadcast %max3A_33 : f32 to vector<64x1xf32>
    %max3A_35 = arith.maximumf %broadcast_in_dim3A_32, %max3A_34 : vector<64x1xf32>
    %div3A = vector.broadcast %max3A_35 : vector<64x1xf32> to vector<64x128xf32>
    %div3A_36 = arith.divf %dot_general3A_30, %div3A : vector<64x128xf32>
    %get3A_37 = arith.constant 0 : index
    %get3A_38 = arith.constant 0 : index
    %get3A_39 = vector.load %arg5[%get3A_37, %get3A_38] : memref<128x1xf32, #tpu.memory_space<vmem>>, vector<128x1xf32>
    %dot_general3A_40 = arith.constant dense<0.000000e+00> : vector<64x1xf32>
    %dot_general3A_41 = tpu.matmul %div3A_36, %get3A_39, %dot_general3A_40 {dimension_numbers = #tpu.dot_dimension_numbers<[1], [0], [0], [1], [0, 0, 1, 1], [], []>, transpose_lhs_hint = false} : vector<64x128xf32>, vector<128x1xf32>, vector<64x1xf32> -> vector<64x1xf32>
    %get3A_42 = arith.constant 0 : index
    %get3A_43 = arith.constant 0 : index
    %get3A_44 = vector.load %arg6[%get3A_42, %get3A_43] : memref<1x1xf32, #tpu.memory_space<vmem>>, vector<1x1xf32>
    %add3A_45 = vector.broadcast %get3A_44 : vector<1x1xf32> to vector<64x1xf32>
    %add3A_46 = arith.addf %dot_general3A_41, %add3A_45 : vector<64x1xf32>
    %logistic3A = arith.negf %add3A_46 : vector<64x1xf32>
    %logistic3A_47 = math.exp %logistic3A : vector<64x1xf32>
    %logistic3A_48 = arith.constant 1.000000e+00 : f32
    %logistic3A_49 = vector.broadcast %logistic3A_48 : f32 to vector<64x1xf32>
    %logistic3A_50 = arith.addf %logistic3A_49, %logistic3A_47 : vector<64x1xf32>
    %logistic3A_51 = arith.divf %logistic3A_49, %logistic3A_50 : vector<64x1xf32>
    %swap3A = arith.constant 0 : index
    %swap3A_52 = arith.constant 0 : index
    %swap3A_53 = vector.load %arg7[%swap3A, %swap3A_52] : memref<64x1xf32, #tpu.memory_space<vmem>>, vector<64x1xf32>
    tpu.vector_store %arg7[%swap3A, %swap3A_52], %logistic3A_51 {strides = array<i32>} : memref<64x1xf32, #tpu.memory_space<vmem>>, vector<64x1xf32>,
    return
  }
}

</mosaic_0001>

<sc_bundles>
// kernel: kernel.11.cloned.1.call-start
scs
__scs_entry_jumppad:
0x0: {  	(pc) =	sbr.rel $0x88, $3  }
0x1: {  	(tag) =	ssettag $0x0;
	lr =	simm.s32 $0x1  }
0x2: {  	[smem:$0x3F98] =	sst lr;
	_ =	strace $0xD0000000  }
0x3: {  	_ = 	snop  }
0x4: {  	_ = 	snop  }
0x5: {  	_ = 	snop  }
0x6: {  	_ = 	snop  }
0x7: {  	_ = 	snop  }
__scs_overlays_trampoline_lowered:
0x8: {  	[smem:$0x3FA7] =	sst s0  }
0x9: {  	[smem:$0x3FA8] =	sst s1  }
0xa: {  	[smem:$0x3FA9] =	sst s2  }
0xb: {  	[smem:$0x3FAA] =	sst s3  }
0xc: {  	[smem:$0x3FAB] =	sst s4  }
0xd: {  	[smem:$0x3FAC] =	sst s5  }
0xe: {  	[smem:$0x3FAD] =	sst s6  }
0xf: {  	[smem:$0x3FAE] =	sst s7  }
0x10: {  	[smem:$0x3FAF] =	sst s8  }
0x11: {  	[smem:$0x3FB0] =	sst s9;
	s0 =	simm.s32 @!p0 $0x0  }
0x12: {  	s1 =	sld [smem:$0x3F96];
	s0 =	simm.s32 @p0 $0x1  }
0x13: {  	[smem:$0x3FB1] =	sst s0;
	s0 =	simm.s32 @!p1 $0x0  }
0x14: {  	s2 =	sld [smem:$0x3F95];
	s0 =	simm.s32 @p1 $0x1  }
0x15: {  	[smem:$0x3FB2] =	sst s0;
	s0 =	simm.s32 @!p2 $0x0  }
0x16: {  	s3 =	sld [smem:$0x3FDB];
	s0 =	simm.s32 @p2 $0x1  }
0x17: {  	s4 =	simm.s32 $0x1BF5;
	[smem:$0x3FB4] =	sst s0  }
0x18: {  	s0 =	sld [smem:$0x3F97];
	_ =	swait.ge [sflag:s4], $0x0  }
0x19: {  	s7 =	sld [smem:$0x3F98]  }
0x1a: {  	s8 =	sadd.s32 $0xFFFFE003, lr  }
0x1b: {  	s9 =	sadd.s32 $0xFFFFFEF7, lr;
	s5 =	simm.s32 $0xFFFFFFFF;
	p2 =	slt.u32 s8, $0xFFFFF086  }
0x1c: {  	p1 =	slt.u32 s9, $0xF7A;
	s5 =	simm.s32 @!p2 $0x0  }
0x1d: {  	s5 =	simm.s32 @p1 $0x1;
	p0 =	seq.s32 s7, s2  }
0x1e: {  	s7 =	smul.u32 @!p0 $0xF7A, s2;
	p2 =	seq.s32 @!p0 s5, $0x0  }
0x1f: {  	s9 =	smul.u32 $0xF7A, s1;
	s8 =	simm.s32 @!p0 $0x1BF5;
	p2 =	por !p2, p0  }
0x20: {  	[sflag:s8] =	ssyncset.s32 @!p0 $0xFFFFF086;
	s6 =	sadd.s32 @!p0 s3, s7;
	s7 =	simm.s32 @!p0 $0x108  }
0x21: {  	s3 =	sadd.s32 s3, s9;
	s6 =	sadd.s32 @!p0 $0x88, s6;
	s7 =	simm.s32 @p2 $0x1082  }
0x22: {  	[simem:s7], [sflag:s8] =	dma.local @!p0 [hbm:s6], $0xF7A  }
0x23: {  	s9 =	sor.u32 $0xD0000000, s2;
	s6 =	simm.s32 $0x108;
	_ =	swait.ge @!p0 [sflag:s8], $0x0  }
0x24: {  	s3 =	sadd.s32 $0x88, s3;
	s6 =	simm.s32 @!p1 $0x1082;
	[sflag:s4] =	ssyncset.s32 $0xFFFFF086  }
0x25: {  	[simem:s6], [sflag:s4] =	dma.local [hbm:s3], $0xF7A  }
0x26: {  	[smem:$0x3F98] =	sst s1;
	(tag) =	ssettag s2;
	_ =	strace s9  }
0x27: {  	s1 =	sld [smem:$0x3FA8]  }
0x28: {  	s2 =	sld [smem:$0x3FA9]  }
0x29: {  	s4 =	sld [smem:$0x3FAB]  }
0x2a: {  	p0 =	seq.s32 s5, $0x0;
	s5 =	sld [smem:$0x3FAC]  }
0x2b: {  	s6 =	sld [smem:$0x3FAD]  }
0x2c: {  	s7 =	sld [smem:$0x3FAE]  }
0x2d: {  	s3 =	simm.s32 $0x108;
	s8 =	sld [smem:$0x3FAF]  }
0x2e: {  	s3 =	simm.s32 @!p0 $0x1082;
	s9 =	sld [smem:$0x3FB0]  }
0x2f: {  	lr =	sadd.s32 s0, s3;
	s0 =	sld [smem:$0x3FA7]  }
0x30: {  	s3 =	sld [smem:$0x3FAA]  }
0x31: {  	[smem:$0x3FB3] =	sst s10  }
0x32: {  	s10 =	sld [smem:$0x3FB1];
	_ =	sdelay $0x3  }
0x33: {  	p0 =	seq.s32 s10, $0x1;
	s10 =	sld [smem:$0x3FB3];
	_ =	sdelay $0x3  }
0x34: {  	[smem:$0x3FB3] =	sst s10  }
0x35: {  	s10 =	sld [smem:$0x3FB2];
	_ =	sdelay $0x3  }
0x36: {  	p1 =	seq.s32 s10, $0x1;
	s10 =	sld [smem:$0x3FB3];
	_ =	sdelay $0x3  }
0x37: {  	[smem:$0x3FB3] =	sst s10  }
0x38: {  	s10 =	sld [smem:$0x3FB4]  }
0x39: {  	_ = 	snop;
	(pc) =	sbr.ind lr, $3  }
0x3a: {  	_ = 	snop  }
0x3b: {  	_ = 	snop  }
0x3c: {  	p2 =	seq.s32 s10, $0x1;
	s10 =	sld [smem:$0x3FB3]  }
0x3d: {  	_ =	shalt  }
0x3e: {  	_ =	shalt  }
0x3f: {  	_ =	shalt  }
0x40: {  	_ =	shalt  }
0x41: {  	_ =	shalt  }
0x42: {  	_ =	shalt  }
0x43: {  	_ =	shalt  }
0x44: {  	_ =	shalt  }
0x45: {  	_ =	shalt  }
0x46: {  	_ =	shalt  }
0x47: {  	_ =	shalt  }
0x48: {  	_ =	shalt  }
0x49: {  	_ =	shalt  }
0x4a: {  	_ =	shalt  }
0x4b: {  	_ =	shalt  }
0x4c: {  	_ =	shalt  }
0x4d: {  	_ =	shalt  }
0x4e: {  	_ =	shalt  }
0x4f: {  	_ =	shalt  }
0x50: {  	_ =	shalt  }
0x51: {  	_ =	shalt  }
0x52: {  	_ =	shalt  }
0x53: {  	_ =	shalt  }
0x54: {  	_ =	shalt  }
0x55: {  	_ =	shalt  }
0x56: {  	_ =	shalt  }
0x57: {  	_ =	shalt  }
0x58: {  	_ =	shalt  }
0x59: {  	_ =	shalt  }
0x5a: {  	_ =	shalt  }
0x5b: {  	_ =	shalt  }
0x5c: {  	_ =	shalt  }
0x5d: {  	_ =	shalt  }
0x5e: {  	_ =	shalt  }
0x5f: {  	_ =	shalt  }
0x60: {  	_ =	shalt  }
0x61: {  	_ =	shalt  }
0x62: {  	_ =	shalt  }
0x63: {  	_ =	shalt  }
0x64: {  	_ =	shalt  }
0x65: {  	_ =	shalt  }
0x66: {  	_ =	shalt  }
0x67: {  	_ =	shalt  }
0x68: {  	_ =	shalt  }
0x69: {  	_ =	shalt  }
0x6a: {  	_ =	shalt  }
0x6b: {  	_ =	shalt  }
0x6c: {  	_ =	shalt  }
0x6d: {  	_ =	shalt  }
0x6e: {  	_ =	shalt  }
0x6f: {  	_ =	shalt  }
0x70: {  	_ =	shalt  }
0x71: {  	_ =	shalt  }
0x72: {  	_ =	shalt  }
0x73: {  	_ =	shalt  }
0x74: {  	_ =	shalt  }
0x75: {  	_ =	shalt  }
0x76: {  	_ =	shalt  }
0x77: {  	_ =	shalt  }
0x78: {  	_ =	shalt  }
0x79: {  	_ =	shalt  }
0x7a: {  	_ =	shalt  }
0x7b: {  	_ =	shalt  }
0x7c: {  	_ =	shalt  }
0x7d: {  	_ =	shalt  }
0x7e: {  	_ =	shalt  }
0x7f: {  	_ =	shalt  }
0x80: {  	_ =	shalt  }
0x81: {  	_ =	shalt  }
0x82: {  	_ =	shalt  }
0x83: {  	_ =	shalt  }
0x84: {  	_ =	shalt  }
0x85: {  	_ =	shalt  }
0x86: {  	_ =	shalt  }
0x87: {  	_ =	shalt  }
.Lfunc_end0:
.L_simem_size_0:
called_computation.1_lowered:
.L_overlay_start_0:
0x88: {  	s2 =	sld [smem:$0x3FD9]  }
0x89: {  	s3 =	sld [smem:$0x3FFE];
	_ =	sdelay $0x1  }
0x8a: {  	s1 =	srdreg.scid  }
0x8b: {  	s0 =	sand.u32 $0x1, s1  }
0x8c: {  	s16 =	sshll.u32 s0, $0xA;
	s2 =	sadd.s32 s3, s2  }
0x8d: {  	s2 =	sadd.s32 s2, s16  }
0x8e: {  	[smem:$0x3FBF] =	sst s2  }
0x8f: {  	_ = 	snop  }
0x90: {  	(tm) =	ssettm $0x1  }
0x91: {  	s17 =	sld [smem:$0x3FFB];
	_ =	sdelay $0x3  }
0x92: {  	_ =	strace s17  }
0x93: {  	s2 =	sld [smem:$0x3FFC];
	_ =	sdelay $0x3  }
0x94: {  	_ =	strace s2  }
0x95: {  	s2 =	sld [smem:$0x3FFD];
	_ =	sdelay $0x3  }
0x96: {  	_ =	strace s2  }
0x97: {  	_ =	strace $0x8FFFFFFF  }
0x98: {  	s18 =	sld [smem:$0x3FDB];
	_ =	sdelay $0x1  }
0x99: {  	s19 =	simm.s32 $_scs_section_size  }
0x9a: {  	s4 =	simm.s32 $_size__tile_overlayer_lowered;
	s5 =	simm.s32 $_tile_overlayer_lowered  }
0x9b: {  	s22 =	simm.s32 $0x1BFF;
	s21 =	sshll.u32 s5, $0x1;
	s2 =	sadd.s32 s19, s18  }
0x9c: {  	s6 =	simm.s32 $0x0;
	s20 =	sshll.u32 s4, $0x1;
	s4 =	sadd.s32 s21, s2  }
0x9d: {  	[timem:s6], [sflag:s22] =	dma.local [hbm:s4], s20  }
0x9e: {  	_ =	swait.ge [sflag:s22], s20  }
0x9f: {  	s3 =	ssub.s32 $0x0, s20;
	[sflag:s22] =	ssyncset.done $0x0  }
0xa0: {  	[sflag:s22] =	ssyncadd.s32 s3;
	_ =	sdelay $0x1  }
0xa1: {  	s23 =	simm.s32 $0x1B8B  }
0xa2: {  	_ =	swait.ge [sflag:s23], $0x1  }
0xa3: {  	[sflag:s23] =	ssyncset.done $0x0  }
0xa4: {  	s25 =	simm.s32 $0x1B8E;
	s24 =	sld [smem:$0x3FFE];
	[sflag:s23] =	ssyncadd.s32 $0xFFFFFFFF  }
0xa5: {  	s26 =	simm.s32 $execute0_lowered;
	[smem:$0x3FD2] =	sst s25  }
0xa6: {  	s4 =	sshll.u32 s26, $0x1;
	_ =	strace $0x80000049;
	[dreg:$0x1] =	wrdreg $0xFFFFFFFF  }
0xa7: {  	s28 =	simm.s32 $_size_execute0_lowered;
	s2 =	sadd.s32 s2, s4;
	[dreg:$0x0] =	wrdreg $0x0  }
0xa8: {  	s4 =	sshll.u32 s28, $0x1;
	[dreg:$0x2] =	wrdreg s2  }
0xa9: {  	[dreg:$0x3] =	wrdreg s4  }
0xaa: {  	[dreg:$0x4] =	wrdreg $0xC0  }
0xab: {  	_ =	task [dreg:s6], $0x5FFFF  }
0xac: {  	[dreg:$0x1] =	wrdreg $0xFFFFFFFF  }
0xad: {  	[dreg:$0x0] =	wrdreg $0x60  }
0xae: {  	[dreg:$0x2] =	wrdreg s24  }
0xaf: {  	[dreg:$0x3] =	wrdreg $0xC4000  }
0xb0: {  	[dreg:$0x4] =	wrdreg $0x9  }
0xb1: {  	_ =	task.clear_ibuf [dreg:s6], $0x5FFFF;
	_ =	strace $0x90000049  }
0xb2: {  	s29 =	simm.s32 $0x9;
	_ =	strace $0x8000004B  }
0xb3: {  	_ =	swait.ge [sflag:s29], $0x1  }
0xb4: {  	[sflag:s29] =	ssyncadd.s32 $0xFFFFFFFF  }
0xb5: {  	_ =	strace $0x9000004B  }
0xb6: {  	_ =	sfence  }
0xb7: {  	s30 =	sld [smem:$0x0];
	_ =	sdelay $0x2  }
0xb8: {  	s31 =	sshll.u32 s1, $0xD;
	s1 =	sshrl.u32 s1, $0x2  }
0xb9: {  	s3 =	sand.u32 $0x4000, s31;
	s1 =	sadd.s32 s1, s30  }
0xba: {  	s0 =	sor.u32 s3, s0;
	s1 =	sshll.u32 s1, $0x11  }
0xbb: {  	s0 =	sor.u32 s1, s0  }
0xbc: {  	s0 =	sadd.s32 $0x8F2B, s0  }
0xbd: {  	[sflag:s0] =	ssyncadd.remote.s32 $0x1  }
0xbe: {  	_ =	sfence.sel $0xFFFF  }
0xbf: {  	[dreg:$0x0] =	wrdreg $0xFFFFFFFF;
	(pc) =	sbr.abs _section_cstart, $3  }
0xc0: {  	[dreg:$0x1] =	wrdreg $0xFFFFFFFF  }
0xc1: {  	_ =	task.clear_ibuf [dreg:s6], $0x2FFFF;
	_ =	strace $0x9FFFFFFF  }
0xc2: {  	(tm) =	ssettm $0x7FFFFFFF  }
0xc3: {  	_ =	shalt  }
tec
execute0_lowered:
.L_overlay_start_1:
0x0: {  	(tag) =	ssettag $0x1  }
0x1: {  	s0 =	rddreg [dreg:$0x0]  }
0x2: {  	s1 =	rddreg [dreg:$0x1];
	s2 =	srdreg.scid  }
0x3: {  	s3 =	simm.s32 $0x0;
	s12 =	stileid.u32;
	s29 =	simm.s32 $0x180  }
0x4: {  	s30 =	simm.s32 $0x80;
	s31 =	simm.s32 $0x200;
	s2 =	sand.u32 $0x1, s2  }
0x5: {  	[smem:$0x7FF] =	sst s3;
	s7 =	smul.u32 $0x1F400, s12;
	s4 =	sadd.s32 $0x16200, s0  }
0x6: {  	s8 =	sshll.u32 s12, $0x1;
	s5 =	sadd.s32 $0x2600, s0;
	s10 =	smul.u32 $0x7D000, s12  }
0x7: {  	s9 =	sadd.s32 $0x3D400, s0;
	s15 =	smul.u32 $0x4E20, s12;
	p0 =	sgt.u32 s12, $0x9  }
0x8: {  	s12 =	simm.s32 $0x6;
	s6 =	smul.u32 $0x138800, s2;
	_ =	strace $0x8000004A  }
0x9: {  	s8 =	sor.u32 s2, s8;
	s20 =	ssub.s32 $0x2, s2;
	s2 =	smul.u32 $0x2710, s2  }
0xa: {  	[dreg:$0x3] =	wrdreg s9;
	s8 =	smul.u32 $0x2710, s8;
	s21 =	sshrl.u32 s20, $0x1  }
0xb: {  	s10 =	sshrl.u32 s10, $0x2;
	s7 =	sadd.s32 s7, s6;
	s6 =	sadd.s32 $0xC400, s0  }
0xc: {  	s25 =	sadd.s32 s10, s1;
	s2 =	sadd.s32 s2, s15;
	s8 =	sshrl.u32 s8, $0x3  }
0xd: {  	s15 =	simm.s32 $0x2;
	[dreg:$0x8] =	wrdreg s25;
	s22 =	sadd.s32 s5, s8  }
0xe: {  	s23 =	sadd.s32 $0x10, s8;
	s11 =	sadd.s32 s6, s8;
	[dreg:$0x4] =	wrdreg s22  }
0xf: {  	s7 =	sshrl.u32 s7, $0x3;
	[dreg:$0x5] =	wrdreg s11;
	s24 =	sadd.s32 s5, s23  }
0x10: {  	s26 =	sadd.s32 $0x20, s8;
	s9 =	sadd.s32 s6, s23;
	[dreg:$0x6] =	wrdreg s24  }
0x11: {  	s13 =	sadd.s32 $0x30, s8;
	s11 =	sadd.s32 s5, s26;
	[dreg:$0x7] =	wrdreg s9  }
0x12: {  	s16 =	sadd.s32 $0x40, s8;
	s14 =	sadd.s32 s5, s13;
	[dreg:$0x9] =	wrdreg s11  }
0x13: {  	s17 =	sadd.s32 $0x4D0, s8;
	s10 =	sadd.s32 s6, s16;
	[dreg:$0xb] =	wrdreg s14  }
0x14: {  	s0 =	sadd.s32 s7, s0;
	s18 =	sadd.s32 s5, s17;
	[dreg:$0xe] =	wrdreg s10  }
0x15: {  	s8 =	sadd.s32 $0x4E0, s8;
	s19 =	sadd.s32 s6, s17;
	[dreg:$0xf] =	wrdreg s18  }
0x16: {  	s7 =	ssub.s32 s20, s21;
	s20 =	sadd.s32 s5, s8;
	[dreg:$0x10] =	wrdreg s19  }
0x17: {  	s8 =	sadd.s32 s6, s8;
	s0 =	sadd.s32 $0x41400, s0;
	[dreg:$0x11] =	wrdreg s20  }
0x18: {  	s21 =	smax.u32 s7, $0x1;
	s22 =	sadd.s32 $0x380, s2;
	[dreg:$0x12] =	wrdreg s8  }
0x19: {  	s23 =	sadd.s32 $0x300, s2;
	s7 =	simm.s32 $0x5;
	[dreg:$0x13] =	wrdreg s0  }
0x1a: {  	s17 =	simm.s32 $0x3;
	s9 =	sadd.s32 s6, s26;
	[dreg:$0x14] =	wrdreg s21  }
0x1b: {  	s25 =	sshrl.u32 s22, $0x3;
	s26 =	sshrl.u32 s23, $0x3;
	s24 =	sadd.s32 $0x280, s2  }
0x1c: {  	s0 =	simm.s32 $0x4;
	s2 =	simm.s32 $0x400;
	s8 =	simm.s32 $0x4400  }
0x1d: {  	s10 =	simm.s32 $0x280;
	s11 =	simm.s32 $0x1;
	s14 =	simm.s32 $0x7  }
0x1e: {  	s18 =	simm.s32 $0x9;
	s20 =	simm.s32 $0xA;
	s23 =	simm.s32 $0x0  }
0x1f: {  	[dreg:$0xa] =	wrdreg s9;
	s9 =	sadd.s32 s6, s13;
	s13 =	sadd.s32 s5, s16  }
0x20: {  	s28 =	sshrl.u32 s24, $0x3;
	s16 =	simm.s32 $0x8;
	[dreg:$0xc] =	wrdreg s9  }
0x21: {  	[dreg:$0xd] =	wrdreg s13;
	s9 =	simm.s32 $0x100;
	s13 =	simm.s32 $0x8400  }
.LBB2_1:
0x22: {  	s19 =	rddreg [dreg:$0x4]  }
0x23: {  	s21 =	rddreg [dreg:$0x5]  }
0x24: {  	[tilespmem:s3], [sflag:$0x4] =	stream.linear.gather [hbm4b:s19+s3], $0x80, $0x38;
	[tilespmem:$0x1FC80] =	vst v63  }
0x25: {  	s22 =	rddreg [dreg:$0x6];
	s19 =	stileid.u32  }
0x26: {  	s24 =	rddreg [dreg:$0x7];
	s19 =	sshll.u32 @!p0 s19, $0x6  }
0x27: {  	[tilespmem:s29], [sflag:$0x4] =	stream.linear.gather [hbm4b:s21+s3], $0x80, $0x38;
	[tilespmem:$0x1FC80] =	vst v63  }
0x28: {  	s21 =	sor.u32 @!p0 $0x1C0A, s19;
	s19 =	rddreg [dreg:$0x8]  }
0x29: {  	[dreg:$0x15] =	wrdreg s21  }
0x2a: {  	[tilespmem:s30], [sflag:$0x5] =	stream.linear.gather [hbm4b:s22+s3], $0x80, $0x38;
	[tilespmem:$0x1FC80] =	vst v63  }
0x2b: {  	s22 =	sshrl.u32 @!p0 s19, $0x3;
	s19 =	rddreg [dreg:$0x3]  }
0x2c: {  	[dreg:$0x16] =	wrdreg s22  }
0x2d: {  	[tilespmem:s31], [sflag:$0x5] =	stream.linear.gather [hbm4b:s24+s3], $0x80, $0x38;
	[tilespmem:$0x1FC80] =	vst v63  }
0x2e: {  	[spmem:s22], [sflag:s21] =	dma.local @!p0 [hbm:s19], $0x3E80  }
0x2f: {  	s21 =	simm.s32 @!p0 $0xA  }
0x30: {  	_ =	swait.ge @!p0 [sflag:s21], $0x3E80  }
0x31: {  	[sflag:s21] =	ssyncset.done @!p0 $0x0  }
0x32: {  	[sflag:s21] =	ssyncadd.s32 @!p0 $0xFFFFC180  }
0x33: {  	_ =	swait.ge [sflag:s0], $0x80  }
0x34: {  	[sflag:s0] =	ssyncset.done $0x0  }
0x35: {  	[sflag:s0] =	ssyncadd.s32 $0xFFFFFF80  }
0x36: {  	_ =	swait.ge [sflag:s0], $0x80  }
0x37: {  	[sflag:s0] =	ssyncset.done $0x0  }
0x38: {  	[sflag:s0] =	ssyncadd.s32 $0xFFFFFF80  }
0x39: {  	[tilespmem:s2], [sflag:$0x1] =	stream.indirect.gather [hbm4b:s4+s30], $0x80, s3, s30, $0xb8;
	[tilespmem:$0x1FC80] =	vst v63  }
0x3a: {  	[bflag:$0x0] =	sbarrier.arrive $0xFFFF  }
0x3b: {  	_ =	swait.ge [sflag:s7], $0x80  }
0x3c: {  	[sflag:s7] =	ssyncset.done $0x0  }
0x3d: {  	[sflag:s7] =	ssyncadd.s32 $0xFFFFFF80  }
0x3e: {  	_ =	swait.ge [sflag:s7], $0x80  }
0x3f: {  	[sflag:s7] =	ssyncset.done $0x0  }
0x40: {  	[sflag:s7] =	ssyncadd.s32 $0xFFFFFF80  }
0x41: {  	[tilespmem:s8], [sflag:$0x2] =	stream.indirect.gather [hbm4b:s4+s30], $0x80, s30, s30, $0xb8;
	[tilespmem:$0x1FC80] =	vst v63  }
0x42: {  	s21 =	rddreg [dreg:$0x9]  }
0x43: {  	[tilespmem:s9], [sflag:$0x6] =	stream.linear.gather [hbm4b:s21+s3], $0x80, $0x38;
	[tilespmem:$0x1FC80] =	vst v63  }
0x44: {  	s22 =	rddreg [dreg:$0xa]  }
0x45: {  	[tilespmem:s10], [sflag:$0x6] =	stream.linear.gather [hbm4b:s22+s3], $0x80, $0x38;
	[tilespmem:$0x1FC80] =	vst v63  }
0x46: {  	_ =	swait.ge [sflag:s11], $0x4000  }
0x47: {  	[sflag:s11] =	ssyncset.done $0x0  }
0x48: {  	[sflag:s11] =	ssyncadd.s32 $0xFFFFC000  }
0x49: {  	[spmem:s1] =	stream.indirect.scatter.add.f32 [tilespmem:s2], [sflag:$0x7], $0x80, s29, s30, $0xb8;
	[tilespmem:$0x1FC80] =	vst v63  }
0x4a: {  	_ =	swait.ge [sflag:s12], $0x80  }
0x4b: {  	[sflag:s12] =	ssyncset.done $0x0  }
0x4c: {  	[sflag:s12] =	ssyncadd.s32 $0xFFFFFF80  }
0x4d: {  	_ =	swait.ge [sflag:s12], $0x80  }
0x4e: {  	[sflag:s12] =	ssyncset.done $0x0  }
0x4f: {  	[sflag:s12] =	ssyncadd.s32 $0xFFFFFF80  }
0x50: {  	[tilespmem:s13], [sflag:$0x3] =	stream.indirect.gather [hbm4b:s4+s30], $0x80, s9, s30, $0xb8;
	[tilespmem:$0x1FC80] =	vst v63  }
0x51: {  	_ =	swait.ge [sflag:s14], $0x4000  }
0x52: {  	[sflag:s14] =	ssyncset.done $0x0  }
0x53: {  	s24 =	rddreg [dreg:$0xb];
	[sflag:s14] =	ssyncadd.s32 $0xFFFFC000  }
0x54: {  	[tilespmem:s3], [sflag:$0x4] =	stream.linear.gather [hbm4b:s24+s3], $0x80, $0x38;
	[tilespmem:$0x1FC80] =	vst v63  }
0x55: {  	s21 =	rddreg [dreg:$0xc]  }
0x56: {  	[tilespmem:s29], [sflag:$0x4] =	stream.linear.gather [hbm4b:s21+s3], $0x80, $0x38;
	[tilespmem:$0x1FC80] =	vst v63  }
0x57: {  	_ =	swait.ge [sflag:s15], $0x4000  }
0x58: {  	[sflag:s15] =	ssyncset.done $0x0  }
0x59: {  	[sflag:s15] =	ssyncadd.s32 $0xFFFFC000  }
0x5a: {  	[spmem:s1] =	stream.indirect.scatter.add.f32 [tilespmem:s8], [sflag:$0x8], $0x80, s31, s30, $0xb8;
	[tilespmem:$0x1FC80] =	vst v63  }
0x5b: {  	_ =	swait.ge [sflag:s0], $0x80  }
0x5c: {  	[sflag:s0] =	ssyncset.done $0x0  }
0x5d: {  	[sflag:s0] =	ssyncadd.s32 $0xFFFFFF80  }
0x5e: {  	_ =	swait.ge [sflag:s0], $0x80  }
0x5f: {  	[sflag:s0] =	ssyncset.done $0x0  }
0x60: {  	[sflag:s0] =	ssyncadd.s32 $0xFFFFFF80  }
0x61: {  	[tilespmem:s2], [sflag:$0x1] =	stream.indirect.gather [hbm4b:s4+s30], $0x80, s3, s30, $0xb8;
	[tilespmem:$0x1FC80] =	vst v63  }
0x62: {  	_ =	swait.ge [sflag:s16], $0x4000  }
0x63: {  	[sflag:s16] =	ssyncset.done $0x0  }
0x64: {  	s22 =	rddreg [dreg:$0xd];
	[sflag:s16] =	ssyncadd.s32 $0xFFFFC000  }
0x65: {  	[tilespmem:s30], [sflag:$0x5] =	stream.linear.gather [hbm4b:s22+s3], $0x80, $0x38;
	[tilespmem:$0x1FC80] =	vst v63  }
0x66: {  	s24 =	rddreg [dreg:$0xe]  }
0x67: {  	[tilespmem:s31], [sflag:$0x5] =	stream.linear.gather [hbm4b:s24+s3], $0x80, $0x38;
	[tilespmem:$0x1FC80] =	vst v63  }
0x68: {  	_ =	swait.ge [sflag:s17], $0x4000  }
0x69: {  	[sflag:s17] =	ssyncset.done $0x0  }
0x6a: {  	[sflag:s17] =	ssyncadd.s32 $0xFFFFC000  }
0x6b: {  	[spmem:s1] =	stream.indirect.scatter.add.f32 [tilespmem:s13], [sflag:$0x9], $0x80, s10, s30, $0xb8;
	[tilespmem:$0x1FC80] =	vst v63  }
0x6c: {  	_ =	swait.ge [sflag:s7], $0x80  }
0x6d: {  	[sflag:s7] =	ssyncset.done $0x0  }
0x6e: {  	[sflag:s7] =	ssyncadd.s32 $0xFFFFFF80  }
0x6f: {  	_ =	swait.ge [sflag:s7], $0x80  }
0x70: {  	[sflag:s7] =	ssyncset.done $0x0  }
0x71: {  	[sflag:s7] =	ssyncadd.s32 $0xFFFFFF80  }
0x72: {  	[tilespmem:s8], [sflag:$0x2] =	stream.indirect.gather [hbm4b:s4+s30], $0x80, s30, s30, $0xb8;
	[tilespmem:$0x1FC80] =	vst v63  }
0x73: {  	_ =	swait.ge [sflag:s18], $0x4000  }
0x74: {  	[sflag:s18] =	ssyncset.done $0x0  }
0x75: {  	s19 =	sadd.s32 s5, s28;
	[sflag:s18] =	ssyncadd.s32 $0xFFFFC000  }
0x76: {  	[tilespmem:s9], [sflag:$0x6] =	stream.linear.gather [hbm4b:s19+s3], $0x80, $0x38;
	[tilespmem:$0x1FC80] =	vst v63  }
0x77: {  	s22 =	sadd.s32 s6, s28  }
0x78: {  	[tilespmem:s10], [sflag:$0x6] =	stream.linear.gather [hbm4b:s22+s3], $0x80, $0x38;
	[tilespmem:$0x1FC80] =	vst v63  }
0x79: {  	_ =	swait.ge [sflag:s11], $0x4000  }
0x7a: {  	[sflag:s11] =	ssyncset.done $0x0  }
0x7b: {  	[sflag:s11] =	ssyncadd.s32 $0xFFFFC000  }
0x7c: {  	[spmem:s1] =	stream.indirect.scatter.add.f32 [tilespmem:s2], [sflag:$0x7], $0x80, s29, s30, $0xb8;
	[tilespmem:$0x1FC80] =	vst v63  }
0x7d: {  	_ =	swait.ge [sflag:s12], $0x80  }
0x7e: {  	[sflag:s12] =	ssyncset.done $0x0  }
0x7f: {  	[sflag:s12] =	ssyncadd.s32 $0xFFFFFF80  }
0x80: {  	_ =	swait.ge [sflag:s12], $0x80  }
0x81: {  	[sflag:s12] =	ssyncset.done $0x0  }
0x82: {  	[sflag:s12] =	ssyncadd.s32 $0xFFFFFF80  }
0x83: {  	[tilespmem:s13], [sflag:$0x3] =	stream.indirect.gather [hbm4b:s4+s30], $0x80, s9, s30, $0xb8;
	[tilespmem:$0x1FC80] =	vst v63  }
0x84: {  	_ =	swait.ge [sflag:s14], $0x4000  }
0x85: {  	[sflag:s14] =	ssyncset.done $0x0  }
0x86: {  	s24 =	sadd.s32 s5, s26;
	[sflag:s14] =	ssyncadd.s32 $0xFFFFC000  }
0x87: {  	[tilespmem:s3], [sflag:$0x4] =	stream.linear.gather [hbm4b:s24+s3], $0x80, $0x38;
	[tilespmem:$0x1FC80] =	vst v63  }
0x88: {  	s19 =	sadd.s32 s6, s26  }
0x89: {  	[tilespmem:s29], [sflag:$0x4] =	stream.linear.gather [hbm4b:s19+s3], $0x80, $0x38;
	[tilespmem:$0x1FC80] =	vst v63  }
0x8a: {  	_ =	swait.ge [sflag:s15], $0x4000  }
0x8b: {  	[sflag:s15] =	ssyncset.done $0x0  }
0x8c: {  	[sflag:s15] =	ssyncadd.s32 $0xFFFFC000  }
0x8d: {  	[spmem:s1] =	stream.indirect.scatter.add.f32 [tilespmem:s8], [sflag:$0x8], $0x80, s31, s30, $0xb8;
	[tilespmem:$0x1FC80] =	vst v63  }
0x8e: {  	_ =	swait.ge [sflag:s0], $0x80  }
0x8f: {  	[sflag:s0] =	ssyncset.done $0x0  }
0x90: {  	[sflag:s0] =	ssyncadd.s32 $0xFFFFFF80  }
0x91: {  	_ =	swait.ge [sflag:s0], $0x80  }
0x92: {  	[sflag:s0] =	ssyncset.done $0x0  }
0x93: {  	[sflag:s0] =	ssyncadd.s32 $0xFFFFFF80  }
0x94: {  	[tilespmem:s2], [sflag:$0x1] =	stream.indirect.gather [hbm4b:s4+s30], $0x80, s3, s30, $0xb8;
	[tilespmem:$0x1FC80] =	vst v63  }
0x95: {  	_ =	swait.ge [sflag:s16], $0x4000  }
0x96: {  	[sflag:s16] =	ssyncset.done $0x0  }
0x97: {  	s22 =	sadd.s32 s5, s25;
	[sflag:s16] =	ssyncadd.s32 $0xFFFFC000  }
0x98: {  	[tilespmem:s30], [sflag:$0x5] =	stream.linear.gather [hbm4b:s22+s3], $0x80, $0x38;
	[tilespmem:$0x1FC80] =	vst v63  }
0x99: {  	s24 =	sadd.s32 s6, s25  }
0x9a: {  	[tilespmem:s31], [sflag:$0x5] =	stream.linear.gather [hbm4b:s24+s3], $0x80, $0x38;
	[tilespmem:$0x1FC80] =	vst v63  }
0x9b: {  	_ =	swait.ge [sflag:s17], $0x4000  }
0x9c: {  	s21 =	simm.s32 $0x17;
	[sflag:s17] =	ssyncset.done $0x0  }
0x9d: {  	s22 =	sadd.s32 $0x30, s6;
	s24 =	sadd.s32 $0x30, s5;
	[sflag:s17] =	ssyncadd.s32 $0xFFFFC000  }
.LBB2_2:
0x9e: {  	[spmem:s1] =	stream.indirect.scatter.add.f32 [tilespmem:s13], [sflag:$0x9], $0x80, s10, s30, $0xb8;
	[tilespmem:$0x1FC80] =	vst v63  }
0x9f: {  	p1 =	sne.s32 s21, $0x1;
	s21 =	sadd.s32 $0xFFFFFFFF, s21;
	_ =	swait.ge [sflag:s7], $0x80  }
0xa0: {  	[sflag:s7] =	ssyncset.done $0x0  }
0xa1: {  	[sflag:s7] =	ssyncadd.s32 $0xFFFFFF80  }
0xa2: {  	_ =	swait.ge [sflag:s7], $0x80  }
0xa3: {  	[sflag:s7] =	ssyncset.done $0x0  }
0xa4: {  	[sflag:s7] =	ssyncadd.s32 $0xFFFFFF80  }
0xa5: {  	[tilespmem:s8], [sflag:$0x2] =	stream.indirect.gather [hbm4b:s4+s30], $0x80, s30, s30, $0xb8;
	[tilespmem:$0x1FC80] =	vst v63  }
0xa6: {  	_ =	swait.ge [sflag:s18], $0x4000  }
0xa7: {  	[sflag:s18] =	ssyncset.done $0x0  }
0xa8: {  	s19 =	sadd.s32 s24, s28;
	[sflag:s18] =	ssyncadd.s32 $0xFFFFC000  }
0xa9: {  	[tilespmem:s9], [sflag:$0x6] =	stream.linear.gather [hbm4b:s19+s3], $0x80, $0x38;
	[tilespmem:$0x1FC80] =	vst v63  }
0xaa: {  	s19 =	sadd.s32 s22, s28  }
0xab: {  	[tilespmem:s10], [sflag:$0x6] =	stream.linear.gather [hbm4b:s19+s3], $0x80, $0x38;
	[tilespmem:$0x1FC80] =	vst v63  }
0xac: {  	_ =	swait.ge [sflag:s11], $0x4000  }
0xad: {  	[sflag:s11] =	ssyncset.done $0x0  }
0xae: {  	[sflag:s11] =	ssyncadd.s32 $0xFFFFC000  }
0xaf: {  	[spmem:s1] =	stream.indirect.scatter.add.f32 [tilespmem:s2], [sflag:$0x7], $0x80, s29, s30, $0xb8;
	[tilespmem:$0x1FC80] =	vst v63  }
0xb0: {  	_ =	swait.ge [sflag:s12], $0x80  }
0xb1: {  	[sflag:s12] =	ssyncset.done $0x0  }
0xb2: {  	[sflag:s12] =	ssyncadd.s32 $0xFFFFFF80  }
0xb3: {  	_ =	swait.ge [sflag:s12], $0x80  }
0xb4: {  	[sflag:s12] =	ssyncset.done $0x0  }
0xb5: {  	[sflag:s12] =	ssyncadd.s32 $0xFFFFFF80  }
0xb6: {  	[tilespmem:s13], [sflag:$0x3] =	stream.indirect.gather [hbm4b:s4+s30], $0x80, s9, s30, $0xb8;
	[tilespmem:$0x1FC80] =	vst v63  }
0xb7: {  	_ =	swait.ge [sflag:s14], $0x4000  }
0xb8: {  	[sflag:s14] =	ssyncset.done $0x0  }
0xb9: {  	s19 =	sadd.s32 s24, s26;
	[sflag:s14] =	ssyncadd.s32 $0xFFFFC000  }
0xba: {  	[tilespmem:s3], [sflag:$0x4] =	stream.linear.gather [hbm4b:s19+s3], $0x80, $0x38;
	[tilespmem:$0x1FC80] =	vst v63  }
0xbb: {  	s19 =	sadd.s32 s22, s26  }
0xbc: {  	[tilespmem:s29], [sflag:$0x4] =	stream.linear.gather [hbm4b:s19+s3], $0x80, $0x38;
	[tilespmem:$0x1FC80] =	vst v63  }
0xbd: {  	_ =	swait.ge [sflag:s15], $0x4000  }
0xbe: {  	[sflag:s15] =	ssyncset.done $0x0  }
0xbf: {  	[sflag:s15] =	ssyncadd.s32 $0xFFFFC000  }
0xc0: {  	[spmem:s1] =	stream.indirect.scatter.add.f32 [tilespmem:s8], [sflag:$0x8], $0x80, s31, s30, $0xb8;
	[tilespmem:$0x1FC80] =	vst v63  }
0xc1: {  	_ =	swait.ge [sflag:s0], $0x80  }
0xc2: {  	[sflag:s0] =	ssyncset.done $0x0  }
0xc3: {  	[sflag:s0] =	ssyncadd.s32 $0xFFFFFF80  }
0xc4: {  	_ =	swait.ge [sflag:s0], $0x80  }
0xc5: {  	[sflag:s0] =	ssyncset.done $0x0  }
0xc6: {  	[sflag:s0] =	ssyncadd.s32 $0xFFFFFF80  }
0xc7: {  	[tilespmem:s2], [sflag:$0x1] =	stream.indirect.gather [hbm4b:s4+s30], $0x80, s3, s30, $0xb8;
	[tilespmem:$0x1FC80] =	vst v63  }
0xc8: {  	_ =	swait.ge [sflag:s16], $0x4000  }
0xc9: {  	[sflag:s16] =	ssyncset.done $0x0  }
0xca: {  	s19 =	sadd.s32 s24, s25;
	[sflag:s16] =	ssyncadd.s32 $0xFFFFC000  }
0xcb: {  	[tilespmem:s30], [sflag:$0x5] =	stream.linear.gather [hbm4b:s19+s3], $0x80, $0x38;
	[tilespmem:$0x1FC80] =	vst v63  }
.Ltmp0:
0xcc: {  	s19 =	sadd.s32 s22, s25;
	(pc) =	sbr.rel @p1 .LBB2_2-.Ltmp0, $4  }
0xcd: {  	[tilespmem:s31], [sflag:$0x5] =	stream.linear.gather [hbm4b:s19+s3], $0x80, $0x38;
	[tilespmem:$0x1FC80] =	vst v63  }
0xce: {  	_ =	swait.ge [sflag:s17], $0x4000  }
0xcf: {  	[sflag:s17] =	ssyncset.done $0x0  }
0xd0: {  	s24 =	sadd.s32 $0x30, s24;
	s22 =	sadd.s32 $0x30, s22;
	[sflag:s17] =	ssyncadd.s32 $0xFFFFC000  }
0xd1: {  	[spmem:s1] =	stream.indirect.scatter.add.f32 [tilespmem:s13], [sflag:$0x9], $0x80, s10, s30, $0xb8;
	[tilespmem:$0x1FC80] =	vst v63  }
0xd2: {  	_ =	swait.ge [sflag:s7], $0x80  }
0xd3: {  	[sflag:s7] =	ssyncset.done $0x0  }
0xd4: {  	[sflag:s7] =	ssyncadd.s32 $0xFFFFFF80  }
0xd5: {  	_ =	swait.ge [sflag:s7], $0x80  }
0xd6: {  	[sflag:s7] =	ssyncset.done $0x0  }
0xd7: {  	[sflag:s7] =	ssyncadd.s32 $0xFFFFFF80  }
0xd8: {  	[tilespmem:s8], [sflag:$0x2] =	stream.indirect.gather [hbm4b:s4+s30], $0x80, s30, s30, $0xb8;
	[tilespmem:$0x1FC80] =	vst v63  }
0xd9: {  	_ =	swait.ge [sflag:s18], $0x4000  }
0xda: {  	[sflag:s18] =	ssyncset.done $0x0  }
0xdb: {  	s19 =	rddreg [dreg:$0xf];
	[sflag:s18] =	ssyncadd.s32 $0xFFFFC000  }
0xdc: {  	[tilespmem:s9], [sflag:$0x6] =	stream.linear.gather [hbm4b:s19+s3], $0x80, $0x38;
	[tilespmem:$0x1FC80] =	vst v63  }
0xdd: {  	s21 =	rddreg [dreg:$0x10]  }
0xde: {  	[tilespmem:s10], [sflag:$0x6] =	stream.linear.gather [hbm4b:s21+s3], $0x80, $0x38;
	[tilespmem:$0x1FC80] =	vst v63  }
0xdf: {  	_ =	swait.ge [sflag:s11], $0x4000  }
0xe0: {  	[sflag:s11] =	ssyncset.done $0x0  }
0xe1: {  	[sflag:s11] =	ssyncadd.s32 $0xFFFFC000  }
0xe2: {  	[spmem:s1] =	stream.indirect.scatter.add.f32 [tilespmem:s2], [sflag:$0x7], $0x80, s29, s30, $0xb8;
	[tilespmem:$0x1FC80] =	vst v63  }
0xe3: {  	_ =	swait.ge [sflag:s12], $0x80  }
0xe4: {  	[sflag:s12] =	ssyncset.done $0x0  }
0xe5: {  	[sflag:s12] =	ssyncadd.s32 $0xFFFFFF80  }
0xe6: {  	_ =	swait.ge [sflag:s12], $0x80  }
0xe7: {  	[sflag:s12] =	ssyncset.done $0x0  }
0xe8: {  	[sflag:s12] =	ssyncadd.s32 $0xFFFFFF80  }
0xe9: {  	[tilespmem:s13], [sflag:$0x3] =	stream.indirect.gather [hbm4b:s4+s30], $0x80, s9, s30, $0xb8;
	[tilespmem:$0x1FC80] =	vst v63  }
0xea: {  	_ =	swait.ge [sflag:s14], $0x4000  }
0xeb: {  	[sflag:s14] =	ssyncset.done $0x0  }
0xec: {  	[sflag:s14] =	ssyncadd.s32 $0xFFFFC000  }
0xed: {  	_ =	swait.ge [sflag:s15], $0x4000  }
0xee: {  	[sflag:s15] =	ssyncset.done $0x0  }
0xef: {  	[sflag:s15] =	ssyncadd.s32 $0xFFFFC000  }
0xf0: {  	[spmem:s1] =	stream.indirect.scatter.add.f32 [tilespmem:s8], [sflag:$0x8], $0x80, s31, s30, $0xb8;
	[tilespmem:$0x1FC80] =	vst v63  }
0xf1: {  	_ =	swait.ge [sflag:s16], $0x4000  }
0xf2: {  	[sflag:s16] =	ssyncset.done $0x0  }
0xf3: {  	[sflag:s16] =	ssyncadd.s32 $0xFFFFC000  }
0xf4: {  	_ =	swait.ge [sflag:s17], $0x4000  }
0xf5: {  	[sflag:s17] =	ssyncset.done $0x0  }
0xf6: {  	[sflag:s17] =	ssyncadd.s32 $0xFFFFC000  }
0xf7: {  	[spmem:s1] =	stream.indirect.scatter.add.f32 [tilespmem:s13], [sflag:$0x9], $0x80, s10, s30, $0xb8;
	[tilespmem:$0x1FC80] =	vst v63  }
0xf8: {  	_ =	swait.ge [sflag:s18], $0x4000  }
0xf9: {  	[sflag:s18] =	ssyncset.done $0x0  }
0xfa: {  	s21 =	simm.s32 $0x300;
	s22 =	rddreg [dreg:$0x11];
	[sflag:s18] =	ssyncadd.s32 $0xFFFFC000  }
0xfb: {  	[tilespmem:s21], [sflag:$0xA] =	stream.linear.gather [hbm4b:s22+s3], $0x10, $0x38;
	[tilespmem:$0x1FC80] =	vst v63  }
0xfc: {  	_ =	swait.ge [sflag:s20], $0x10  }
0xfd: {  	[sflag:s20] =	ssyncset.done $0x0  }
0xfe: {  	s22 =	simm.s32 $0x380;
	s24 =	rddreg [dreg:$0x12];
	[sflag:s20] =	ssyncadd.s32 $0xFFFFFFF0  }
0xff: {  	[tilespmem:s22], [sflag:$0xA] =	stream.linear.gather [hbm4b:s24+s3], $0x10, $0x38;
	[tilespmem:$0x1FC80] =	vst v63  }
0x100: {  	_ =	swait.ge [sflag:s20], $0x10  }
0x101: {  	[sflag:s20] =	ssyncset.done $0x0  }
0x102: {  	s24 =	simm.s32 $0x10;
	[sflag:s20] =	ssyncadd.s32 $0xFFFFFFF0  }
0x103: {  	[tilespmem:s2], [sflag:$0x1] =	stream.indirect.gather [hbm4b:s4+s24], $0x80, s21, s24, $0xb8;
	[tilespmem:$0x1FC80] =	vst v63  }
0x104: {  	_ =	swait.ge [sflag:s11], $0x800  }
0x105: {  	[sflag:s11] =	ssyncset.done $0x0  }
0x106: {  	[sflag:s11] =	ssyncadd.s32 $0xFFFFF800  }
0x107: {  	[spmem:s1] =	stream.indirect.scatter.add.f32 [tilespmem:s2], [sflag:$0xA], $0x80, s22, s24, $0xb8;
	[tilespmem:$0x1FC80] =	vst v63  }
0x108: {  	_ =	swait.ge [sflag:s20], $0x800  }
0x109: {  	[sflag:s20] =	ssyncset.done $0x0  }
0x10a: {  	[sflag:s20] =	ssyncadd.s32 $0xFFFFF800  }
0x10b: {  	[bflag:$0x0] =	sbarrier.arrive $0xFFFF  }
0x10c: {  	s19 =	rddreg [dreg:$0x13]  }
0x10d: {  	s21 =	rddreg [dreg:$0x15]  }
0x10e: {  	s22 =	rddreg [dreg:$0x16]  }
0x10f: {  	[hbm:s19], [sflag:s21] =	dma.local @!p0 [spmem:s22], $0x3E80  }
0x110: {  	s19 =	simm.s32 @!p0 $0xA  }
0x111: {  	_ =	swait.ge @!p0 [sflag:s19], $0x3E80  }
0x112: {  	s23 =	sadd.s32 $0x1, s23;
	s24 =	rddreg [dreg:$0x14]  }
0x113: {  	p1 =	sne.s32 s23, s24  }
.Ltmp1:
0x114: {  	_ = 	snop;
	(pc) =	sbr.rel @p1 .LBB2_1-.Ltmp1, $3  }
0x115: {  	_ =	sdelay $0x1  }
0x116: {  	[sflag:s19] =	ssyncset.done @!p0 $0x0  }
0x117: {  	[sflag:s19] =	ssyncadd.s32 @!p0 $0xFFFFC180  }
0x118: {  	_ =	sfence.sel $0x180000  }
0x119: {  	[bflag:$0x0] =	sbarrier.arrive $0xFFFF  }
0x11a: {  	_ =	strace $0x9000004A  }
0x11b: {  	s0 =	stileid.u32;
	[bflag:$0x2] =	sbarrier.arrive $0xFFFF  }
0x11c: {  	p0 =	sne.s32 s0, $0x0;
	s0 =	rddreg [dreg:$0x2]  }
0x11d: {  	s0 =	sadd.s32 @!p0 $0x100000, s0  }
0x11e: {  	[sflag:s0] =	ssyncadd.tile.s32 @!p0 $0x1;
	_ =	shalt  }
.Lfunc_end2:
_tile_overlayer_lowered:
.L_overlay_start_2:
0x11f: {  	(tag) =	ssettag $0x2  }
0x120: {  	s0 =	rddreg [dreg:$0x0];
	s2 =	stileid.u32  }
0x121: {  	s1 =	rddreg [dreg:$0x1];
	p0 =	sne.s32 s2, $0x0  }
0x122: {  	s3 =	rddreg [dreg:$0x2];
	[bflag:$0x3] =	sbarrier.arrive $0xFFFF;
	s2 =	simm.s32 @!p0 $0x1C0A  }
0x123: {  	[timem:s3], [sflag:s2] =	dma.local @!p0 [hbm:s0], s1  }
0x124: {  	s0 =	simm.s32 @!p0 $0xA  }
0x125: {  	_ =	swait.ge @!p0 [sflag:s0], s1  }
0x126: {  	s1 =	ssub.s32 @!p0 $0x0, s1;
	[sflag:s0] =	ssyncset.done @!p0 $0x0  }
0x127: {  	[sflag:s0] =	ssyncadd.s32 @!p0 s1  }
0x128: {  	[bflag:$0x3] =	sbarrier.arrive $0xFFFF  }
0x129: {  	_ =	shalt  }

// kernel: kernel.14.cloned.1.call-start
scs
__scs_entry_jumppad:
0x0: {  	(pc) =	sbr.rel $0x88, $3  }
0x1: {  	(tag) =	ssettag $0x0;
	lr =	simm.s32 $0x1  }
0x2: {  	[smem:$0x3F98] =	sst lr;
	_ =	strace $0xD0000000  }
0x3: {  	_ = 	snop  }
0x4: {  	_ = 	snop  }
0x5: {  	_ = 	snop  }
0x6: {  	_ = 	snop  }
0x7: {  	_ = 	snop  }
__scs_overlays_trampoline_lowered:
0x8: {  	[smem:$0x3FA7] =	sst s0  }
0x9: {  	[smem:$0x3FA8] =	sst s1  }
0xa: {  	[smem:$0x3FA9] =	sst s2  }
0xb: {  	[smem:$0x3FAA] =	sst s3  }
0xc: {  	[smem:$0x3FAB] =	sst s4  }
0xd: {  	[smem:$0x3FAC] =	sst s5  }
0xe: {  	[smem:$0x3FAD] =	sst s6  }
0xf: {  	[smem:$0x3FAE] =	sst s7  }
0x10: {  	[smem:$0x3FAF] =	sst s8  }
0x11: {  	[smem:$0x3FB0] =	sst s9;
	s0 =	simm.s32 @!p0 $0x0  }
0x12: {  	s1 =	sld [smem:$0x3F96];
	s0 =	simm.s32 @p0 $0x1  }
0x13: {  	[smem:$0x3FB1] =	sst s0;
	s0 =	simm.s32 @!p1 $0x0  }
0x14: {  	s2 =	sld [smem:$0x3F95];
	s0 =	simm.s32 @p1 $0x1  }
0x15: {  	[smem:$0x3FB2] =	sst s0;
	s0 =	simm.s32 @!p2 $0x0  }
0x16: {  	s3 =	sld [smem:$0x3FDB];
	s0 =	simm.s32 @p2 $0x1  }
0x17: {  	s4 =	simm.s32 $0x1BF5;
	[smem:$0x3FB4] =	sst s0  }
0x18: {  	s0 =	sld [smem:$0x3F97];
	_ =	swait.ge [sflag:s4], $0x0  }
0x19: {  	s7 =	sld [smem:$0x3F98]  }
0x1a: {  	s8 =	sadd.s32 $0xFFFFE003, lr  }
0x1b: {  	s9 =	sadd.s32 $0xFFFFFEF7, lr;
	s5 =	simm.s32 $0xFFFFFFFF;
	p2 =	slt.u32 s8, $0xFFFFF086  }
0x1c: {  	p1 =	slt.u32 s9, $0xF7A;
	s5 =	simm.s32 @!p2 $0x0  }
0x1d: {  	s5 =	simm.s32 @p1 $0x1;
	p0 =	seq.s32 s7, s2  }
0x1e: {  	s7 =	smul.u32 @!p0 $0xF7A, s2;
	p2 =	seq.s32 @!p0 s5, $0x0  }
0x1f: {  	s9 =	smul.u32 $0xF7A, s1;
	s8 =	simm.s32 @!p0 $0x1BF5;
	p2 =	por !p2, p0  }
0x20: {  	[sflag:s8] =	ssyncset.s32 @!p0 $0xFFFFF086;
	s6 =	sadd.s32 @!p0 s3, s7;
	s7 =	simm.s32 @!p0 $0x108  }
0x21: {  	s3 =	sadd.s32 s3, s9;
	s6 =	sadd.s32 @!p0 $0x88, s6;
	s7 =	simm.s32 @p2 $0x1082  }
0x22: {  	[simem:s7], [sflag:s8] =	dma.local @!p0 [hbm:s6], $0xF7A  }
0x23: {  	s9 =	sor.u32 $0xD0000000, s2;
	s6 =	simm.s32 $0x108;
	_ =	swait.ge @!p0 [sflag:s8], $0x0  }
0x24: {  	s3 =	sadd.s32 $0x88, s3;
	s6 =	simm.s32 @!p1 $0x1082;
	[sflag:s4] =	ssyncset.s32 $0xFFFFF086  }
0x25: {  	[simem:s6], [sflag:s4] =	dma.local [hbm:s3], $0xF7A  }
0x26: {  	[smem:$0x3F98] =	sst s1;
	(tag) =	ssettag s2;
	_ =	strace s9  }
0x27: {  	s1 =	sld [smem:$0x3FA8]  }
0x28: {  	s2 =	sld [smem:$0x3FA9]  }
0x29: {  	s4 =	sld [smem:$0x3FAB]  }
0x2a: {  	p0 =	seq.s32 s5, $0x0;
	s5 =	sld [smem:$0x3FAC]  }
0x2b: {  	s6 =	sld [smem:$0x3FAD]  }
0x2c: {  	s7 =	sld [smem:$0x3FAE]  }
0x2d: {  	s3 =	simm.s32 $0x108;
	s8 =	sld [smem:$0x3FAF]  }
0x2e: {  	s3 =	simm.s32 @!p0 $0x1082;
	s9 =	sld [smem:$0x3FB0]  }
0x2f: {  	lr =	sadd.s32 s0, s3;
	s0 =	sld [smem:$0x3FA7]  }
0x30: {  	s3 =	sld [smem:$0x3FAA]  }
0x31: {  	[smem:$0x3FB3] =	sst s10  }
0x32: {  	s10 =	sld [smem:$0x3FB1];
	_ =	sdelay $0x3  }
0x33: {  	p0 =	seq.s32 s10, $0x1;
	s10 =	sld [smem:$0x3FB3];
	_ =	sdelay $0x3  }
0x34: {  	[smem:$0x3FB3] =	sst s10  }
0x35: {  	s10 =	sld [smem:$0x3FB2];
	_ =	sdelay $0x3  }
0x36: {  	p1 =	seq.s32 s10, $0x1;
	s10 =	sld [smem:$0x3FB3];
	_ =	sdelay $0x3  }
0x37: {  	[smem:$0x3FB3] =	sst s10  }
0x38: {  	s10 =	sld [smem:$0x3FB4]  }
0x39: {  	_ = 	snop;
	(pc) =	sbr.ind lr, $3  }
0x3a: {  	_ = 	snop  }
0x3b: {  	_ = 	snop  }
0x3c: {  	p2 =	seq.s32 s10, $0x1;
	s10 =	sld [smem:$0x3FB3]  }
0x3d: {  	_ =	shalt  }
0x3e: {  	_ =	shalt  }
0x3f: {  	_ =	shalt  }
0x40: {  	_ =	shalt  }
0x41: {  	_ =	shalt  }
0x42: {  	_ =	shalt  }
0x43: {  	_ =	shalt  }
0x44: {  	_ =	shalt  }
0x45: {  	_ =	shalt  }
0x46: {  	_ =	shalt  }
0x47: {  	_ =	shalt  }
0x48: {  	_ =	shalt  }
0x49: {  	_ =	shalt  }
0x4a: {  	_ =	shalt  }
0x4b: {  	_ =	shalt  }
0x4c: {  	_ =	shalt  }
0x4d: {  	_ =	shalt  }
0x4e: {  	_ =	shalt  }
0x4f: {  	_ =	shalt  }
0x50: {  	_ =	shalt  }
0x51: {  	_ =	shalt  }
0x52: {  	_ =	shalt  }
0x53: {  	_ =	shalt  }
0x54: {  	_ =	shalt  }
0x55: {  	_ =	shalt  }
0x56: {  	_ =	shalt  }
0x57: {  	_ =	shalt  }
0x58: {  	_ =	shalt  }
0x59: {  	_ =	shalt  }
0x5a: {  	_ =	shalt  }
0x5b: {  	_ =	shalt  }
0x5c: {  	_ =	shalt  }
0x5d: {  	_ =	shalt  }
0x5e: {  	_ =	shalt  }
0x5f: {  	_ =	shalt  }
0x60: {  	_ =	shalt  }
0x61: {  	_ =	shalt  }
0x62: {  	_ =	shalt  }
0x63: {  	_ =	shalt  }
0x64: {  	_ =	shalt  }
0x65: {  	_ =	shalt  }
0x66: {  	_ =	shalt  }
0x67: {  	_ =	shalt  }
0x68: {  	_ =	shalt  }
0x69: {  	_ =	shalt  }
0x6a: {  	_ =	shalt  }
0x6b: {  	_ =	shalt  }
0x6c: {  	_ =	shalt  }
0x6d: {  	_ =	shalt  }
0x6e: {  	_ =	shalt  }
0x6f: {  	_ =	shalt  }
0x70: {  	_ =	shalt  }
0x71: {  	_ =	shalt  }
0x72: {  	_ =	shalt  }
0x73: {  	_ =	shalt  }
0x74: {  	_ =	shalt  }
0x75: {  	_ =	shalt  }
0x76: {  	_ =	shalt  }
0x77: {  	_ =	shalt  }
0x78: {  	_ =	shalt  }
0x79: {  	_ =	shalt  }
0x7a: {  	_ =	shalt  }
0x7b: {  	_ =	shalt  }
0x7c: {  	_ =	shalt  }
0x7d: {  	_ =	shalt  }
0x7e: {  	_ =	shalt  }
0x7f: {  	_ =	shalt  }
0x80: {  	_ =	shalt  }
0x81: {  	_ =	shalt  }
0x82: {  	_ =	shalt  }
0x83: {  	_ =	shalt  }
0x84: {  	_ =	shalt  }
0x85: {  	_ =	shalt  }
0x86: {  	_ =	shalt  }
0x87: {  	_ =	shalt  }
.Lfunc_end0:
.L_simem_size_0:
called_computation.2_lowered:
.L_overlay_start_0:
0x88: {  	s2 =	sld [smem:$0x3FD9]  }
0x89: {  	s3 =	sld [smem:$0x3FFE];
	_ =	sdelay $0x1  }
0x8a: {  	s1 =	srdreg.scid  }
0x8b: {  	s0 =	sand.u32 $0x1, s1  }
0x8c: {  	s16 =	sshll.u32 s0, $0xA;
	s2 =	sadd.s32 s3, s2  }
0x8d: {  	s2 =	sadd.s32 s2, s16  }
0x8e: {  	[smem:$0x3FBF] =	sst s2  }
0x8f: {  	_ = 	snop  }
0x90: {  	(tm) =	ssettm $0x1  }
0x91: {  	s17 =	sld [smem:$0x3FFB];
	_ =	sdelay $0x3  }
0x92: {  	_ =	strace s17  }
0x93: {  	s2 =	sld [smem:$0x3FFC];
	_ =	sdelay $0x3  }
0x94: {  	_ =	strace s2  }
0x95: {  	s2 =	sld [smem:$0x3FFD];
	_ =	sdelay $0x3  }
0x96: {  	_ =	strace s2  }
0x97: {  	_ =	strace $0x8FFFFFFF  }
0x98: {  	s18 =	sld [smem:$0x3FDB];
	_ =	sdelay $0x1  }
0x99: {  	s19 =	simm.s32 $_scs_section_size  }
0x9a: {  	s4 =	simm.s32 $_size__tile_overlayer_lowered;
	s5 =	simm.s32 $_tile_overlayer_lowered  }
0x9b: {  	s22 =	simm.s32 $0x1BFF;
	s21 =	sshll.u32 s5, $0x1;
	s2 =	sadd.s32 s19, s18  }
0x9c: {  	s6 =	simm.s32 $0x0;
	s20 =	sshll.u32 s4, $0x1;
	s4 =	sadd.s32 s21, s2  }
0x9d: {  	[timem:s6], [sflag:s22] =	dma.local [hbm:s4], s20  }
0x9e: {  	_ =	swait.ge [sflag:s22], s20  }
0x9f: {  	s3 =	ssub.s32 $0x0, s20;
	[sflag:s22] =	ssyncset.done $0x0  }
0xa0: {  	[sflag:s22] =	ssyncadd.s32 s3;
	_ =	sdelay $0x1  }
0xa1: {  	s23 =	simm.s32 $0x1B8B  }
0xa2: {  	_ =	swait.ge [sflag:s23], $0x1  }
0xa3: {  	[sflag:s23] =	ssyncset.done $0x0  }
0xa4: {  	s25 =	simm.s32 $0x1B8E;
	s24 =	sld [smem:$0x3FFE];
	[sflag:s23] =	ssyncadd.s32 $0xFFFFFFFF  }
0xa5: {  	s26 =	simm.s32 $execute0_lowered;
	[smem:$0x3FD2] =	sst s25  }
0xa6: {  	s4 =	sshll.u32 s26, $0x1;
	_ =	strace $0x8000004C;
	[dreg:$0x1] =	wrdreg $0xFFFFFFFF  }
0xa7: {  	s28 =	simm.s32 $_size_execute0_lowered;
	s2 =	sadd.s32 s2, s4;
	[dreg:$0x0] =	wrdreg $0x0  }
0xa8: {  	s4 =	sshll.u32 s28, $0x1;
	[dreg:$0x2] =	wrdreg s2  }
0xa9: {  	[dreg:$0x3] =	wrdreg s4  }
0xaa: {  	[dreg:$0x4] =	wrdreg $0xC0  }
0xab: {  	_ =	task [dreg:s6], $0x5FFFF  }
0xac: {  	[dreg:$0x1] =	wrdreg $0xFFFFFFFF  }
0xad: {  	[dreg:$0x0] =	wrdreg $0x60  }
0xae: {  	[dreg:$0x2] =	wrdreg s24  }
0xaf: {  	[dreg:$0x3] =	wrdreg $0xC4000  }
0xb0: {  	[dreg:$0x4] =	wrdreg $0x9  }
0xb1: {  	_ =	task.clear_ibuf [dreg:s6], $0x5FFFF;
	_ =	strace $0x9000004C  }
0xb2: {  	s29 =	simm.s32 $0x9;
	_ =	strace $0x8000004E  }
0xb3: {  	_ =	swait.ge [sflag:s29], $0x1  }
0xb4: {  	[sflag:s29] =	ssyncadd.s32 $0xFFFFFFFF  }
0xb5: {  	_ =	strace $0x9000004E  }
0xb6: {  	_ =	sfence  }
0xb7: {  	s30 =	sld [smem:$0x0];
	_ =	sdelay $0x2  }
0xb8: {  	s31 =	sshll.u32 s1, $0xD;
	s1 =	sshrl.u32 s1, $0x2  }
0xb9: {  	s3 =	sand.u32 $0x4000, s31;
	s1 =	sadd.s32 s1, s30  }
0xba: {  	s0 =	sor.u32 s3, s0;
	s1 =	sshll.u32 s1, $0x11  }
0xbb: {  	s0 =	sor.u32 s1, s0  }
0xbc: {  	s0 =	sadd.s32 $0x8F2B, s0  }
0xbd: {  	[sflag:s0] =	ssyncadd.remote.s32 $0x1  }
0xbe: {  	_ =	sfence.sel $0xFFFF  }
0xbf: {  	[dreg:$0x0] =	wrdreg $0xFFFFFFFF;
	(pc) =	sbr.abs _section_cstart, $3  }
0xc0: {  	[dreg:$0x1] =	wrdreg $0xFFFFFFFF  }
0xc1: {  	_ =	task.clear_ibuf [dreg:s6], $0x2FFFF;
	_ =	strace $0x9FFFFFFF  }
0xc2: {  	(tm) =	ssettm $0x7FFFFFFF  }
0xc3: {  	_ =	shalt  }
tec
execute0_lowered:
.L_overlay_start_1:
0x0: {  	(tag) =	ssettag $0x1  }
0x1: {  	s0 =	rddreg [dreg:$0x0]  }
0x2: {  	s1 =	rddreg [dreg:$0x1];
	s2 =	srdreg.scid  }
0x3: {  	s3 =	simm.s32 $0x0;
	s12 =	stileid.u32;
	s29 =	simm.s32 $0x180  }
0x4: {  	s30 =	simm.s32 $0x80;
	s31 =	simm.s32 $0x200;
	s2 =	sand.u32 $0x1, s2  }
0x5: {  	[smem:$0x7FF] =	sst s3;
	s7 =	smul.u32 $0x1F400, s12;
	s4 =	sadd.s32 $0x16200, s0  }
0x6: {  	s8 =	sshll.u32 s12, $0x1;
	s5 =	sadd.s32 $0x2600, s0;
	s10 =	smul.u32 $0x7D000, s12  }
0x7: {  	s9 =	sadd.s32 $0x3D400, s0;
	s15 =	smul.u32 $0x4E20, s12;
	p0 =	sgt.u32 s12, $0x9  }
0x8: {  	s12 =	simm.s32 $0x6;
	s6 =	smul.u32 $0x138800, s2;
	_ =	strace $0x8000004D  }
0x9: {  	s8 =	sor.u32 s2, s8;
	s20 =	ssub.s32 $0x2, s2;
	s2 =	smul.u32 $0x2710, s2  }
0xa: {  	[dreg:$0x3] =	wrdreg s9;
	s8 =	smul.u32 $0x2710, s8;
	s21 =	sshrl.u32 s20, $0x1  }
0xb: {  	s10 =	sshrl.u32 s10, $0x2;
	s7 =	sadd.s32 s7, s6;
	s6 =	sadd.s32 $0xC400, s0  }
0xc: {  	s25 =	sadd.s32 s10, s1;
	s2 =	sadd.s32 s2, s15;
	s8 =	sshrl.u32 s8, $0x3  }
0xd: {  	s15 =	simm.s32 $0x2;
	[dreg:$0x8] =	wrdreg s25;
	s22 =	sadd.s32 s5, s8  }
0xe: {  	s23 =	sadd.s32 $0x10, s8;
	s11 =	sadd.s32 s6, s8;
	[dreg:$0x4] =	wrdreg s22  }
0xf: {  	s7 =	sshrl.u32 s7, $0x3;
	[dreg:$0x5] =	wrdreg s11;
	s24 =	sadd.s32 s5, s23  }
0x10: {  	s26 =	sadd.s32 $0x20, s8;
	s9 =	sadd.s32 s6, s23;
	[dreg:$0x6] =	wrdreg s24  }
0x11: {  	s13 =	sadd.s32 $0x30, s8;
	s11 =	sadd.s32 s5, s26;
	[dreg:$0x7] =	wrdreg s9  }
0x12: {  	s16 =	sadd.s32 $0x40, s8;
	s14 =	sadd.s32 s5, s13;
	[dreg:$0x9] =	wrdreg s11  }
0x13: {  	s17 =	sadd.s32 $0x4D0, s8;
	s10 =	sadd.s32 s6, s16;
	[dreg:$0xb] =	wrdreg s14  }
0x14: {  	s0 =	sadd.s32 s7, s0;
	s18 =	sadd.s32 s5, s17;
	[dreg:$0xe] =	wrdreg s10  }
0x15: {  	s8 =	sadd.s32 $0x4E0, s8;
	s19 =	sadd.s32 s6, s17;
	[dreg:$0xf] =	wrdreg s18  }
0x16: {  	s7 =	ssub.s32 s20, s21;
	s20 =	sadd.s32 s5, s8;
	[dreg:$0x10] =	wrdreg s19  }
0x17: {  	s8 =	sadd.s32 s6, s8;
	s0 =	sadd.s32 $0x41400, s0;
	[dreg:$0x11] =	wrdreg s20  }
0x18: {  	s21 =	smax.u32 s7, $0x1;
	s22 =	sadd.s32 $0x380, s2;
	[dreg:$0x12] =	wrdreg s8  }
0x19: {  	s23 =	sadd.s32 $0x300, s2;
	s7 =	simm.s32 $0x5;
	[dreg:$0x13] =	wrdreg s0  }
0x1a: {  	s17 =	simm.s32 $0x3;
	s9 =	sadd.s32 s6, s26;
	[dreg:$0x14] =	wrdreg s21  }
0x1b: {  	s25 =	sshrl.u32 s22, $0x3;
	s26 =	sshrl.u32 s23, $0x3;
	s24 =	sadd.s32 $0x280, s2  }
0x1c: {  	s0 =	simm.s32 $0x4;
	s2 =	simm.s32 $0x400;
	s8 =	simm.s32 $0x4400  }
0x1d: {  	s10 =	simm.s32 $0x280;
	s11 =	simm.s32 $0x1;
	s14 =	simm.s32 $0x7  }
0x1e: {  	s18 =	simm.s32 $0x9;
	s20 =	simm.s32 $0xA;
	s23 =	simm.s32 $0x0  }
0x1f: {  	[dreg:$0xa] =	wrdreg s9;
	s9 =	sadd.s32 s6, s13;
	s13 =	sadd.s32 s5, s16  }
0x20: {  	s28 =	sshrl.u32 s24, $0x3;
	s16 =	simm.s32 $0x8;
	[dreg:$0xc] =	wrdreg s9  }
0x21: {  	[dreg:$0xd] =	wrdreg s13;
	s9 =	simm.s32 $0x100;
	s13 =	simm.s32 $0x8400  }
.LBB2_1:
0x22: {  	s19 =	rddreg [dreg:$0x4]  }
0x23: {  	s21 =	rddreg [dreg:$0x5]  }
0x24: {  	[tilespmem:s3], [sflag:$0x4] =	stream.linear.gather [hbm4b:s19+s3], $0x80, $0x38;
	[tilespmem:$0x1FC80] =	vst v63  }
0x25: {  	s22 =	rddreg [dreg:$0x6];
	s19 =	stileid.u32  }
0x26: {  	s24 =	rddreg [dreg:$0x7];
	s19 =	sshll.u32 @!p0 s19, $0x6  }
0x27: {  	[tilespmem:s29], [sflag:$0x4] =	stream.linear.gather [hbm4b:s21+s3], $0x80, $0x38;
	[tilespmem:$0x1FC80] =	vst v63  }
0x28: {  	s21 =	sor.u32 @!p0 $0x1C0A, s19;
	s19 =	rddreg [dreg:$0x8]  }
0x29: {  	[dreg:$0x15] =	wrdreg s21  }
0x2a: {  	[tilespmem:s30], [sflag:$0x5] =	stream.linear.gather [hbm4b:s22+s3], $0x80, $0x38;
	[tilespmem:$0x1FC80] =	vst v63  }
0x2b: {  	s22 =	sshrl.u32 @!p0 s19, $0x3;
	s19 =	rddreg [dreg:$0x3]  }
0x2c: {  	[dreg:$0x16] =	wrdreg s22  }
0x2d: {  	[tilespmem:s31], [sflag:$0x5] =	stream.linear.gather [hbm4b:s24+s3], $0x80, $0x38;
	[tilespmem:$0x1FC80] =	vst v63  }
0x2e: {  	[spmem:s22], [sflag:s21] =	dma.local @!p0 [hbm:s19], $0x3E80  }
0x2f: {  	s21 =	simm.s32 @!p0 $0xA  }
0x30: {  	_ =	swait.ge @!p0 [sflag:s21], $0x3E80  }
0x31: {  	[sflag:s21] =	ssyncset.done @!p0 $0x0  }
0x32: {  	[sflag:s21] =	ssyncadd.s32 @!p0 $0xFFFFC180  }
0x33: {  	_ =	swait.ge [sflag:s0], $0x80  }
0x34: {  	[sflag:s0] =	ssyncset.done $0x0  }
0x35: {  	[sflag:s0] =	ssyncadd.s32 $0xFFFFFF80  }
0x36: {  	_ =	swait.ge [sflag:s0], $0x80  }
0x37: {  	[sflag:s0] =	ssyncset.done $0x0  }
0x38: {  	[sflag:s0] =	ssyncadd.s32 $0xFFFFFF80  }
0x39: {  	[tilespmem:s2], [sflag:$0x1] =	stream.indirect.gather [hbm4b:s4+s30], $0x80, s3, s30, $0xb8;
	[tilespmem:$0x1FC80] =	vst v63  }
0x3a: {  	[bflag:$0x0] =	sbarrier.arrive $0xFFFF  }
0x3b: {  	_ =	swait.ge [sflag:s7], $0x80  }
0x3c: {  	[sflag:s7] =	ssyncset.done $0x0  }
0x3d: {  	[sflag:s7] =	ssyncadd.s32 $0xFFFFFF80  }
0x3e: {  	_ =	swait.ge [sflag:s7], $0x80  }
0x3f: {  	[sflag:s7] =	ssyncset.done $0x0  }
0x40: {  	[sflag:s7] =	ssyncadd.s32 $0xFFFFFF80  }
0x41: {  	[tilespmem:s8], [sflag:$0x2] =	stream.indirect.gather [hbm4b:s4+s30], $0x80, s30, s30, $0xb8;
	[tilespmem:$0x1FC80] =	vst v63  }
0x42: {  	s21 =	rddreg [dreg:$0x9]  }
0x43: {  	[tilespmem:s9], [sflag:$0x6] =	stream.linear.gather [hbm4b:s21+s3], $0x80, $0x38;
	[tilespmem:$0x1FC80] =	vst v63  }
0x44: {  	s22 =	rddreg [dreg:$0xa]  }
0x45: {  	[tilespmem:s10], [sflag:$0x6] =	stream.linear.gather [hbm4b:s22+s3], $0x80, $0x38;
	[tilespmem:$0x1FC80] =	vst v63  }
0x46: {  	_ =	swait.ge [sflag:s11], $0x4000  }
0x47: {  	[sflag:s11] =	ssyncset.done $0x0  }
0x48: {  	[sflag:s11] =	ssyncadd.s32 $0xFFFFC000  }
0x49: {  	[spmem:s1] =	stream.indirect.scatter.add.f32 [tilespmem:s2], [sflag:$0x7], $0x80, s29, s30, $0xb8;
	[tilespmem:$0x1FC80] =	vst v63  }
0x4a: {  	_ =	swait.ge [sflag:s12], $0x80  }
0x4b: {  	[sflag:s12] =	ssyncset.done $0x0  }
0x4c: {  	[sflag:s12] =	ssyncadd.s32 $0xFFFFFF80  }
0x4d: {  	_ =	swait.ge [sflag:s12], $0x80  }
0x4e: {  	[sflag:s12] =	ssyncset.done $0x0  }
0x4f: {  	[sflag:s12] =	ssyncadd.s32 $0xFFFFFF80  }
0x50: {  	[tilespmem:s13], [sflag:$0x3] =	stream.indirect.gather [hbm4b:s4+s30], $0x80, s9, s30, $0xb8;
	[tilespmem:$0x1FC80] =	vst v63  }
0x51: {  	_ =	swait.ge [sflag:s14], $0x4000  }
0x52: {  	[sflag:s14] =	ssyncset.done $0x0  }
0x53: {  	s24 =	rddreg [dreg:$0xb];
	[sflag:s14] =	ssyncadd.s32 $0xFFFFC000  }
0x54: {  	[tilespmem:s3], [sflag:$0x4] =	stream.linear.gather [hbm4b:s24+s3], $0x80, $0x38;
	[tilespmem:$0x1FC80] =	vst v63  }
0x55: {  	s21 =	rddreg [dreg:$0xc]  }
0x56: {  	[tilespmem:s29], [sflag:$0x4] =	stream.linear.gather [hbm4b:s21+s3], $0x80, $0x38;
	[tilespmem:$0x1FC80] =	vst v63  }
0x57: {  	_ =	swait.ge [sflag:s15], $0x4000  }
0x58: {  	[sflag:s15] =	ssyncset.done $0x0  }
0x59: {  	[sflag:s15] =	ssyncadd.s32 $0xFFFFC000  }
0x5a: {  	[spmem:s1] =	stream.indirect.scatter.add.f32 [tilespmem:s8], [sflag:$0x8], $0x80, s31, s30, $0xb8;
	[tilespmem:$0x1FC80] =	vst v63  }
0x5b: {  	_ =	swait.ge [sflag:s0], $0x80  }
0x5c: {  	[sflag:s0] =	ssyncset.done $0x0  }
0x5d: {  	[sflag:s0] =	ssyncadd.s32 $0xFFFFFF80  }
0x5e: {  	_ =	swait.ge [sflag:s0], $0x80  }
0x5f: {  	[sflag:s0] =	ssyncset.done $0x0  }
0x60: {  	[sflag:s0] =	ssyncadd.s32 $0xFFFFFF80  }
0x61: {  	[tilespmem:s2], [sflag:$0x1] =	stream.indirect.gather [hbm4b:s4+s30], $0x80, s3, s30, $0xb8;
	[tilespmem:$0x1FC80] =	vst v63  }
0x62: {  	_ =	swait.ge [sflag:s16], $0x4000  }
0x63: {  	[sflag:s16] =	ssyncset.done $0x0  }
0x64: {  	s22 =	rddreg [dreg:$0xd];
	[sflag:s16] =	ssyncadd.s32 $0xFFFFC000  }
0x65: {  	[tilespmem:s30], [sflag:$0x5] =	stream.linear.gather [hbm4b:s22+s3], $0x80, $0x38;
	[tilespmem:$0x1FC80] =	vst v63  }
0x66: {  	s24 =	rddreg [dreg:$0xe]  }
0x67: {  	[tilespmem:s31], [sflag:$0x5] =	stream.linear.gather [hbm4b:s24+s3], $0x80, $0x38;
	[tilespmem:$0x1FC80] =	vst v63  }
0x68: {  	_ =	swait.ge [sflag:s17], $0x4000  }
0x69: {  	[sflag:s17] =	ssyncset.done $0x0  }
0x6a: {  	[sflag:s17] =	ssyncadd.s32 $0xFFFFC000  }
0x6b: {  	[spmem:s1] =	stream.indirect.scatter.add.f32 [tilespmem:s13], [sflag:$0x9], $0x80, s10, s30, $0xb8;
	[tilespmem:$0x1FC80] =	vst v63  }
0x6c: {  	_ =	swait.ge [sflag:s7], $0x80  }
0x6d: {  	[sflag:s7] =	ssyncset.done $0x0  }
0x6e: {  	[sflag:s7] =	ssyncadd.s32 $0xFFFFFF80  }
0x6f: {  	_ =	swait.ge [sflag:s7], $0x80  }
0x70: {  	[sflag:s7] =	ssyncset.done $0x0  }
0x71: {  	[sflag:s7] =	ssyncadd.s32 $0xFFFFFF80  }
0x72: {  	[tilespmem:s8], [sflag:$0x2] =	stream.indirect.gather [hbm4b:s4+s30], $0x80, s30, s30, $0xb8;
	[tilespmem:$0x1FC80] =	vst v63  }
0x73: {  	_ =	swait.ge [sflag:s18], $0x4000  }
0x74: {  	[sflag:s18] =	ssyncset.done $0x0  }
0x75: {  	s19 =	sadd.s32 s5, s28;
	[sflag:s18] =	ssyncadd.s32 $0xFFFFC000  }
0x76: {  	[tilespmem:s9], [sflag:$0x6] =	stream.linear.gather [hbm4b:s19+s3], $0x80, $0x38;
	[tilespmem:$0x1FC80] =	vst v63  }
0x77: {  	s22 =	sadd.s32 s6, s28  }
0x78: {  	[tilespmem:s10], [sflag:$0x6] =	stream.linear.gather [hbm4b:s22+s3], $0x80, $0x38;
	[tilespmem:$0x1FC80] =	vst v63  }
0x79: {  	_ =	swait.ge [sflag:s11], $0x4000  }
0x7a: {  	[sflag:s11] =	ssyncset.done $0x0  }
0x7b: {  	[sflag:s11] =	ssyncadd.s32 $0xFFFFC000  }
0x7c: {  	[spmem:s1] =	stream.indirect.scatter.add.f32 [tilespmem:s2], [sflag:$0x7], $0x80, s29, s30, $0xb8;
	[tilespmem:$0x1FC80] =	vst v63  }
0x7d: {  	_ =	swait.ge [sflag:s12], $0x80  }
0x7e: {  	[sflag:s12] =	ssyncset.done $0x0  }
0x7f: {  	[sflag:s12] =	ssyncadd.s32 $0xFFFFFF80  }
0x80: {  	_ =	swait.ge [sflag:s12], $0x80  }
0x81: {  	[sflag:s12] =	ssyncset.done $0x0  }
0x82: {  	[sflag:s12] =	ssyncadd.s32 $0xFFFFFF80  }
0x83: {  	[tilespmem:s13], [sflag:$0x3] =	stream.indirect.gather [hbm4b:s4+s30], $0x80, s9, s30, $0xb8;
	[tilespmem:$0x1FC80] =	vst v63  }
0x84: {  	_ =	swait.ge [sflag:s14], $0x4000  }
0x85: {  	[sflag:s14] =	ssyncset.done $0x0  }
0x86: {  	s24 =	sadd.s32 s5, s26;
	[sflag:s14] =	ssyncadd.s32 $0xFFFFC000  }
0x87: {  	[tilespmem:s3], [sflag:$0x4] =	stream.linear.gather [hbm4b:s24+s3], $0x80, $0x38;
	[tilespmem:$0x1FC80] =	vst v63  }
0x88: {  	s19 =	sadd.s32 s6, s26  }
0x89: {  	[tilespmem:s29], [sflag:$0x4] =	stream.linear.gather [hbm4b:s19+s3], $0x80, $0x38;
	[tilespmem:$0x1FC80] =	vst v63  }
0x8a: {  	_ =	swait.ge [sflag:s15], $0x4000  }
0x8b: {  	[sflag:s15] =	ssyncset.done $0x0  }
0x8c: {  	[sflag:s15] =	ssyncadd.s32 $0xFFFFC000  }
0x8d: {  	[spmem:s1] =	stream.indirect.scatter.add.f32 [tilespmem:s8], [sflag:$0x8], $0x80, s31, s30, $0xb8;
	[tilespmem:$0x1FC80] =	vst v63  }
0x8e: {  	_ =	swait.ge [sflag:s0], $0x80  }
0x8f: {  	[sflag:s0] =	ssyncset.done $0x0  }
0x90: {  	[sflag:s0] =	ssyncadd.s32 $0xFFFFFF80  }
0x91: {  	_ =	swait.ge [sflag:s0], $0x80  }
0x92: {  	[sflag:s0] =	ssyncset.done $0x0  }
0x93: {  	[sflag:s0] =	ssyncadd.s32 $0xFFFFFF80  }
0x94: {  	[tilespmem:s2], [sflag:$0x1] =	stream.indirect.gather [hbm4b:s4+s30], $0x80, s3, s30, $0xb8;
	[tilespmem:$0x1FC80] =	vst v63  }
0x95: {  	_ =	swait.ge [sflag:s16], $0x4000  }
0x96: {  	[sflag:s16] =	ssyncset.done $0x0  }
0x97: {  	s22 =	sadd.s32 s5, s25;
	[sflag:s16] =	ssyncadd.s32 $0xFFFFC000  }
0x98: {  	[tilespmem:s30], [sflag:$0x5] =	stream.linear.gather [hbm4b:s22+s3], $0x80, $0x38;
	[tilespmem:$0x1FC80] =	vst v63  }
0x99: {  	s24 =	sadd.s32 s6, s25  }
0x9a: {  	[tilespmem:s31], [sflag:$0x5] =	stream.linear.gather [hbm4b:s24+s3], $0x80, $0x38;
	[tilespmem:$0x1FC80] =	vst v63  }
0x9b: {  	_ =	swait.ge [sflag:s17], $0x4000  }
0x9c: {  	s21 =	simm.s32 $0x17;
	[sflag:s17] =	ssyncset.done $0x0  }
0x9d: {  	s22 =	sadd.s32 $0x30, s6;
	s24 =	sadd.s32 $0x30, s5;
	[sflag:s17] =	ssyncadd.s32 $0xFFFFC000  }
.LBB2_2:
0x9e: {  	[spmem:s1] =	stream.indirect.scatter.add.f32 [tilespmem:s13], [sflag:$0x9], $0x80, s10, s30, $0xb8;
	[tilespmem:$0x1FC80] =	vst v63  }
0x9f: {  	p1 =	sne.s32 s21, $0x1;
	s21 =	sadd.s32 $0xFFFFFFFF, s21;
	_ =	swait.ge [sflag:s7], $0x80  }
0xa0: {  	[sflag:s7] =	ssyncset.done $0x0  }
0xa1: {  	[sflag:s7] =	ssyncadd.s32 $0xFFFFFF80  }
0xa2: {  	_ =	swait.ge [sflag:s7], $0x80  }
0xa3: {  	[sflag:s7] =	ssyncset.done $0x0  }
0xa4: {  	[sflag:s7] =	ssyncadd.s32 $0xFFFFFF80  }
0xa5: {  	[tilespmem:s8], [sflag:$0x2] =	stream.indirect.gather [hbm4b:s4+s30], $0x80, s30, s30, $0xb8;
	[tilespmem:$0x1FC80] =	vst v63  }
0xa6: {  	_ =	swait.ge [sflag:s18], $0x4000  }
0xa7: {  	[sflag:s18] =	ssyncset.done $0x0  }
0xa8: {  	s19 =	sadd.s32 s24, s28;
	[sflag:s18] =	ssyncadd.s32 $0xFFFFC000  }
0xa9: {  	[tilespmem:s9], [sflag:$0x6] =	stream.linear.gather [hbm4b:s19+s3], $0x80, $0x38;
	[tilespmem:$0x1FC80] =	vst v63  }
0xaa: {  	s19 =	sadd.s32 s22, s28  }
0xab: {  	[tilespmem:s10], [sflag:$0x6] =	stream.linear.gather [hbm4b:s19+s3], $0x80, $0x38;
	[tilespmem:$0x1FC80] =	vst v63  }
0xac: {  	_ =	swait.ge [sflag:s11], $0x4000  }
0xad: {  	[sflag:s11] =	ssyncset.done $0x0  }
0xae: {  	[sflag:s11] =	ssyncadd.s32 $0xFFFFC000  }
0xaf: {  	[spmem:s1] =	stream.indirect.scatter.add.f32 [tilespmem:s2], [sflag:$0x7], $0x80, s29, s30, $0xb8;
	[tilespmem:$0x1FC80] =	vst v63  }
0xb0: {  	_ =	swait.ge [sflag:s12], $0x80  }
0xb1: {  	[sflag:s12] =	ssyncset.done $0x0  }
0xb2: {  	[sflag:s12] =	ssyncadd.s32 $0xFFFFFF80  }
0xb3: {  	_ =	swait.ge [sflag:s12], $0x80  }
0xb4: {  	[sflag:s12] =	ssyncset.done $0x0  }
0xb5: {  	[sflag:s12] =	ssyncadd.s32 $0xFFFFFF80  }
0xb6: {  	[tilespmem:s13], [sflag:$0x3] =	stream.indirect.gather [hbm4b:s4+s30], $0x80, s9, s30, $0xb8;
	[tilespmem:$0x1FC80] =	vst v63  }
0xb7: {  	_ =	swait.ge [sflag:s14], $0x4000  }
0xb8: {  	[sflag:s14] =	ssyncset.done $0x0  }
0xb9: {  	s19 =	sadd.s32 s24, s26;
	[sflag:s14] =	ssyncadd.s32 $0xFFFFC000  }
0xba: {  	[tilespmem:s3], [sflag:$0x4] =	stream.linear.gather [hbm4b:s19+s3], $0x80, $0x38;
	[tilespmem:$0x1FC80] =	vst v63  }
0xbb: {  	s19 =	sadd.s32 s22, s26  }
0xbc: {  	[tilespmem:s29], [sflag:$0x4] =	stream.linear.gather [hbm4b:s19+s3], $0x80, $0x38;
	[tilespmem:$0x1FC80] =	vst v63  }
0xbd: {  	_ =	swait.ge [sflag:s15], $0x4000  }
0xbe: {  	[sflag:s15] =	ssyncset.done $0x0  }
0xbf: {  	[sflag:s15] =	ssyncadd.s32 $0xFFFFC000  }
0xc0: {  	[spmem:s1] =	stream.indirect.scatter.add.f32 [tilespmem:s8], [sflag:$0x8], $0x80, s31, s30, $0xb8;
	[tilespmem:$0x1FC80] =	vst v63  }
0xc1: {  	_ =	swait.ge [sflag:s0], $0x80  }
0xc2: {  	[sflag:s0] =	ssyncset.done $0x0  }
0xc3: {  	[sflag:s0] =	ssyncadd.s32 $0xFFFFFF80  }
0xc4: {  	_ =	swait.ge [sflag:s0], $0x80  }
0xc5: {  	[sflag:s0] =	ssyncset.done $0x0  }
0xc6: {  	[sflag:s0] =	ssyncadd.s32 $0xFFFFFF80  }
0xc7: {  	[tilespmem:s2], [sflag:$0x1] =	stream.indirect.gather [hbm4b:s4+s30], $0x80, s3, s30, $0xb8;
	[tilespmem:$0x1FC80] =	vst v63  }
0xc8: {  	_ =	swait.ge [sflag:s16], $0x4000  }
0xc9: {  	[sflag:s16] =	ssyncset.done $0x0  }
0xca: {  	s19 =	sadd.s32 s24, s25;
	[sflag:s16] =	ssyncadd.s32 $0xFFFFC000  }
0xcb: {  	[tilespmem:s30], [sflag:$0x5] =	stream.linear.gather [hbm4b:s19+s3], $0x80, $0x38;
	[tilespmem:$0x1FC80] =	vst v63  }
.Ltmp0:
0xcc: {  	s19 =	sadd.s32 s22, s25;
	(pc) =	sbr.rel @p1 .LBB2_2-.Ltmp0, $4  }
0xcd: {  	[tilespmem:s31], [sflag:$0x5] =	stream.linear.gather [hbm4b:s19+s3], $0x80, $0x38;
	[tilespmem:$0x1FC80] =	vst v63  }
0xce: {  	_ =	swait.ge [sflag:s17], $0x4000  }
0xcf: {  	[sflag:s17] =	ssyncset.done $0x0  }
0xd0: {  	s24 =	sadd.s32 $0x30, s24;
	s22 =	sadd.s32 $0x30, s22;
	[sflag:s17] =	ssyncadd.s32 $0xFFFFC000  }
0xd1: {  	[spmem:s1] =	stream.indirect.scatter.add.f32 [tilespmem:s13], [sflag:$0x9], $0x80, s10, s30, $0xb8;
	[tilespmem:$0x1FC80] =	vst v63  }
0xd2: {  	_ =	swait.ge [sflag:s7], $0x80  }
0xd3: {  	[sflag:s7] =	ssyncset.done $0x0  }
0xd4: {  	[sflag:s7] =	ssyncadd.s32 $0xFFFFFF80  }
0xd5: {  	_ =	swait.ge [sflag:s7], $0x80  }
0xd6: {  	[sflag:s7] =	ssyncset.done $0x0  }
0xd7: {  	[sflag:s7] =	ssyncadd.s32 $0xFFFFFF80  }
0xd8: {  	[tilespmem:s8], [sflag:$0x2] =	stream.indirect.gather [hbm4b:s4+s30], $0x80, s30, s30, $0xb8;
	[tilespmem:$0x1FC80] =	vst v63  }
0xd9: {  	_ =	swait.ge [sflag:s18], $0x4000  }
0xda: {  	[sflag:s18] =	ssyncset.done $0x0  }
0xdb: {  	s19 =	rddreg [dreg:$0xf];
	[sflag:s18] =	ssyncadd.s32 $0xFFFFC000  }
0xdc: {  	[tilespmem:s9], [sflag:$0x6] =	stream.linear.gather [hbm4b:s19+s3], $0x80, $0x38;
	[tilespmem:$0x1FC80] =	vst v63  }
0xdd: {  	s21 =	rddreg [dreg:$0x10]  }
0xde: {  	[tilespmem:s10], [sflag:$0x6] =	stream.linear.gather [hbm4b:s21+s3], $0x80, $0x38;
	[tilespmem:$0x1FC80] =	vst v63  }
0xdf: {  	_ =	swait.ge [sflag:s11], $0x4000  }
0xe0: {  	[sflag:s11] =	ssyncset.done $0x0  }
0xe1: {  	[sflag:s11] =	ssyncadd.s32 $0xFFFFC000  }
0xe2: {  	[spmem:s1] =	stream.indirect.scatter.add.f32 [tilespmem:s2], [sflag:$0x7], $0x80, s29, s30, $0xb8;
	[tilespmem:$0x1FC80] =	vst v63  }
0xe3: {  	_ =	swait.ge [sflag:s12], $0x80  }
0xe4: {  	[sflag:s12] =	ssyncset.done $0x0  }
0xe5: {  	[sflag:s12] =	ssyncadd.s32 $0xFFFFFF80  }
0xe6: {  	_ =	swait.ge [sflag:s12], $0x80  }
0xe7: {  	[sflag:s12] =	ssyncset.done $0x0  }
0xe8: {  	[sflag:s12] =	ssyncadd.s32 $0xFFFFFF80  }
0xe9: {  	[tilespmem:s13], [sflag:$0x3] =	stream.indirect.gather [hbm4b:s4+s30], $0x80, s9, s30, $0xb8;
	[tilespmem:$0x1FC80] =	vst v63  }
0xea: {  	_ =	swait.ge [sflag:s14], $0x4000  }
0xeb: {  	[sflag:s14] =	ssyncset.done $0x0  }
0xec: {  	[sflag:s14] =	ssyncadd.s32 $0xFFFFC000  }
0xed: {  	_ =	swait.ge [sflag:s15], $0x4000  }
0xee: {  	[sflag:s15] =	ssyncset.done $0x0  }
0xef: {  	[sflag:s15] =	ssyncadd.s32 $0xFFFFC000  }
0xf0: {  	[spmem:s1] =	stream.indirect.scatter.add.f32 [tilespmem:s8], [sflag:$0x8], $0x80, s31, s30, $0xb8;
	[tilespmem:$0x1FC80] =	vst v63  }
0xf1: {  	_ =	swait.ge [sflag:s16], $0x4000  }
0xf2: {  	[sflag:s16] =	ssyncset.done $0x0  }
0xf3: {  	[sflag:s16] =	ssyncadd.s32 $0xFFFFC000  }
0xf4: {  	_ =	swait.ge [sflag:s17], $0x4000  }
0xf5: {  	[sflag:s17] =	ssyncset.done $0x0  }
0xf6: {  	[sflag:s17] =	ssyncadd.s32 $0xFFFFC000  }
0xf7: {  	[spmem:s1] =	stream.indirect.scatter.add.f32 [tilespmem:s13], [sflag:$0x9], $0x80, s10, s30, $0xb8;
	[tilespmem:$0x1FC80] =	vst v63  }
0xf8: {  	_ =	swait.ge [sflag:s18], $0x4000  }
0xf9: {  	[sflag:s18] =	ssyncset.done $0x0  }
0xfa: {  	s21 =	simm.s32 $0x300;
	s22 =	rddreg [dreg:$0x11];
	[sflag:s18] =	ssyncadd.s32 $0xFFFFC000  }
0xfb: {  	[tilespmem:s21], [sflag:$0xA] =	stream.linear.gather [hbm4b:s22+s3], $0x10, $0x38;
	[tilespmem:$0x1FC80] =	vst v63  }
0xfc: {  	_ =	swait.ge [sflag:s20], $0x10  }
0xfd: {  	[sflag:s20] =	ssyncset.done $0x0  }
0xfe: {  	s22 =	simm.s32 $0x380;
	s24 =	rddreg [dreg:$0x12];
	[sflag:s20] =	ssyncadd.s32 $0xFFFFFFF0  }
0xff: {  	[tilespmem:s22], [sflag:$0xA] =	stream.linear.gather [hbm4b:s24+s3], $0x10, $0x38;
	[tilespmem:$0x1FC80] =	vst v63  }
0x100: {  	_ =	swait.ge [sflag:s20], $0x10  }
0x101: {  	[sflag:s20] =	ssyncset.done $0x0  }
0x102: {  	s24 =	simm.s32 $0x10;
	[sflag:s20] =	ssyncadd.s32 $0xFFFFFFF0  }
0x103: {  	[tilespmem:s2], [sflag:$0x1] =	stream.indirect.gather [hbm4b:s4+s24], $0x80, s21, s24, $0xb8;
	[tilespmem:$0x1FC80] =	vst v63  }
0x104: {  	_ =	swait.ge [sflag:s11], $0x800  }
0x105: {  	[sflag:s11] =	ssyncset.done $0x0  }
0x106: {  	[sflag:s11] =	ssyncadd.s32 $0xFFFFF800  }
0x107: {  	[spmem:s1] =	stream.indirect.scatter.add.f32 [tilespmem:s2], [sflag:$0xA], $0x80, s22, s24, $0xb8;
	[tilespmem:$0x1FC80] =	vst v63  }
0x108: {  	_ =	swait.ge [sflag:s20], $0x800  }
0x109: {  	[sflag:s20] =	ssyncset.done $0x0  }
0x10a: {  	[sflag:s20] =	ssyncadd.s32 $0xFFFFF800  }
0x10b: {  	[bflag:$0x0] =	sbarrier.arrive $0xFFFF  }
0x10c: {  	s19 =	rddreg [dreg:$0x13]  }
0x10d: {  	s21 =	rddreg [dreg:$0x15]  }
0x10e: {  	s22 =	rddreg [dreg:$0x16]  }
0x10f: {  	[hbm:s19], [sflag:s21] =	dma.local @!p0 [spmem:s22], $0x3E80  }
0x110: {  	s19 =	simm.s32 @!p0 $0xA  }
0x111: {  	_ =	swait.ge @!p0 [sflag:s19], $0x3E80  }
0x112: {  	s23 =	sadd.s32 $0x1, s23;
	s24 =	rddreg [dreg:$0x14]  }
0x113: {  	p1 =	sne.s32 s23, s24  }
.Ltmp1:
0x114: {  	_ = 	snop;
	(pc) =	sbr.rel @p1 .LBB2_1-.Ltmp1, $3  }
0x115: {  	_ =	sdelay $0x1  }
0x116: {  	[sflag:s19] =	ssyncset.done @!p0 $0x0  }
0x117: {  	[sflag:s19] =	ssyncadd.s32 @!p0 $0xFFFFC180  }
0x118: {  	_ =	sfence.sel $0x180000  }
0x119: {  	[bflag:$0x0] =	sbarrier.arrive $0xFFFF  }
0x11a: {  	_ =	strace $0x9000004D  }
0x11b: {  	s0 =	stileid.u32;
	[bflag:$0x2] =	sbarrier.arrive $0xFFFF  }
0x11c: {  	p0 =	sne.s32 s0, $0x0;
	s0 =	rddreg [dreg:$0x2]  }
0x11d: {  	s0 =	sadd.s32 @!p0 $0x100000, s0  }
0x11e: {  	[sflag:s0] =	ssyncadd.tile.s32 @!p0 $0x1;
	_ =	shalt  }
.Lfunc_end2:
_tile_overlayer_lowered:
.L_overlay_start_2:
0x11f: {  	(tag) =	ssettag $0x2  }
0x120: {  	s0 =	rddreg [dreg:$0x0];
	s2 =	stileid.u32  }
0x121: {  	s1 =	rddreg [dreg:$0x1];
	p0 =	sne.s32 s2, $0x0  }
0x122: {  	s3 =	rddreg [dreg:$0x2];
	[bflag:$0x3] =	sbarrier.arrive $0xFFFF;
	s2 =	simm.s32 @!p0 $0x1C0A  }
0x123: {  	[timem:s3], [sflag:s2] =	dma.local @!p0 [hbm:s0], s1  }
0x124: {  	s0 =	simm.s32 @!p0 $0xA  }
0x125: {  	_ =	swait.ge @!p0 [sflag:s0], s1  }
0x126: {  	s1 =	ssub.s32 @!p0 $0x0, s1;
	[sflag:s0] =	ssyncset.done @!p0 $0x0  }
0x127: {  	[sflag:s0] =	ssyncadd.s32 @!p0 s1  }
0x128: {  	[bflag:$0x3] =	sbarrier.arrive $0xFFFF  }
0x129: {  	_ =	shalt  }

// kernel: kernel.8.cloned.1.call-start
scs
__scs_entry_jumppad:
0x0: {  	(pc) =	sbr.rel $0x88, $3  }
0x1: {  	(tag) =	ssettag $0x0;
	lr =	simm.s32 $0x1  }
0x2: {  	[smem:$0x3F98] =	sst lr;
	_ =	strace $0xD0000000  }
0x3: {  	_ = 	snop  }
0x4: {  	_ = 	snop  }
0x5: {  	_ = 	snop  }
0x6: {  	_ = 	snop  }
0x7: {  	_ = 	snop  }
__scs_overlays_trampoline_lowered:
0x8: {  	[smem:$0x3FA7] =	sst s0  }
0x9: {  	[smem:$0x3FA8] =	sst s1  }
0xa: {  	[smem:$0x3FA9] =	sst s2  }
0xb: {  	[smem:$0x3FAA] =	sst s3  }
0xc: {  	[smem:$0x3FAB] =	sst s4  }
0xd: {  	[smem:$0x3FAC] =	sst s5  }
0xe: {  	[smem:$0x3FAD] =	sst s6  }
0xf: {  	[smem:$0x3FAE] =	sst s7  }
0x10: {  	[smem:$0x3FAF] =	sst s8  }
0x11: {  	[smem:$0x3FB0] =	sst s9;
	s0 =	simm.s32 @!p0 $0x0  }
0x12: {  	s1 =	sld [smem:$0x3F96];
	s0 =	simm.s32 @p0 $0x1  }
0x13: {  	[smem:$0x3FB1] =	sst s0;
	s0 =	simm.s32 @!p1 $0x0  }
0x14: {  	s2 =	sld [smem:$0x3F95];
	s0 =	simm.s32 @p1 $0x1  }
0x15: {  	[smem:$0x3FB2] =	sst s0;
	s0 =	simm.s32 @!p2 $0x0  }
0x16: {  	s3 =	sld [smem:$0x3FDB];
	s0 =	simm.s32 @p2 $0x1  }
0x17: {  	s4 =	simm.s32 $0x1BF5;
	[smem:$0x3FB4] =	sst s0  }
0x18: {  	s0 =	sld [smem:$0x3F97];
	_ =	swait.ge [sflag:s4], $0x0  }
0x19: {  	s7 =	sld [smem:$0x3F98]  }
0x1a: {  	s8 =	sadd.s32 $0xFFFFE003, lr  }
0x1b: {  	s9 =	sadd.s32 $0xFFFFFEF7, lr;
	s5 =	simm.s32 $0xFFFFFFFF;
	p2 =	slt.u32 s8, $0xFFFFF086  }
0x1c: {  	p1 =	slt.u32 s9, $0xF7A;
	s5 =	simm.s32 @!p2 $0x0  }
0x1d: {  	s5 =	simm.s32 @p1 $0x1;
	p0 =	seq.s32 s7, s2  }
0x1e: {  	s7 =	smul.u32 @!p0 $0xF7A, s2;
	p2 =	seq.s32 @!p0 s5, $0x0  }
0x1f: {  	s9 =	smul.u32 $0xF7A, s1;
	s8 =	simm.s32 @!p0 $0x1BF5;
	p2 =	por !p2, p0  }
0x20: {  	[sflag:s8] =	ssyncset.s32 @!p0 $0xFFFFF086;
	s6 =	sadd.s32 @!p0 s3, s7;
	s7 =	simm.s32 @!p0 $0x108  }
0x21: {  	s3 =	sadd.s32 s3, s9;
	s6 =	sadd.s32 @!p0 $0x88, s6;
	s7 =	simm.s32 @p2 $0x1082  }
0x22: {  	[simem:s7], [sflag:s8] =	dma.local @!p0 [hbm:s6], $0xF7A  }
0x23: {  	s9 =	sor.u32 $0xD0000000, s2;
	s6 =	simm.s32 $0x108;
	_ =	swait.ge @!p0 [sflag:s8], $0x0  }
0x24: {  	s3 =	sadd.s32 $0x88, s3;
	s6 =	simm.s32 @!p1 $0x1082;
	[sflag:s4] =	ssyncset.s32 $0xFFFFF086  }
0x25: {  	[simem:s6], [sflag:s4] =	dma.local [hbm:s3], $0xF7A  }
0x26: {  	[smem:$0x3F98] =	sst s1;
	(tag) =	ssettag s2;
	_ =	strace s9  }
0x27: {  	s1 =	sld [smem:$0x3FA8]  }
0x28: {  	s2 =	sld [smem:$0x3FA9]  }
0x29: {  	s4 =	sld [smem:$0x3FAB]  }
0x2a: {  	p0 =	seq.s32 s5, $0x0;
	s5 =	sld [smem:$0x3FAC]  }
0x2b: {  	s6 =	sld [smem:$0x3FAD]  }
0x2c: {  	s7 =	sld [smem:$0x3FAE]  }
0x2d: {  	s3 =	simm.s32 $0x108;
	s8 =	sld [smem:$0x3FAF]  }
0x2e: {  	s3 =	simm.s32 @!p0 $0x1082;
	s9 =	sld [smem:$0x3FB0]  }
0x2f: {  	lr =	sadd.s32 s0, s3;
	s0 =	sld [smem:$0x3FA7]  }
0x30: {  	s3 =	sld [smem:$0x3FAA]  }
0x31: {  	[smem:$0x3FB3] =	sst s10  }
0x32: {  	s10 =	sld [smem:$0x3FB1];
	_ =	sdelay $0x3  }
0x33: {  	p0 =	seq.s32 s10, $0x1;
	s10 =	sld [smem:$0x3FB3];
	_ =	sdelay $0x3  }
0x34: {  	[smem:$0x3FB3] =	sst s10  }
0x35: {  	s10 =	sld [smem:$0x3FB2];
	_ =	sdelay $0x3  }
0x36: {  	p1 =	seq.s32 s10, $0x1;
	s10 =	sld [smem:$0x3FB3];
	_ =	sdelay $0x3  }
0x37: {  	[smem:$0x3FB3] =	sst s10  }
0x38: {  	s10 =	sld [smem:$0x3FB4]  }
0x39: {  	_ = 	snop;
	(pc) =	sbr.ind lr, $3  }
0x3a: {  	_ = 	snop  }
0x3b: {  	_ = 	snop  }
0x3c: {  	p2 =	seq.s32 s10, $0x1;
	s10 =	sld [smem:$0x3FB3]  }
0x3d: {  	_ =	shalt  }
0x3e: {  	_ =	shalt  }
0x3f: {  	_ =	shalt  }
0x40: {  	_ =	shalt  }
0x41: {  	_ =	shalt  }
0x42: {  	_ =	shalt  }
0x43: {  	_ =	shalt  }
0x44: {  	_ =	shalt  }
0x45: {  	_ =	shalt  }
0x46: {  	_ =	shalt  }
0x47: {  	_ =	shalt  }
0x48: {  	_ =	shalt  }
0x49: {  	_ =	shalt  }
0x4a: {  	_ =	shalt  }
0x4b: {  	_ =	shalt  }
0x4c: {  	_ =	shalt  }
0x4d: {  	_ =	shalt  }
0x4e: {  	_ =	shalt  }
0x4f: {  	_ =	shalt  }
0x50: {  	_ =	shalt  }
0x51: {  	_ =	shalt  }
0x52: {  	_ =	shalt  }
0x53: {  	_ =	shalt  }
0x54: {  	_ =	shalt  }
0x55: {  	_ =	shalt  }
0x56: {  	_ =	shalt  }
0x57: {  	_ =	shalt  }
0x58: {  	_ =	shalt  }
0x59: {  	_ =	shalt  }
0x5a: {  	_ =	shalt  }
0x5b: {  	_ =	shalt  }
0x5c: {  	_ =	shalt  }
0x5d: {  	_ =	shalt  }
0x5e: {  	_ =	shalt  }
0x5f: {  	_ =	shalt  }
0x60: {  	_ =	shalt  }
0x61: {  	_ =	shalt  }
0x62: {  	_ =	shalt  }
0x63: {  	_ =	shalt  }
0x64: {  	_ =	shalt  }
0x65: {  	_ =	shalt  }
0x66: {  	_ =	shalt  }
0x67: {  	_ =	shalt  }
0x68: {  	_ =	shalt  }
0x69: {  	_ =	shalt  }
0x6a: {  	_ =	shalt  }
0x6b: {  	_ =	shalt  }
0x6c: {  	_ =	shalt  }
0x6d: {  	_ =	shalt  }
0x6e: {  	_ =	shalt  }
0x6f: {  	_ =	shalt  }
0x70: {  	_ =	shalt  }
0x71: {  	_ =	shalt  }
0x72: {  	_ =	shalt  }
0x73: {  	_ =	shalt  }
0x74: {  	_ =	shalt  }
0x75: {  	_ =	shalt  }
0x76: {  	_ =	shalt  }
0x77: {  	_ =	shalt  }
0x78: {  	_ =	shalt  }
0x79: {  	_ =	shalt  }
0x7a: {  	_ =	shalt  }
0x7b: {  	_ =	shalt  }
0x7c: {  	_ =	shalt  }
0x7d: {  	_ =	shalt  }
0x7e: {  	_ =	shalt  }
0x7f: {  	_ =	shalt  }
0x80: {  	_ =	shalt  }
0x81: {  	_ =	shalt  }
0x82: {  	_ =	shalt  }
0x83: {  	_ =	shalt  }
0x84: {  	_ =	shalt  }
0x85: {  	_ =	shalt  }
0x86: {  	_ =	shalt  }
0x87: {  	_ =	shalt  }
.Lfunc_end0:
.L_simem_size_0:
called_computation_lowered:
.L_overlay_start_0:
0x88: {  	s2 =	sld [smem:$0x3FD9]  }
0x89: {  	s3 =	sld [smem:$0x3FFE];
	_ =	sdelay $0x1  }
0x8a: {  	s1 =	srdreg.scid  }
0x8b: {  	s0 =	sand.u32 $0x1, s1  }
0x8c: {  	s16 =	sshll.u32 s0, $0xA;
	s2 =	sadd.s32 s3, s2  }
0x8d: {  	s2 =	sadd.s32 s2, s16  }
0x8e: {  	[smem:$0x3FBF] =	sst s2  }
0x8f: {  	_ = 	snop  }
0x90: {  	(tm) =	ssettm $0x1  }
0x91: {  	s17 =	sld [smem:$0x3FFB];
	_ =	sdelay $0x3  }
0x92: {  	_ =	strace s17  }
0x93: {  	s2 =	sld [smem:$0x3FFC];
	_ =	sdelay $0x3  }
0x94: {  	_ =	strace s2  }
0x95: {  	s2 =	sld [smem:$0x3FFD];
	_ =	sdelay $0x3  }
0x96: {  	_ =	strace s2  }
0x97: {  	_ =	strace $0x8FFFFFFF  }
0x98: {  	s18 =	sld [smem:$0x3FDB];
	_ =	sdelay $0x1  }
0x99: {  	s19 =	simm.s32 $_scs_section_size  }
0x9a: {  	s4 =	simm.s32 $_size__tile_overlayer_lowered;
	s5 =	simm.s32 $_tile_overlayer_lowered  }
0x9b: {  	s22 =	simm.s32 $0x1BFF;
	s21 =	sshll.u32 s5, $0x1;
	s2 =	sadd.s32 s19, s18  }
0x9c: {  	s6 =	simm.s32 $0x0;
	s20 =	sshll.u32 s4, $0x1;
	s4 =	sadd.s32 s21, s2  }
0x9d: {  	[timem:s6], [sflag:s22] =	dma.local [hbm:s4], s20  }
0x9e: {  	_ =	swait.ge [sflag:s22], s20  }
0x9f: {  	s3 =	ssub.s32 $0x0, s20;
	[sflag:s22] =	ssyncset.done $0x0  }
0xa0: {  	[sflag:s22] =	ssyncadd.s32 s3;
	_ =	sdelay $0x1  }
0xa1: {  	s23 =	simm.s32 $0x1B8B  }
0xa2: {  	_ =	swait.ge [sflag:s23], $0x1  }
0xa3: {  	[sflag:s23] =	ssyncset.done $0x0  }
0xa4: {  	s25 =	simm.s32 $0x1B8E;
	s24 =	sld [smem:$0x3FFE];
	[sflag:s23] =	ssyncadd.s32 $0xFFFFFFFF  }
0xa5: {  	s26 =	simm.s32 $execute0_lowered;
	[smem:$0x3FD2] =	sst s25  }
0xa6: {  	s4 =	sshll.u32 s26, $0x1;
	_ =	strace $0x80000046;
	[dreg:$0x1] =	wrdreg $0xFFFFFFFF  }
0xa7: {  	s28 =	simm.s32 $_size_execute0_lowered;
	s2 =	sadd.s32 s2, s4;
	[dreg:$0x0] =	wrdreg $0x0  }
0xa8: {  	s4 =	sshll.u32 s28, $0x1;
	[dreg:$0x2] =	wrdreg s2  }
0xa9: {  	[dreg:$0x3] =	wrdreg s4  }
0xaa: {  	[dreg:$0x4] =	wrdreg $0xC0  }
0xab: {  	_ =	task [dreg:s6], $0x5FFFF  }
0xac: {  	[dreg:$0x1] =	wrdreg $0xFFFFFFFF  }
0xad: {  	[dreg:$0x0] =	wrdreg $0x60  }
0xae: {  	[dreg:$0x2] =	wrdreg s24  }
0xaf: {  	[dreg:$0x3] =	wrdreg $0x5000  }
0xb0: {  	[dreg:$0x4] =	wrdreg $0x9  }
0xb1: {  	_ =	task.clear_ibuf [dreg:s6], $0x5FFFF;
	_ =	strace $0x90000046  }
0xb2: {  	s29 =	simm.s32 $0x9;
	_ =	strace $0x80000048  }
0xb3: {  	_ =	swait.ge [sflag:s29], $0x1  }
0xb4: {  	[sflag:s29] =	ssyncadd.s32 $0xFFFFFFFF  }
0xb5: {  	_ =	strace $0x90000048  }
0xb6: {  	_ =	sfence  }
0xb7: {  	s30 =	sld [smem:$0x0];
	_ =	sdelay $0x2  }
0xb8: {  	s31 =	sshll.u32 s1, $0xD;
	s1 =	sshrl.u32 s1, $0x2  }
0xb9: {  	s3 =	sand.u32 $0x4000, s31;
	s1 =	sadd.s32 s1, s30  }
0xba: {  	s0 =	sor.u32 s3, s0;
	s1 =	sshll.u32 s1, $0x11  }
0xbb: {  	s0 =	sor.u32 s1, s0  }
0xbc: {  	s0 =	sadd.s32 $0x8F2B, s0  }
0xbd: {  	[sflag:s0] =	ssyncadd.remote.s32 $0x1  }
0xbe: {  	_ =	sfence.sel $0xFFFF  }
0xbf: {  	[dreg:$0x0] =	wrdreg $0xFFFFFFFF;
	(pc) =	sbr.abs _section_cstart, $3  }
0xc0: {  	[dreg:$0x1] =	wrdreg $0xFFFFFFFF  }
0xc1: {  	_ =	task.clear_ibuf [dreg:s6], $0x2FFFF;
	_ =	strace $0x9FFFFFFF  }
0xc2: {  	(tm) =	ssettm $0x7FFFFFFF  }
0xc3: {  	_ =	shalt  }
tec
execute0_lowered:
.L_overlay_start_1:
0x0: {  	(tag) =	ssettag $0x1  }
0x1: {  	s0 =	rddreg [dreg:$0x0]  }
0x2: {  	s1 =	rddreg [dreg:$0x1];
	s3 =	simm.s32 $0x0;
	s2 =	srdreg.scid  }
0x3: {  	s8 =	stileid.u32;
	s17 =	simm.s32 $0x80;
	s19 =	simm.s32 $0x7  }
0x4: {  	s20 =	simm.s32 $0x100;
	s21 =	simm.s32 $0x1;
	s22 =	simm.s32 $0x200  }
0x5: {  	s23 =	simm.s32 $0x4;
	s28 =	simm.s32 $0x6;
	s29 =	simm.s32 $0x180  }
0x6: {  	s30 =	simm.s32 $0x10;
	[smem:$0x7FF] =	sst s3;
	s4 =	smul.u32 $0x500, s8  }
0x7: {  	s2 =	sand.u32 $0x1, s2;
	s5 =	sshll.u32 s8, $0x1;
	s7 =	smul.u32 $0xA00, s8  }
0x8: {  	s16 =	sadd.s32 $0xC400, s0;
	s14 =	smul.u32 $0x4E20, s8;
	s6 =	sshll.u32 s2, $0x7  }
0x9: {  	s5 =	sor.u32 s2, s5;
	s24 =	ssub.s32 $0x2, s2;
	s2 =	smul.u32 $0x2710, s2  }
0xa: {  	_ =	strace $0x80000047;
	s4 =	sor.u32 s6, s4;
	s5 =	smul.u32 $0x2710, s5  }
0xb: {  	s25 =	sshrl.u32 s24, $0x1;
	s26 =	sshrl.u32 s7, $0x2;
	s4 =	sshrl.u32 s4, $0x3  }
0xc: {  	s13 =	ssub.s32 s24, s25;
	s6 =	sadd.s32 s26, s1;
	s31 =	sadd.s32 s2, s14  }
0xd: {  	s24 =	simm.s32 $0x2;
	s25 =	simm.s32 $0x5;
	s26 =	simm.s32 $0x3  }
0xe: {  	s0 =	sadd.s32 s4, s0;
	s5 =	sshrl.u32 s5, $0x3;
	s13 =	smax.u32 s13, $0x1  }
0xf: {  	s2 =	sadd.s32 $0x380, s31;
	s14 =	sadd.s32 $0x300, s31;
	s4 =	sadd.s32 s16, s5  }
0x10: {  	s12 =	sadd.s32 $0x16200, s0;
	s0 =	sadd.s32 $0x280, s31;
	s2 =	sshrl.u32 s2, $0x3  }
0x11: {  	s15 =	sshrl.u32 s14, $0x3;
	s5 =	sadd.s32 $0x10, s4;
	s7 =	sadd.s32 $0x20, s4  }
0x12: {  	s8 =	sadd.s32 $0x30, s4;
	s9 =	sadd.s32 $0x40, s4;
	s10 =	sadd.s32 $0x4D0, s4  }
0x13: {  	s11 =	sadd.s32 $0x4E0, s4;
	s0 =	sshrl.u32 s0, $0x3;
	s14 =	sadd.s32 s2, s16  }
0x14: {  	v0 =	vimm.f32 $0.0e+00;
	v1 =	vimm.f32 $1.000000000e+00;
	s15 =	sadd.s32 s15, s16;
	s16 =	sadd.s32 s0, s16;
	s0 =	simm.s32 $0x0  }
.LBB2_1:
0x15: {  	[tilespmem:s3], [sflag:$0x1] =	stream.linear.gather [hbm4b:s4+s3], $0x80, $0x38;
	[tilespmem:$0x780] =	vst v63  }
0x16: {  	_ = 	snop  }
0x17: {  	[tilespmem:s17], [sflag:$0x2] =	stream.linear.gather [hbm4b:s5+s3], $0x80, $0x38;
	[tilespmem:$0x780] =	vst v63  }
0x18: {  	[tilespmem:$0x280] =	vst v0  }
0x19: {  	[tilespmem:$0x290] =	vst v0  }
0x1a: {  	[tilespmem:$0x2A0] =	vst v0  }
0x1b: {  	[tilespmem:$0x2B0] =	vst v0  }
0x1c: {  	[tilespmem:$0x2C0] =	vst v0  }
0x1d: {  	[tilespmem:$0x2D0] =	vst v0  }
0x1e: {  	[tilespmem:$0x2E0] =	vst v0  }
0x1f: {  	[tilespmem:$0x2F0] =	vst v0  }
0x20: {  	[tilespmem:$0x300] =	vst v0  }
0x21: {  	[tilespmem:$0x310] =	vst v0  }
0x22: {  	[tilespmem:$0x320] =	vst v0  }
0x23: {  	[tilespmem:$0x330] =	vst v0  }
0x24: {  	[tilespmem:$0x340] =	vst v0  }
0x25: {  	[tilespmem:$0x350] =	vst v0  }
0x26: {  	[tilespmem:$0x360] =	vst v0  }
0x27: {  	[tilespmem:$0x370] =	vst v0  }
0x28: {  	[tilespmem:$0x380] =	vst v0  }
0x29: {  	[tilespmem:$0x390] =	vst v0  }
0x2a: {  	[tilespmem:$0x3A0] =	vst v0  }
0x2b: {  	[tilespmem:$0x3B0] =	vst v0  }
0x2c: {  	[tilespmem:$0x3C0] =	vst v0  }
0x2d: {  	[tilespmem:$0x3D0] =	vst v0  }
0x2e: {  	[tilespmem:$0x3E0] =	vst v0  }
0x2f: {  	[tilespmem:$0x3F0] =	vst v0  }
0x30: {  	[tilespmem:$0x400] =	vst v0  }
0x31: {  	[tilespmem:$0x410] =	vst v0  }
0x32: {  	[tilespmem:$0x420] =	vst v0  }
0x33: {  	[tilespmem:$0x430] =	vst v0  }
0x34: {  	[tilespmem:$0x440] =	vst v0  }
0x35: {  	[tilespmem:$0x450] =	vst v0  }
0x36: {  	[tilespmem:$0x460] =	vst v0  }
0x37: {  	[tilespmem:$0x470] =	vst v0  }
0x38: {  	[tilespmem:$0x480] =	vst v0  }
0x39: {  	[tilespmem:$0x490] =	vst v0  }
0x3a: {  	[tilespmem:$0x4A0] =	vst v0  }
0x3b: {  	[tilespmem:$0x4B0] =	vst v0  }
0x3c: {  	[tilespmem:$0x4C0] =	vst v0  }
0x3d: {  	[tilespmem:$0x4D0] =	vst v0  }
0x3e: {  	[tilespmem:$0x4E0] =	vst v0  }
0x3f: {  	[tilespmem:$0x4F0] =	vst v0  }
0x40: {  	[tilespmem:$0x200] =	vst v1  }
0x41: {  	[tilespmem:$0x210] =	vst v1  }
0x42: {  	[tilespmem:$0x220] =	vst v1  }
0x43: {  	[tilespmem:$0x230] =	vst v1  }
0x44: {  	[tilespmem:$0x240] =	vst v1  }
0x45: {  	[tilespmem:$0x250] =	vst v1  }
0x46: {  	[tilespmem:$0x260] =	vst v1  }
0x47: {  	s2 =	simm.s32 $0x280;
	[tilespmem:$0x270] =	vst v1  }
0x48: {  	[spmem:s6] =	stream.linear.scatter [tilespmem:s2], [sflag:$0x7], $0x280, $0x38;
	[tilespmem:$0x780] =	vst v63  }
0x49: {  	_ =	swait.ge [sflag:s19], $0x280  }
0x4a: {  	[sflag:s19] =	ssyncset.done $0x0  }
0x4b: {  	[sflag:s19] =	ssyncadd.s32 $0xFFFFFD80  }
0x4c: {  	[bflag:$0x0] =	sbarrier.arrive $0xFFFF  }
0x4d: {  	[tilespmem:s20], [sflag:$0x3] =	stream.linear.gather [hbm4b:s7+s3], $0x80, $0x38;
	[tilespmem:$0x780] =	vst v63  }
0x4e: {  	_ =	swait.ge [sflag:s21], $0x80  }
0x4f: {  	[sflag:s21] =	ssyncset.done $0x0  }
0x50: {  	[sflag:s21] =	ssyncadd.s32 $0xFFFFFF80  }
0x51: {  	[spmem:s1] =	stream.indirect.scatter.add.f32 [tilespmem:s22], [sflag:$0x4], $0x1, s3, s17, $0xb8;
	[tilespmem:$0x780] =	vst v63  }
0x52: {  	_ =	swait.ge [sflag:s23], $0x80  }
0x53: {  	[sflag:s23] =	ssyncset.done $0x0  }
0x54: {  	[sflag:s23] =	ssyncadd.s32 $0xFFFFFF80  }
0x55: {  	[tilespmem:s3], [sflag:$0x1] =	stream.linear.gather [hbm4b:s8+s3], $0x80, $0x38;
	[tilespmem:$0x780] =	vst v63  }
0x56: {  	_ =	swait.ge [sflag:s24], $0x80  }
0x57: {  	[sflag:s24] =	ssyncset.done $0x0  }
0x58: {  	[sflag:s24] =	ssyncadd.s32 $0xFFFFFF80  }
0x59: {  	[spmem:s1] =	stream.indirect.scatter.add.f32 [tilespmem:s22], [sflag:$0x5], $0x1, s17, s17, $0xb8;
	[tilespmem:$0x780] =	vst v63  }
0x5a: {  	_ =	swait.ge [sflag:s25], $0x80  }
0x5b: {  	[sflag:s25] =	ssyncset.done $0x0  }
0x5c: {  	[sflag:s25] =	ssyncadd.s32 $0xFFFFFF80  }
0x5d: {  	[tilespmem:s17], [sflag:$0x2] =	stream.linear.gather [hbm4b:s9+s3], $0x80, $0x38;
	[tilespmem:$0x780] =	vst v63  }
0x5e: {  	_ =	swait.ge [sflag:s26], $0x80  }
0x5f: {  	[sflag:s26] =	ssyncset.done $0x0  }
0x60: {  	[sflag:s26] =	ssyncadd.s32 $0xFFFFFF80  }
0x61: {  	[spmem:s1] =	stream.indirect.scatter.add.f32 [tilespmem:s22], [sflag:$0x6], $0x1, s20, s17, $0xb8;
	[tilespmem:$0x780] =	vst v63  }
0x62: {  	_ =	swait.ge [sflag:s28], $0x80  }
0x63: {  	[sflag:s28] =	ssyncset.done $0x0  }
0x64: {  	s31 =	sadd.s32 $0x0, s16;
	[sflag:s28] =	ssyncadd.s32 $0xFFFFFF80  }
0x65: {  	[tilespmem:s20], [sflag:$0x3] =	stream.linear.gather [hbm4b:s31+s3], $0x80, $0x38;
	[tilespmem:$0x780] =	vst v63  }
0x66: {  	_ =	swait.ge [sflag:s21], $0x80  }
0x67: {  	[sflag:s21] =	ssyncset.done $0x0  }
0x68: {  	[sflag:s21] =	ssyncadd.s32 $0xFFFFFF80  }
0x69: {  	[spmem:s1] =	stream.indirect.scatter.add.f32 [tilespmem:s22], [sflag:$0x4], $0x1, s3, s17, $0xb8;
	[tilespmem:$0x780] =	vst v63  }
0x6a: {  	_ =	swait.ge [sflag:s23], $0x80  }
0x6b: {  	[sflag:s23] =	ssyncset.done $0x0  }
0x6c: {  	s18 =	sadd.s32 $0x0, s15;
	[sflag:s23] =	ssyncadd.s32 $0xFFFFFF80  }
0x6d: {  	[tilespmem:s3], [sflag:$0x1] =	stream.linear.gather [hbm4b:s18+s3], $0x80, $0x38;
	[tilespmem:$0x780] =	vst v63  }
0x6e: {  	_ =	swait.ge [sflag:s24], $0x80  }
0x6f: {  	[sflag:s24] =	ssyncset.done $0x0  }
0x70: {  	[sflag:s24] =	ssyncadd.s32 $0xFFFFFF80  }
0x71: {  	[spmem:s1] =	stream.indirect.scatter.add.f32 [tilespmem:s22], [sflag:$0x5], $0x1, s17, s17, $0xb8;
	[tilespmem:$0x780] =	vst v63  }
0x72: {  	_ =	swait.ge [sflag:s25], $0x80  }
0x73: {  	[sflag:s25] =	ssyncset.done $0x0  }
0x74: {  	s31 =	sadd.s32 $0x0, s14;
	[sflag:s25] =	ssyncadd.s32 $0xFFFFFF80  }
0x75: {  	[tilespmem:s17], [sflag:$0x2] =	stream.linear.gather [hbm4b:s31+s3], $0x80, $0x38;
	[tilespmem:$0x780] =	vst v63  }
0x76: {  	_ =	swait.ge [sflag:s26], $0x80  }
0x77: {  	[sflag:s26] =	ssyncset.done $0x0  }
0x78: {  	s2 =	simm.s32 $0x30;
	[sflag:s26] =	ssyncadd.s32 $0xFFFFFF80  }
.LBB2_2:
0x79: {  	[spmem:s1] =	stream.indirect.scatter.add.f32 [tilespmem:s22], [sflag:$0x6], $0x1, s20, s17, $0xb8;
	[tilespmem:$0x780] =	vst v63  }
0x7a: {  	s18 =	smov.u32 s2  }
0x7b: {  	p0 =	sne.s32 s2, $0x450;
	s2 =	sadd.s32 $0x30, s2;
	_ =	swait.ge [sflag:s28], $0x80  }
0x7c: {  	[sflag:s28] =	ssyncset.done $0x0  }
0x7d: {  	s31 =	sadd.s32 s18, s16;
	[sflag:s28] =	ssyncadd.s32 $0xFFFFFF80  }
0x7e: {  	[tilespmem:s20], [sflag:$0x3] =	stream.linear.gather [hbm4b:s31+s3], $0x80, $0x38;
	[tilespmem:$0x780] =	vst v63  }
0x7f: {  	_ =	swait.ge [sflag:s21], $0x80  }
0x80: {  	[sflag:s21] =	ssyncset.done $0x0  }
0x81: {  	[sflag:s21] =	ssyncadd.s32 $0xFFFFFF80  }
0x82: {  	[spmem:s1] =	stream.indirect.scatter.add.f32 [tilespmem:s22], [sflag:$0x4], $0x1, s3, s17, $0xb8;
	[tilespmem:$0x780] =	vst v63  }
0x83: {  	_ =	swait.ge [sflag:s23], $0x80  }
0x84: {  	[sflag:s23] =	ssyncset.done $0x0  }
0x85: {  	s31 =	sadd.s32 s18, s15;
	[sflag:s23] =	ssyncadd.s32 $0xFFFFFF80  }
0x86: {  	[tilespmem:s3], [sflag:$0x1] =	stream.linear.gather [hbm4b:s31+s3], $0x80, $0x38;
	[tilespmem:$0x780] =	vst v63  }
0x87: {  	_ =	swait.ge [sflag:s24], $0x80  }
0x88: {  	[sflag:s24] =	ssyncset.done $0x0  }
0x89: {  	[sflag:s24] =	ssyncadd.s32 $0xFFFFFF80  }
0x8a: {  	[spmem:s1] =	stream.indirect.scatter.add.f32 [tilespmem:s22], [sflag:$0x5], $0x1, s17, s17, $0xb8;
	[tilespmem:$0x780] =	vst v63  }
0x8b: {  	_ =	swait.ge [sflag:s25], $0x80  }
0x8c: {  	[sflag:s25] =	ssyncset.done $0x0  }
.Ltmp0:
0x8d: {  	s18 =	sadd.s32 s18, s14;
	[sflag:s25] =	ssyncadd.s32 $0xFFFFFF80;
	(pc) =	sbr.rel @p0 .LBB2_2-.Ltmp0, $4  }
0x8e: {  	[tilespmem:s17], [sflag:$0x2] =	stream.linear.gather [hbm4b:s18+s3], $0x80, $0x38;
	[tilespmem:$0x780] =	vst v63  }
0x8f: {  	_ =	swait.ge [sflag:s26], $0x80  }
0x90: {  	[sflag:s26] =	ssyncset.done $0x0  }
0x91: {  	[sflag:s26] =	ssyncadd.s32 $0xFFFFFF80  }
0x92: {  	[spmem:s1] =	stream.indirect.scatter.add.f32 [tilespmem:s22], [sflag:$0x6], $0x1, s20, s17, $0xb8;
	[tilespmem:$0x780] =	vst v63  }
0x93: {  	_ =	swait.ge [sflag:s28], $0x80  }
0x94: {  	[sflag:s28] =	ssyncset.done $0x0  }
0x95: {  	[sflag:s28] =	ssyncadd.s32 $0xFFFFFF80  }
0x96: {  	[tilespmem:s20], [sflag:$0x3] =	stream.linear.gather [hbm4b:s10+s3], $0x80, $0x38;
	[tilespmem:$0x780] =	vst v63  }
0x97: {  	_ =	swait.ge [sflag:s21], $0x80  }
0x98: {  	[sflag:s21] =	ssyncset.done $0x0  }
0x99: {  	[sflag:s21] =	ssyncadd.s32 $0xFFFFFF80  }
0x9a: {  	[spmem:s1] =	stream.indirect.scatter.add.f32 [tilespmem:s22], [sflag:$0x4], $0x1, s3, s17, $0xb8;
	[tilespmem:$0x780] =	vst v63  }
0x9b: {  	_ =	swait.ge [sflag:s23], $0x80  }
0x9c: {  	[sflag:s23] =	ssyncset.done $0x0  }
0x9d: {  	[sflag:s23] =	ssyncadd.s32 $0xFFFFFF80  }
0x9e: {  	_ =	swait.ge [sflag:s24], $0x80  }
0x9f: {  	[sflag:s24] =	ssyncset.done $0x0  }
0xa0: {  	[sflag:s24] =	ssyncadd.s32 $0xFFFFFF80  }
0xa1: {  	[spmem:s1] =	stream.indirect.scatter.add.f32 [tilespmem:s22], [sflag:$0x5], $0x1, s17, s17, $0xb8;
	[tilespmem:$0x780] =	vst v63  }
0xa2: {  	_ =	swait.ge [sflag:s25], $0x80  }
0xa3: {  	[sflag:s25] =	ssyncset.done $0x0  }
0xa4: {  	[sflag:s25] =	ssyncadd.s32 $0xFFFFFF80  }
0xa5: {  	_ =	swait.ge [sflag:s26], $0x80  }
0xa6: {  	[sflag:s26] =	ssyncset.done $0x0  }
0xa7: {  	[sflag:s26] =	ssyncadd.s32 $0xFFFFFF80  }
0xa8: {  	[spmem:s1] =	stream.indirect.scatter.add.f32 [tilespmem:s22], [sflag:$0x6], $0x1, s20, s17, $0xb8;
	[tilespmem:$0x780] =	vst v63  }
0xa9: {  	_ =	swait.ge [sflag:s28], $0x80  }
0xaa: {  	[sflag:s28] =	ssyncset.done $0x0  }
0xab: {  	[sflag:s28] =	ssyncadd.s32 $0xFFFFFF80  }
0xac: {  	[tilespmem:s29], [sflag:$0x7] =	stream.linear.gather [hbm4b:s11+s3], $0x10, $0x38;
	[tilespmem:$0x780] =	vst v63  }
0xad: {  	_ =	swait.ge [sflag:s19], $0x10  }
0xae: {  	[sflag:s19] =	ssyncset.done $0x0  }
0xaf: {  	[sflag:s19] =	ssyncadd.s32 $0xFFFFFFF0  }
0xb0: {  	[spmem:s1] =	stream.indirect.scatter.add.f32 [tilespmem:s22], [sflag:$0x7], $0x1, s29, s30, $0xb8;
	[tilespmem:$0x780] =	vst v63  }
0xb1: {  	s2 =	stileid.u32;
	s18 =	sshrl.u32 s6, $0x3;
	_ =	swait.ge [sflag:s19], $0x10  }
0xb2: {  	s31 =	simm.s32 $0x20;
	s0 =	sadd.s32 $0x1, s0;
	[sflag:s19] =	ssyncset.done $0x0  }
0xb3: {  	s2 =	sshll.u32 s2, $0x6;
	p0 =	sne.s32 s0, s13;
	[sflag:s19] =	ssyncadd.s32 $0xFFFFFFF0  }
.Ltmp1:
0xb4: {  	s2 =	sor.u32 $0x1C07, s2;
	[bflag:$0x0] =	sbarrier.arrive $0xFFFF;
	(pc) =	sbr.rel @p0 .LBB2_1-.Ltmp1, $4  }
0xb5: {  	[hbm:s12@s31], [sflag:s2] =	dma.strided [spmem:s18@s30], $0x50, s21, $0x10   }
0xb6: {  	_ =	swait.ge [sflag:s19], $0x50  }
0xb7: {  	[sflag:s19] =	ssyncset.done $0x0  }
0xb8: {  	[sflag:s19] =	ssyncadd.s32 $0xFFFFFFB0  }
0xb9: {  	_ =	sfence.sel $0x180000  }
0xba: {  	[bflag:$0x0] =	sbarrier.arrive $0xFFFF  }
0xbb: {  	_ =	strace $0x90000047  }
0xbc: {  	s0 =	stileid.u32;
	[bflag:$0x2] =	sbarrier.arrive $0xFFFF  }
0xbd: {  	p0 =	sne.s32 s0, $0x0;
	s0 =	rddreg [dreg:$0x2]  }
0xbe: {  	s0 =	sadd.s32 @!p0 $0x100000, s0  }
0xbf: {  	[sflag:s0] =	ssyncadd.tile.s32 @!p0 $0x1;
	_ =	shalt  }
.Lfunc_end2:
_tile_overlayer_lowered:
.L_overlay_start_2:
0xc0: {  	(tag) =	ssettag $0x2  }
0xc1: {  	s0 =	rddreg [dreg:$0x0];
	s2 =	stileid.u32  }
0xc2: {  	s1 =	rddreg [dreg:$0x1];
	p0 =	sne.s32 s2, $0x0  }
0xc3: {  	s3 =	rddreg [dreg:$0x2];
	[bflag:$0x3] =	sbarrier.arrive $0xFFFF;
	s2 =	simm.s32 @!p0 $0x1C07  }
0xc4: {  	[timem:s3], [sflag:s2] =	dma.local @!p0 [hbm:s0], s1  }
0xc5: {  	s0 =	simm.s32 @!p0 $0x7  }
0xc6: {  	_ =	swait.ge @!p0 [sflag:s0], s1  }
0xc7: {  	s1 =	ssub.s32 @!p0 $0x0, s1;
	[sflag:s0] =	ssyncset.done @!p0 $0x0  }
0xc8: {  	[sflag:s0] =	ssyncadd.s32 @!p0 s1  }
0xc9: {  	[bflag:$0x3] =	sbarrier.arrive $0xFFFF  }
0xca: {  	_ =	shalt  }

</sc_bundles>
